<compile_context>
chip_gen: v7x
topology: tpu7x:2x2x1
jax: 0.10.2.dev20260603
libtpu: 0.0.44.dev20260713+nightly
codegen_flags: <defaults>
</compile_context>

<pallas_src>
import dataclasses
import functools

import jax
import jax.numpy as jnp
from jax import lax
from jax.experimental import pallas as pl
from jax.experimental.pallas import tpu as pltpu
from jax.experimental.pallas import tpu_sc as plsc

_BATCH = 16384
_D = 64
_DP = 128
_NC = 2
_NS = 16
_LANES = 16
_NW = _NC * _NS
_BPW = _BATCH // _NW
_CHUNK = 128
_NCHUNK = _BPW // _CHUNK


def _dmf_body(uid_hbm, iid_hbm, ut_hbm, it_hbm, out_hbm,
              uidx, iidx, urows, irows, outv, sem0, sem1):
    wid = lax.axis_index("s") * _NC + lax.axis_index("c")
    base = wid * _BPW
    sems = (sem0, sem1)

    for j in range(_NCHUNK):
        pltpu.sync_copy(uid_hbm.at[pl.ds(base + j * _CHUNK, _CHUNK)], uidx.at[j])
        pltpu.sync_copy(iid_hbm.at[pl.ds(base + j * _CHUNK, _CHUNK)], iidx.at[j])

    lane = lax.iota(jnp.int32, _LANES)

    def fire(j):
        s = j % 2
        return (
            pltpu.async_copy(ut_hbm.at[uidx.at[j]], urows.at[s], sems[s]),
            pltpu.async_copy(it_hbm.at[iidx.at[j]], irows.at[s], sems[s]),
        )

    pending = {0: fire(0)}
    for j in range(_NCHUNK):
        if j + 1 < _NCHUNK:
            pending[j + 1] = fire(j + 1)
        for c in pending.pop(j):
            c.wait()
        s = j % 2
        u2d, i2d = urows.at[s], irows.at[s]

        for g in range(_CHUNK // _LANES):
            row = g * _LANES + lane

            def body(d, acc):
                col = lane * 0 + d
                u = plsc.load_gather(u2d, [row, col])
                v = plsc.load_gather(i2d, [row, col])
                return acc + u * v

            acc = lax.fori_loop(0, _D, body, jnp.zeros((_LANES,), jnp.float32))
            outv[pl.ds(j * _CHUNK + g * _LANES, _LANES)] = acc

    pltpu.sync_copy(outv, out_hbm.at[pl.ds(base, _BPW)])


def _compiler_params():
    cp = pltpu.CompilerParams(disable_bounds_checks=True)
    if "needs_layout_passes" in pltpu.CompilerParams.__dataclass_fields__:
        cp = dataclasses.replace(cp, needs_layout_passes=False)
    return cp


@jax.jit
def _dmf(user_ids, item_ids, user_table, item_table):
    k = pl.kernel(
        _dmf_body,
        out_type=jax.ShapeDtypeStruct((_BATCH,), jnp.float32),
        mesh=plsc.VectorSubcoreMesh(core_axis_name="c", subcore_axis_name="s"),
        compiler_params=_compiler_params(),
        scratch_types=[
            pltpu.VMEM((_NCHUNK, _CHUNK), jnp.int32),
            pltpu.VMEM((_NCHUNK, _CHUNK), jnp.int32),
            pltpu.VMEM((2, _CHUNK, _DP), jnp.float32),
            pltpu.VMEM((2, _CHUNK, _DP), jnp.float32),
            pltpu.VMEM((_BPW,), jnp.float32),
            pltpu.SemaphoreType.DMA,
            pltpu.SemaphoreType.DMA,
        ],
    )
    ut_p = _pad128(user_table, 8000)
    it_p = _pad128(item_table, 4000)
    return k(user_ids, item_ids, ut_p, it_p)


def _pad_body(x_ref, o_ref):
    o_ref[...] = jnp.concatenate(
        [x_ref[...], jnp.zeros_like(x_ref[...])], axis=1)


def _pad128(table, blk):
    n = table.shape[0]
    return pl.pallas_call(
        _pad_body,
        grid=(n // blk,),
        in_specs=[pl.BlockSpec((blk, _D), lambda i: (i, 0))],
        out_specs=pl.BlockSpec((blk, _DP), lambda i: (i, 0)),
        out_shape=jax.ShapeDtypeStruct((n, _DP), jnp.float32),
    )(table)


def kernel(user_ids, item_ids, user_table, item_table):
    return _dmf(user_ids, item_ids, user_table, item_table)

# --- scband reference (transcript-rebuilt; emitter-appended) ---
"""Pipeline reference for scband-deep-matrix-factorization-66786741453038 (READ-ONLY COPY).

The authoritative reference and input builder live on the scoring server;
editing this copy changes nothing except your own understanding.
"""

import jax, jax.numpy as jnp
import numpy as np

NUM_USERS = 1000000
NUM_ITEMS = 100000
EMBED_DIM = 64
BATCH = 16384

def setup_inputs(seed: int = 0) -> dict:
    key = jax.random.key(seed)
    k1, k2, k3, k4 = jax.random.split(key, 4)
    user_ids = jax.random.randint(k1, (BATCH,), 0, NUM_USERS, dtype=jnp.int64 if jax.config.jax_enable_x64 else jnp.int32)
    item_ids = jax.random.randint(k2, (BATCH,), 0, NUM_ITEMS, dtype=jnp.int64 if jax.config.jax_enable_x64 else jnp.int32)
    user_table = jax.random.normal(k3, (NUM_USERS, EMBED_DIM), dtype=jnp.float32) * 0.02
    item_table = jax.random.normal(k4, (NUM_ITEMS, EMBED_DIM), dtype=jnp.float32) * 0.02
    return {"user_ids": user_ids, "item_ids": item_ids, "user_table": user_table, "item_table": item_table}

def reference(user_ids, item_ids, user_table, item_table):
    # user_vec = self.user_embedding(user_ids)
    user_vec = jnp.take(user_table, user_ids, axis=0)
    # item_vec = self.item_embedding(item_ids)
    item_vec = jnp.take(item_table, item_ids, axis=0)
    # (user_vec * item_vec).sum(dim=-1)
    return jnp.sum(user_vec * item_vec, axis=-1)

if __name__ == "__main__":
    import jax
    _d = setup_inputs()
    print(jax.jit(kernel)(*tuple(_d.values())))

</pallas_src>

<mosaic_0001>
#map = affine_map<(d0, d1) -> (0)>
#map1 = affine_map<(d0, d1) -> (0, 0)>
module attributes {stable_mosaic.version = 14 : i64} {
  func.func @_dmf_body(%arg0: i32, %arg1: i32, %arg2: memref<16384xi32, #tpu.memory_space<hbm>>, %arg3: memref<16384xi32, #tpu.memory_space<hbm>>, %arg4: memref<1000000x128xf32, #tpu.memory_space<hbm>>, %arg5: memref<100000x128xf32, #tpu.memory_space<hbm>>, %arg6: memref<16384xf32, #tpu.memory_space<hbm>>, %arg7: memref<4x128xi32, #tpu.memory_space<vmem>>, %arg8: memref<4x128xi32, #tpu.memory_space<vmem>>, %arg9: memref<2x128x128xf32, #tpu.memory_space<vmem>>, %arg10: memref<2x128x128xf32, #tpu.memory_space<vmem>>, %arg11: memref<512xf32, #tpu.memory_space<vmem>>, %arg12: memref<!tpu.dma_semaphore, #tpu.memory_space<semaphore_mem>>, %arg13: memref<!tpu.dma_semaphore, #tpu.memory_space<semaphore_mem>>) attributes {dimension_semantics = [#tpu.dimension_semantics<core_parallel>, #tpu.dimension_semantics<subcore_parallel>], iteration_bounds = array<i64: 2, 16>, scalar_prefetch = 0 : i64, scratch_operands = 7 : i64, tpu.core_type = #tpu.core_type<sc_vector_subcore>, window_params = [{transform_indices = #map}, {transform_indices = #map}, {transform_indices = #map1}, {transform_indices = #map1}, {transform_indices = #map}]} {
    %mul3A = arith.constant 2 : i32
    %mul3A_0 = arith.muli %arg1, %mul3A : i32
    %add3A = arith.addi %mul3A_0, %arg0 : i32
    %mul3A_1 = arith.constant 512 : i32
    %mul3A_2 = arith.muli %add3A, %mul3A_1 : i32
    %add3A_3 = arith.constant 0 : i32
    %add3A_4 = arith.addi %mul3A_2, %add3A_3 : i32
    %run_scoped3A = arith.constant 0 : i32
    "tpu.region"() ({
      %run_scoped3A_693 = tpu.sem_alloc : memref<!tpu.dma_semaphore, #tpu.memory_space<semaphore_mem>>
      %dma_start3A_694 = arith.constant 0 : i32
      %dma_start3A_695 = tpu.memref_slice %arg7[%run_scoped3A, %dma_start3A_694] : memref<4x128xi32, #tpu.memory_space<vmem>> -> memref<1x128xi32, #tpu.memory_space<vmem>>
      %dma_start3A_696 = tpu.memref_squeeze %dma_start3A_695 : memref<1x128xi32, #tpu.memory_space<vmem>> -> memref<128xi32, #tpu.memory_space<vmem>>
      %dma_start3A_697 = tpu.memref_slice %arg2[%add3A_4] : memref<16384xi32, #tpu.memory_space<hbm>> -> memref<128xi32, #tpu.memory_space<hbm>>
      %dma_start3A_698 = arith.constant 0 : i32
      %dma_start3A_699 = tpu.memref_slice %arg7[%run_scoped3A, %dma_start3A_698] : memref<4x128xi32, #tpu.memory_space<vmem>> -> memref<1x128xi32, #tpu.memory_space<vmem>>
      %dma_start3A_700 = tpu.memref_squeeze %dma_start3A_699 : memref<1x128xi32, #tpu.memory_space<vmem>> -> memref<128xi32, #tpu.memory_space<vmem>>
      %dma_start3A_701 = tpu.memref_slice %arg2[%add3A_4] : memref<16384xi32, #tpu.memory_space<hbm>> -> memref<128xi32, #tpu.memory_space<hbm>>
      tpu.enqueue_dma source(%dma_start3A_701 : memref<128xi32, #tpu.memory_space<hbm>>) target(%dma_start3A_700 : memref<128xi32, #tpu.memory_space<vmem>>) target_semaphore(%run_scoped3A_693 : memref<!tpu.dma_semaphore, #tpu.memory_space<semaphore_mem>>)
      %dma_wait3A_702 = arith.constant 0 : i32
      %dma_wait3A_703 = tpu.memref_slice %arg7[%run_scoped3A, %dma_wait3A_702] : memref<4x128xi32, #tpu.memory_space<vmem>> -> memref<1x128xi32, #tpu.memory_space<vmem>>
      %dma_wait3A_704 = tpu.memref_squeeze %dma_wait3A_703 : memref<1x128xi32, #tpu.memory_space<vmem>> -> memref<128xi32, #tpu.memory_space<vmem>>
      %dma_wait3A_705 = tpu.memref_slice %arg2[%add3A_4] : memref<16384xi32, #tpu.memory_space<hbm>> -> memref<128xi32, #tpu.memory_space<hbm>>
      %dma_wait3A_706 = arith.constant 0 : i32
      %dma_wait3A_707 = tpu.memref_slice %arg7[%run_scoped3A, %dma_wait3A_706] : memref<4x128xi32, #tpu.memory_space<vmem>> -> memref<1x128xi32, #tpu.memory_space<vmem>>
      %dma_wait3A_708 = tpu.memref_squeeze %dma_wait3A_707 : memref<1x128xi32, #tpu.memory_space<vmem>> -> memref<128xi32, #tpu.memory_space<vmem>>
      %dma_wait3A_709 = tpu.memref_slice %arg2[%add3A_4] : memref<16384xi32, #tpu.memory_space<hbm>> -> memref<128xi32, #tpu.memory_space<hbm>>
      tpu.wait_dma2 semaphore(%run_scoped3A_693 : memref<!tpu.dma_semaphore, #tpu.memory_space<semaphore_mem>>) src(%dma_wait3A_709 : memref<128xi32, #tpu.memory_space<hbm>>) dst(%dma_wait3A_708 : memref<128xi32, #tpu.memory_space<vmem>>)
      tpu.yield
    }) : () -> ()
    %add3A_5 = arith.constant 0 : i32
    %add3A_6 = arith.addi %mul3A_2, %add3A_5 : i32
    %run_scoped3A_7 = arith.constant 0 : i32
    "tpu.region"() ({
      %run_scoped3A_693 = tpu.sem_alloc : memref<!tpu.dma_semaphore, #tpu.memory_space<semaphore_mem>>
      %dma_start3A_694 = arith.constant 0 : i32
      %dma_start3A_695 = tpu.memref_slice %arg8[%run_scoped3A_7, %dma_start3A_694] : memref<4x128xi32, #tpu.memory_space<vmem>> -> memref<1x128xi32, #tpu.memory_space<vmem>>
      %dma_start3A_696 = tpu.memref_squeeze %dma_start3A_695 : memref<1x128xi32, #tpu.memory_space<vmem>> -> memref<128xi32, #tpu.memory_space<vmem>>
      %dma_start3A_697 = tpu.memref_slice %arg3[%add3A_6] : memref<16384xi32, #tpu.memory_space<hbm>> -> memref<128xi32, #tpu.memory_space<hbm>>
      %dma_start3A_698 = arith.constant 0 : i32
      %dma_start3A_699 = tpu.memref_slice %arg8[%run_scoped3A_7, %dma_start3A_698] : memref<4x128xi32, #tpu.memory_space<vmem>> -> memref<1x128xi32, #tpu.memory_space<vmem>>
      %dma_start3A_700 = tpu.memref_squeeze %dma_start3A_699 : memref<1x128xi32, #tpu.memory_space<vmem>> -> memref<128xi32, #tpu.memory_space<vmem>>
      %dma_start3A_701 = tpu.memref_slice %arg3[%add3A_6] : memref<16384xi32, #tpu.memory_space<hbm>> -> memref<128xi32, #tpu.memory_space<hbm>>
      tpu.enqueue_dma source(%dma_start3A_701 : memref<128xi32, #tpu.memory_space<hbm>>) target(%dma_start3A_700 : memref<128xi32, #tpu.memory_space<vmem>>) target_semaphore(%run_scoped3A_693 : memref<!tpu.dma_semaphore, #tpu.memory_space<semaphore_mem>>)
      %dma_wait3A_702 = arith.constant 0 : i32
      %dma_wait3A_703 = tpu.memref_slice %arg8[%run_scoped3A_7, %dma_wait3A_702] : memref<4x128xi32, #tpu.memory_space<vmem>> -> memref<1x128xi32, #tpu.memory_space<vmem>>
      %dma_wait3A_704 = tpu.memref_squeeze %dma_wait3A_703 : memref<1x128xi32, #tpu.memory_space<vmem>> -> memref<128xi32, #tpu.memory_space<vmem>>
      %dma_wait3A_705 = tpu.memref_slice %arg3[%add3A_6] : memref<16384xi32, #tpu.memory_space<hbm>> -> memref<128xi32, #tpu.memory_space<hbm>>
      %dma_wait3A_706 = arith.constant 0 : i32
      %dma_wait3A_707 = tpu.memref_slice %arg8[%run_scoped3A_7, %dma_wait3A_706] : memref<4x128xi32, #tpu.memory_space<vmem>> -> memref<1x128xi32, #tpu.memory_space<vmem>>
      %dma_wait3A_708 = tpu.memref_squeeze %dma_wait3A_707 : memref<1x128xi32, #tpu.memory_space<vmem>> -> memref<128xi32, #tpu.memory_space<vmem>>
      %dma_wait3A_709 = tpu.memref_slice %arg3[%add3A_6] : memref<16384xi32, #tpu.memory_space<hbm>> -> memref<128xi32, #tpu.memory_space<hbm>>
      tpu.wait_dma2 semaphore(%run_scoped3A_693 : memref<!tpu.dma_semaphore, #tpu.memory_space<semaphore_mem>>) src(%dma_wait3A_709 : memref<128xi32, #tpu.memory_space<hbm>>) dst(%dma_wait3A_708 : memref<128xi32, #tpu.memory_space<vmem>>)
      tpu.yield
    }) : () -> ()
    %add3A_8 = arith.constant 128 : i32
    %add3A_9 = arith.addi %mul3A_2, %add3A_8 : i32
    %run_scoped3A_10 = arith.constant 1 : i32
    "tpu.region"() ({
      %run_scoped3A_693 = tpu.sem_alloc : memref<!tpu.dma_semaphore, #tpu.memory_space<semaphore_mem>>
      %dma_start3A_694 = arith.constant 0 : i32
      %dma_start3A_695 = tpu.memref_slice %arg7[%run_scoped3A_10, %dma_start3A_694] : memref<4x128xi32, #tpu.memory_space<vmem>> -> memref<1x128xi32, #tpu.memory_space<vmem>>
      %dma_start3A_696 = tpu.memref_squeeze %dma_start3A_695 : memref<1x128xi32, #tpu.memory_space<vmem>> -> memref<128xi32, #tpu.memory_space<vmem>>
      %dma_start3A_697 = tpu.memref_slice %arg2[%add3A_9] : memref<16384xi32, #tpu.memory_space<hbm>> -> memref<128xi32, #tpu.memory_space<hbm>>
      %dma_start3A_698 = arith.constant 0 : i32
      %dma_start3A_699 = tpu.memref_slice %arg7[%run_scoped3A_10, %dma_start3A_698] : memref<4x128xi32, #tpu.memory_space<vmem>> -> memref<1x128xi32, #tpu.memory_space<vmem>>
      %dma_start3A_700 = tpu.memref_squeeze %dma_start3A_699 : memref<1x128xi32, #tpu.memory_space<vmem>> -> memref<128xi32, #tpu.memory_space<vmem>>
      %dma_start3A_701 = tpu.memref_slice %arg2[%add3A_9] : memref<16384xi32, #tpu.memory_space<hbm>> -> memref<128xi32, #tpu.memory_space<hbm>>
      tpu.enqueue_dma source(%dma_start3A_701 : memref<128xi32, #tpu.memory_space<hbm>>) target(%dma_start3A_700 : memref<128xi32, #tpu.memory_space<vmem>>) target_semaphore(%run_scoped3A_693 : memref<!tpu.dma_semaphore, #tpu.memory_space<semaphore_mem>>)
      %dma_wait3A_702 = arith.constant 0 : i32
      %dma_wait3A_703 = tpu.memref_slice %arg7[%run_scoped3A_10, %dma_wait3A_702] : memref<4x128xi32, #tpu.memory_space<vmem>> -> memref<1x128xi32, #tpu.memory_space<vmem>>
      %dma_wait3A_704 = tpu.memref_squeeze %dma_wait3A_703 : memref<1x128xi32, #tpu.memory_space<vmem>> -> memref<128xi32, #tpu.memory_space<vmem>>
      %dma_wait3A_705 = tpu.memref_slice %arg2[%add3A_9] : memref<16384xi32, #tpu.memory_space<hbm>> -> memref<128xi32, #tpu.memory_space<hbm>>
      %dma_wait3A_706 = arith.constant 0 : i32
      %dma_wait3A_707 = tpu.memref_slice %arg7[%run_scoped3A_10, %dma_wait3A_706] : memref<4x128xi32, #tpu.memory_space<vmem>> -> memref<1x128xi32, #tpu.memory_space<vmem>>
      %dma_wait3A_708 = tpu.memref_squeeze %dma_wait3A_707 : memref<1x128xi32, #tpu.memory_space<vmem>> -> memref<128xi32, #tpu.memory_space<vmem>>
      %dma_wait3A_709 = tpu.memref_slice %arg2[%add3A_9] : memref<16384xi32, #tpu.memory_space<hbm>> -> memref<128xi32, #tpu.memory_space<hbm>>
      tpu.wait_dma2 semaphore(%run_scoped3A_693 : memref<!tpu.dma_semaphore, #tpu.memory_space<semaphore_mem>>) src(%dma_wait3A_709 : memref<128xi32, #tpu.memory_space<hbm>>) dst(%dma_wait3A_708 : memref<128xi32, #tpu.memory_space<vmem>>)
      tpu.yield
    }) : () -> ()
    %add3A_11 = arith.constant 128 : i32
    %add3A_12 = arith.addi %mul3A_2, %add3A_11 : i32
    %run_scoped3A_13 = arith.constant 1 : i32
    "tpu.region"() ({
      %run_scoped3A_693 = tpu.sem_alloc : memref<!tpu.dma_semaphore, #tpu.memory_space<semaphore_mem>>
      %dma_start3A_694 = arith.constant 0 : i32
      %dma_start3A_695 = tpu.memref_slice %arg8[%run_scoped3A_13, %dma_start3A_694] : memref<4x128xi32, #tpu.memory_space<vmem>> -> memref<1x128xi32, #tpu.memory_space<vmem>>
      %dma_start3A_696 = tpu.memref_squeeze %dma_start3A_695 : memref<1x128xi32, #tpu.memory_space<vmem>> -> memref<128xi32, #tpu.memory_space<vmem>>
      %dma_start3A_697 = tpu.memref_slice %arg3[%add3A_12] : memref<16384xi32, #tpu.memory_space<hbm>> -> memref<128xi32, #tpu.memory_space<hbm>>
      %dma_start3A_698 = arith.constant 0 : i32
      %dma_start3A_699 = tpu.memref_slice %arg8[%run_scoped3A_13, %dma_start3A_698] : memref<4x128xi32, #tpu.memory_space<vmem>> -> memref<1x128xi32, #tpu.memory_space<vmem>>
      %dma_start3A_700 = tpu.memref_squeeze %dma_start3A_699 : memref<1x128xi32, #tpu.memory_space<vmem>> -> memref<128xi32, #tpu.memory_space<vmem>>
      %dma_start3A_701 = tpu.memref_slice %arg3[%add3A_12] : memref<16384xi32, #tpu.memory_space<hbm>> -> memref<128xi32, #tpu.memory_space<hbm>>
      tpu.enqueue_dma source(%dma_start3A_701 : memref<128xi32, #tpu.memory_space<hbm>>) target(%dma_start3A_700 : memref<128xi32, #tpu.memory_space<vmem>>) target_semaphore(%run_scoped3A_693 : memref<!tpu.dma_semaphore, #tpu.memory_space<semaphore_mem>>)
      %dma_wait3A_702 = arith.constant 0 : i32
      %dma_wait3A_703 = tpu.memref_slice %arg8[%run_scoped3A_13, %dma_wait3A_702] : memref<4x128xi32, #tpu.memory_space<vmem>> -> memref<1x128xi32, #tpu.memory_space<vmem>>
      %dma_wait3A_704 = tpu.memref_squeeze %dma_wait3A_703 : memref<1x128xi32, #tpu.memory_space<vmem>> -> memref<128xi32, #tpu.memory_space<vmem>>
      %dma_wait3A_705 = tpu.memref_slice %arg3[%add3A_12] : memref<16384xi32, #tpu.memory_space<hbm>> -> memref<128xi32, #tpu.memory_space<hbm>>
      %dma_wait3A_706 = arith.constant 0 : i32
      %dma_wait3A_707 = tpu.memref_slice %arg8[%run_scoped3A_13, %dma_wait3A_706] : memref<4x128xi32, #tpu.memory_space<vmem>> -> memref<1x128xi32, #tpu.memory_space<vmem>>
      %dma_wait3A_708 = tpu.memref_squeeze %dma_wait3A_707 : memref<1x128xi32, #tpu.memory_space<vmem>> -> memref<128xi32, #tpu.memory_space<vmem>>
      %dma_wait3A_709 = tpu.memref_slice %arg3[%add3A_12] : memref<16384xi32, #tpu.memory_space<hbm>> -> memref<128xi32, #tpu.memory_space<hbm>>
      tpu.wait_dma2 semaphore(%run_scoped3A_693 : memref<!tpu.dma_semaphore, #tpu.memory_space<semaphore_mem>>) src(%dma_wait3A_709 : memref<128xi32, #tpu.memory_space<hbm>>) dst(%dma_wait3A_708 : memref<128xi32, #tpu.memory_space<vmem>>)
      tpu.yield
    }) : () -> ()
    %add3A_14 = arith.constant 256 : i32
    %add3A_15 = arith.addi %mul3A_2, %add3A_14 : i32
    %run_scoped3A_16 = arith.constant 2 : i32
    "tpu.region"() ({
      %run_scoped3A_693 = tpu.sem_alloc : memref<!tpu.dma_semaphore, #tpu.memory_space<semaphore_mem>>
      %dma_start3A_694 = arith.constant 0 : i32
      %dma_start3A_695 = tpu.memref_slice %arg7[%run_scoped3A_16, %dma_start3A_694] : memref<4x128xi32, #tpu.memory_space<vmem>> -> memref<1x128xi32, #tpu.memory_space<vmem>>
      %dma_start3A_696 = tpu.memref_squeeze %dma_start3A_695 : memref<1x128xi32, #tpu.memory_space<vmem>> -> memref<128xi32, #tpu.memory_space<vmem>>
      %dma_start3A_697 = tpu.memref_slice %arg2[%add3A_15] : memref<16384xi32, #tpu.memory_space<hbm>> -> memref<128xi32, #tpu.memory_space<hbm>>
      %dma_start3A_698 = arith.constant 0 : i32
      %dma_start3A_699 = tpu.memref_slice %arg7[%run_scoped3A_16, %dma_start3A_698] : memref<4x128xi32, #tpu.memory_space<vmem>> -> memref<1x128xi32, #tpu.memory_space<vmem>>
      %dma_start3A_700 = tpu.memref_squeeze %dma_start3A_699 : memref<1x128xi32, #tpu.memory_space<vmem>> -> memref<128xi32, #tpu.memory_space<vmem>>
      %dma_start3A_701 = tpu.memref_slice %arg2[%add3A_15] : memref<16384xi32, #tpu.memory_space<hbm>> -> memref<128xi32, #tpu.memory_space<hbm>>
      tpu.enqueue_dma source(%dma_start3A_701 : memref<128xi32, #tpu.memory_space<hbm>>) target(%dma_start3A_700 : memref<128xi32, #tpu.memory_space<vmem>>) target_semaphore(%run_scoped3A_693 : memref<!tpu.dma_semaphore, #tpu.memory_space<semaphore_mem>>)
      %dma_wait3A_702 = arith.constant 0 : i32
      %dma_wait3A_703 = tpu.memref_slice %arg7[%run_scoped3A_16, %dma_wait3A_702] : memref<4x128xi32, #tpu.memory_space<vmem>> -> memref<1x128xi32, #tpu.memory_space<vmem>>
      %dma_wait3A_704 = tpu.memref_squeeze %dma_wait3A_703 : memref<1x128xi32, #tpu.memory_space<vmem>> -> memref<128xi32, #tpu.memory_space<vmem>>
      %dma_wait3A_705 = tpu.memref_slice %arg2[%add3A_15] : memref<16384xi32, #tpu.memory_space<hbm>> -> memref<128xi32, #tpu.memory_space<hbm>>
      %dma_wait3A_706 = arith.constant 0 : i32
      %dma_wait3A_707 = tpu.memref_slice %arg7[%run_scoped3A_16, %dma_wait3A_706] : memref<4x128xi32, #tpu.memory_space<vmem>> -> memref<1x128xi32, #tpu.memory_space<vmem>>
      %dma_wait3A_708 = tpu.memref_squeeze %dma_wait3A_707 : memref<1x128xi32, #tpu.memory_space<vmem>> -> memref<128xi32, #tpu.memory_space<vmem>>
      %dma_wait3A_709 = tpu.memref_slice %arg2[%add3A_15] : memref<16384xi32, #tpu.memory_space<hbm>> -> memref<128xi32, #tpu.memory_space<hbm>>
      tpu.wait_dma2 semaphore(%run_scoped3A_693 : memref<!tpu.dma_semaphore, #tpu.memory_space<semaphore_mem>>) src(%dma_wait3A_709 : memref<128xi32, #tpu.memory_space<hbm>>) dst(%dma_wait3A_708 : memref<128xi32, #tpu.memory_space<vmem>>)
      tpu.yield
    }) : () -> ()
    %add3A_17 = arith.constant 256 : i32
    %add3A_18 = arith.addi %mul3A_2, %add3A_17 : i32
    %run_scoped3A_19 = arith.constant 2 : i32
    "tpu.region"() ({
      %run_scoped3A_693 = tpu.sem_alloc : memref<!tpu.dma_semaphore, #tpu.memory_space<semaphore_mem>>
      %dma_start3A_694 = arith.constant 0 : i32
      %dma_start3A_695 = tpu.memref_slice %arg8[%run_scoped3A_19, %dma_start3A_694] : memref<4x128xi32, #tpu.memory_space<vmem>> -> memref<1x128xi32, #tpu.memory_space<vmem>>
      %dma_start3A_696 = tpu.memref_squeeze %dma_start3A_695 : memref<1x128xi32, #tpu.memory_space<vmem>> -> memref<128xi32, #tpu.memory_space<vmem>>
      %dma_start3A_697 = tpu.memref_slice %arg3[%add3A_18] : memref<16384xi32, #tpu.memory_space<hbm>> -> memref<128xi32, #tpu.memory_space<hbm>>
      %dma_start3A_698 = arith.constant 0 : i32
      %dma_start3A_699 = tpu.memref_slice %arg8[%run_scoped3A_19, %dma_start3A_698] : memref<4x128xi32, #tpu.memory_space<vmem>> -> memref<1x128xi32, #tpu.memory_space<vmem>>
      %dma_start3A_700 = tpu.memref_squeeze %dma_start3A_699 : memref<1x128xi32, #tpu.memory_space<vmem>> -> memref<128xi32, #tpu.memory_space<vmem>>
      %dma_start3A_701 = tpu.memref_slice %arg3[%add3A_18] : memref<16384xi32, #tpu.memory_space<hbm>> -> memref<128xi32, #tpu.memory_space<hbm>>
      tpu.enqueue_dma source(%dma_start3A_701 : memref<128xi32, #tpu.memory_space<hbm>>) target(%dma_start3A_700 : memref<128xi32, #tpu.memory_space<vmem>>) target_semaphore(%run_scoped3A_693 : memref<!tpu.dma_semaphore, #tpu.memory_space<semaphore_mem>>)
      %dma_wait3A_702 = arith.constant 0 : i32
      %dma_wait3A_703 = tpu.memref_slice %arg8[%run_scoped3A_19, %dma_wait3A_702] : memref<4x128xi32, #tpu.memory_space<vmem>> -> memref<1x128xi32, #tpu.memory_space<vmem>>
      %dma_wait3A_704 = tpu.memref_squeeze %dma_wait3A_703 : memref<1x128xi32, #tpu.memory_space<vmem>> -> memref<128xi32, #tpu.memory_space<vmem>>
      %dma_wait3A_705 = tpu.memref_slice %arg3[%add3A_18] : memref<16384xi32, #tpu.memory_space<hbm>> -> memref<128xi32, #tpu.memory_space<hbm>>
      %dma_wait3A_706 = arith.constant 0 : i32
      %dma_wait3A_707 = tpu.memref_slice %arg8[%run_scoped3A_19, %dma_wait3A_706] : memref<4x128xi32, #tpu.memory_space<vmem>> -> memref<1x128xi32, #tpu.memory_space<vmem>>
      %dma_wait3A_708 = tpu.memref_squeeze %dma_wait3A_707 : memref<1x128xi32, #tpu.memory_space<vmem>> -> memref<128xi32, #tpu.memory_space<vmem>>
      %dma_wait3A_709 = tpu.memref_slice %arg3[%add3A_18] : memref<16384xi32, #tpu.memory_space<hbm>> -> memref<128xi32, #tpu.memory_space<hbm>>
      tpu.wait_dma2 semaphore(%run_scoped3A_693 : memref<!tpu.dma_semaphore, #tpu.memory_space<semaphore_mem>>) src(%dma_wait3A_709 : memref<128xi32, #tpu.memory_space<hbm>>) dst(%dma_wait3A_708 : memref<128xi32, #tpu.memory_space<vmem>>)
      tpu.yield
    }) : () -> ()
    %add3A_20 = arith.constant 384 : i32
    %add3A_21 = arith.addi %mul3A_2, %add3A_20 : i32
    %run_scoped3A_22 = arith.constant 3 : i32
    "tpu.region"() ({
      %run_scoped3A_693 = tpu.sem_alloc : memref<!tpu.dma_semaphore, #tpu.memory_space<semaphore_mem>>
      %dma_start3A_694 = arith.constant 0 : i32
      %dma_start3A_695 = tpu.memref_slice %arg7[%run_scoped3A_22, %dma_start3A_694] : memref<4x128xi32, #tpu.memory_space<vmem>> -> memref<1x128xi32, #tpu.memory_space<vmem>>
      %dma_start3A_696 = tpu.memref_squeeze %dma_start3A_695 : memref<1x128xi32, #tpu.memory_space<vmem>> -> memref<128xi32, #tpu.memory_space<vmem>>
      %dma_start3A_697 = tpu.memref_slice %arg2[%add3A_21] : memref<16384xi32, #tpu.memory_space<hbm>> -> memref<128xi32, #tpu.memory_space<hbm>>
      %dma_start3A_698 = arith.constant 0 : i32
      %dma_start3A_699 = tpu.memref_slice %arg7[%run_scoped3A_22, %dma_start3A_698] : memref<4x128xi32, #tpu.memory_space<vmem>> -> memref<1x128xi32, #tpu.memory_space<vmem>>
      %dma_start3A_700 = tpu.memref_squeeze %dma_start3A_699 : memref<1x128xi32, #tpu.memory_space<vmem>> -> memref<128xi32, #tpu.memory_space<vmem>>
      %dma_start3A_701 = tpu.memref_slice %arg2[%add3A_21] : memref<16384xi32, #tpu.memory_space<hbm>> -> memref<128xi32, #tpu.memory_space<hbm>>
      tpu.enqueue_dma source(%dma_start3A_701 : memref<128xi32, #tpu.memory_space<hbm>>) target(%dma_start3A_700 : memref<128xi32, #tpu.memory_space<vmem>>) target_semaphore(%run_scoped3A_693 : memref<!tpu.dma_semaphore, #tpu.memory_space<semaphore_mem>>)
      %dma_wait3A_702 = arith.constant 0 : i32
      %dma_wait3A_703 = tpu.memref_slice %arg7[%run_scoped3A_22, %dma_wait3A_702] : memref<4x128xi32, #tpu.memory_space<vmem>> -> memref<1x128xi32, #tpu.memory_space<vmem>>
      %dma_wait3A_704 = tpu.memref_squeeze %dma_wait3A_703 : memref<1x128xi32, #tpu.memory_space<vmem>> -> memref<128xi32, #tpu.memory_space<vmem>>
      %dma_wait3A_705 = tpu.memref_slice %arg2[%add3A_21] : memref<16384xi32, #tpu.memory_space<hbm>> -> memref<128xi32, #tpu.memory_space<hbm>>
      %dma_wait3A_706 = arith.constant 0 : i32
      %dma_wait3A_707 = tpu.memref_slice %arg7[%run_scoped3A_22, %dma_wait3A_706] : memref<4x128xi32, #tpu.memory_space<vmem>> -> memref<1x128xi32, #tpu.memory_space<vmem>>
      %dma_wait3A_708 = tpu.memref_squeeze %dma_wait3A_707 : memref<1x128xi32, #tpu.memory_space<vmem>> -> memref<128xi32, #tpu.memory_space<vmem>>
      %dma_wait3A_709 = tpu.memref_slice %arg2[%add3A_21] : memref<16384xi32, #tpu.memory_space<hbm>> -> memref<128xi32, #tpu.memory_space<hbm>>
      tpu.wait_dma2 semaphore(%run_scoped3A_693 : memref<!tpu.dma_semaphore, #tpu.memory_space<semaphore_mem>>) src(%dma_wait3A_709 : memref<128xi32, #tpu.memory_space<hbm>>) dst(%dma_wait3A_708 : memref<128xi32, #tpu.memory_space<vmem>>)
      tpu.yield
    }) : () -> ()
    %add3A_23 = arith.constant 384 : i32
    %add3A_24 = arith.addi %mul3A_2, %add3A_23 : i32
    %run_scoped3A_25 = arith.constant 3 : i32
    "tpu.region"() ({
      %run_scoped3A_693 = tpu.sem_alloc : memref<!tpu.dma_semaphore, #tpu.memory_space<semaphore_mem>>
      %dma_start3A_694 = arith.constant 0 : i32
      %dma_start3A_695 = tpu.memref_slice %arg8[%run_scoped3A_25, %dma_start3A_694] : memref<4x128xi32, #tpu.memory_space<vmem>> -> memref<1x128xi32, #tpu.memory_space<vmem>>
      %dma_start3A_696 = tpu.memref_squeeze %dma_start3A_695 : memref<1x128xi32, #tpu.memory_space<vmem>> -> memref<128xi32, #tpu.memory_space<vmem>>
      %dma_start3A_697 = tpu.memref_slice %arg3[%add3A_24] : memref<16384xi32, #tpu.memory_space<hbm>> -> memref<128xi32, #tpu.memory_space<hbm>>
      %dma_start3A_698 = arith.constant 0 : i32
      %dma_start3A_699 = tpu.memref_slice %arg8[%run_scoped3A_25, %dma_start3A_698] : memref<4x128xi32, #tpu.memory_space<vmem>> -> memref<1x128xi32, #tpu.memory_space<vmem>>
      %dma_start3A_700 = tpu.memref_squeeze %dma_start3A_699 : memref<1x128xi32, #tpu.memory_space<vmem>> -> memref<128xi32, #tpu.memory_space<vmem>>
      %dma_start3A_701 = tpu.memref_slice %arg3[%add3A_24] : memref<16384xi32, #tpu.memory_space<hbm>> -> memref<128xi32, #tpu.memory_space<hbm>>
      tpu.enqueue_dma source(%dma_start3A_701 : memref<128xi32, #tpu.memory_space<hbm>>) target(%dma_start3A_700 : memref<128xi32, #tpu.memory_space<vmem>>) target_semaphore(%run_scoped3A_693 : memref<!tpu.dma_semaphore, #tpu.memory_space<semaphore_mem>>)
      %dma_wait3A_702 = arith.constant 0 : i32
      %dma_wait3A_703 = tpu.memref_slice %arg8[%run_scoped3A_25, %dma_wait3A_702] : memref<4x128xi32, #tpu.memory_space<vmem>> -> memref<1x128xi32, #tpu.memory_space<vmem>>
      %dma_wait3A_704 = tpu.memref_squeeze %dma_wait3A_703 : memref<1x128xi32, #tpu.memory_space<vmem>> -> memref<128xi32, #tpu.memory_space<vmem>>
      %dma_wait3A_705 = tpu.memref_slice %arg3[%add3A_24] : memref<16384xi32, #tpu.memory_space<hbm>> -> memref<128xi32, #tpu.memory_space<hbm>>
      %dma_wait3A_706 = arith.constant 0 : i32
      %dma_wait3A_707 = tpu.memref_slice %arg8[%run_scoped3A_25, %dma_wait3A_706] : memref<4x128xi32, #tpu.memory_space<vmem>> -> memref<1x128xi32, #tpu.memory_space<vmem>>
      %dma_wait3A_708 = tpu.memref_squeeze %dma_wait3A_707 : memref<1x128xi32, #tpu.memory_space<vmem>> -> memref<128xi32, #tpu.memory_space<vmem>>
      %dma_wait3A_709 = tpu.memref_slice %arg3[%add3A_24] : memref<16384xi32, #tpu.memory_space<hbm>> -> memref<128xi32, #tpu.memory_space<hbm>>
      tpu.wait_dma2 semaphore(%run_scoped3A_693 : memref<!tpu.dma_semaphore, #tpu.memory_space<semaphore_mem>>) src(%dma_wait3A_709 : memref<128xi32, #tpu.memory_space<hbm>>) dst(%dma_wait3A_708 : memref<128xi32, #tpu.memory_space<vmem>>)
      tpu.yield
    }) : () -> ()
    %iota3A = tpu.iota {dimensions = array<i32: 0>} : vector<16xi32>
    %dma_start3A = arith.constant 0 : i32
    %dma_start3A_26 = arith.constant 0 : i32
    %dma_start3A_27 = arith.constant 0 : i32
    %dma_start3A_28 = arith.constant 0 : i32
    %dma_start3A_29 = tpu.memref_slice %arg9[%dma_start3A_26, %dma_start3A_27, %dma_start3A_28] : memref<2x128x128xf32, #tpu.memory_space<vmem>> -> memref<1x128x128xf32, #tpu.memory_space<vmem>>
    %dma_start3A_30 = tpu.memref_squeeze %dma_start3A_29 : memref<1x128x128xf32, #tpu.memory_space<vmem>> -> memref<128x128xf32, #tpu.memory_space<vmem>>
    %dma_start3A_31 = arith.constant 0 : i32
    %dma_start3A_32 = tpu.memref_slice %arg7[%dma_start3A, %dma_start3A_31] : memref<4x128xi32, #tpu.memory_space<vmem>> -> memref<1x128xi32, #tpu.memory_space<vmem>>
    %dma_start3A_33 = tpu.memref_squeeze %dma_start3A_32 : memref<1x128xi32, #tpu.memory_space<vmem>> -> memref<128xi32, #tpu.memory_space<vmem>>
    %dma_start3A_34 = arith.constant 0 : i32
    %dma_start3A_35 = arith.constant 0 : i32
    %dma_start3A_36 = tpu.memref_slice %arg4[%dma_start3A_34, %dma_start3A_35] : memref<1000000x128xf32, #tpu.memory_space<hbm>> -> memref<1000000x128xf32, #tpu.memory_space<hbm>>
    tpu.enqueue_indirect_dma source(%dma_start3A_36 : memref<1000000x128xf32, #tpu.memory_space<hbm>>) target(%dma_start3A_30 : memref<128x128xf32, #tpu.memory_space<vmem>>) offsets(%dma_start3A_33 : memref<128xi32, #tpu.memory_space<vmem>>) semaphore(%arg12 : memref<!tpu.dma_semaphore, #tpu.memory_space<semaphore_mem>>)
    %dma_start3A_37 = arith.constant 0 : i32
    %dma_start3A_38 = arith.constant 0 : i32
    %dma_start3A_39 = arith.constant 0 : i32
    %dma_start3A_40 = arith.constant 0 : i32
    %dma_start3A_41 = tpu.memref_slice %arg10[%dma_start3A_38, %dma_start3A_39, %dma_start3A_40] : memref<2x128x128xf32, #tpu.memory_space<vmem>> -> memref<1x128x128xf32, #tpu.memory_space<vmem>>
    %dma_start3A_42 = tpu.memref_squeeze %dma_start3A_41 : memref<1x128x128xf32, #tpu.memory_space<vmem>> -> memref<128x128xf32, #tpu.memory_space<vmem>>
    %dma_start3A_43 = arith.constant 0 : i32
    %dma_start3A_44 = tpu.memref_slice %arg8[%dma_start3A_37, %dma_start3A_43] : memref<4x128xi32, #tpu.memory_space<vmem>> -> memref<1x128xi32, #tpu.memory_space<vmem>>
    %dma_start3A_45 = tpu.memref_squeeze %dma_start3A_44 : memref<1x128xi32, #tpu.memory_space<vmem>> -> memref<128xi32, #tpu.memory_space<vmem>>
    %dma_start3A_46 = arith.constant 0 : i32
    %dma_start3A_47 = arith.constant 0 : i32
    %dma_start3A_48 = tpu.memref_slice %arg5[%dma_start3A_46, %dma_start3A_47] : memref<100000x128xf32, #tpu.memory_space<hbm>> -> memref<100000x128xf32, #tpu.memory_space<hbm>>
    tpu.enqueue_indirect_dma source(%dma_start3A_48 : memref<100000x128xf32, #tpu.memory_space<hbm>>) target(%dma_start3A_42 : memref<128x128xf32, #tpu.memory_space<vmem>>) offsets(%dma_start3A_45 : memref<128xi32, #tpu.memory_space<vmem>>) semaphore(%arg12 : memref<!tpu.dma_semaphore, #tpu.memory_space<semaphore_mem>>)
    %dma_start3A_49 = arith.constant 1 : i32
    %dma_start3A_50 = arith.constant 1 : i32
    %dma_start3A_51 = arith.constant 0 : i32
    %dma_start3A_52 = arith.constant 0 : i32
    %dma_start3A_53 = tpu.memref_slice %arg9[%dma_start3A_50, %dma_start3A_51, %dma_start3A_52] : memref<2x128x128xf32, #tpu.memory_space<vmem>> -> memref<1x128x128xf32, #tpu.memory_space<vmem>>
    %dma_start3A_54 = tpu.memref_squeeze %dma_start3A_53 : memref<1x128x128xf32, #tpu.memory_space<vmem>> -> memref<128x128xf32, #tpu.memory_space<vmem>>
    %dma_start3A_55 = arith.constant 0 : i32
    %dma_start3A_56 = tpu.memref_slice %arg7[%dma_start3A_49, %dma_start3A_55] : memref<4x128xi32, #tpu.memory_space<vmem>> -> memref<1x128xi32, #tpu.memory_space<vmem>>
    %dma_start3A_57 = tpu.memref_squeeze %dma_start3A_56 : memref<1x128xi32, #tpu.memory_space<vmem>> -> memref<128xi32, #tpu.memory_space<vmem>>
    %dma_start3A_58 = arith.constant 0 : i32
    %dma_start3A_59 = arith.constant 0 : i32
    %dma_start3A_60 = tpu.memref_slice %arg4[%dma_start3A_58, %dma_start3A_59] : memref<1000000x128xf32, #tpu.memory_space<hbm>> -> memref<1000000x128xf32, #tpu.memory_space<hbm>>
    tpu.enqueue_indirect_dma source(%dma_start3A_60 : memref<1000000x128xf32, #tpu.memory_space<hbm>>) target(%dma_start3A_54 : memref<128x128xf32, #tpu.memory_space<vmem>>) offsets(%dma_start3A_57 : memref<128xi32, #tpu.memory_space<vmem>>) semaphore(%arg13 : memref<!tpu.dma_semaphore, #tpu.memory_space<semaphore_mem>>)
    %dma_start3A_61 = arith.constant 1 : i32
    %dma_start3A_62 = arith.constant 1 : i32
    %dma_start3A_63 = arith.constant 0 : i32
    %dma_start3A_64 = arith.constant 0 : i32
    %dma_start3A_65 = tpu.memref_slice %arg10[%dma_start3A_62, %dma_start3A_63, %dma_start3A_64] : memref<2x128x128xf32, #tpu.memory_space<vmem>> -> memref<1x128x128xf32, #tpu.memory_space<vmem>>
    %dma_start3A_66 = tpu.memref_squeeze %dma_start3A_65 : memref<1x128x128xf32, #tpu.memory_space<vmem>> -> memref<128x128xf32, #tpu.memory_space<vmem>>
    %dma_start3A_67 = arith.constant 0 : i32
    %dma_start3A_68 = tpu.memref_slice %arg8[%dma_start3A_61, %dma_start3A_67] : memref<4x128xi32, #tpu.memory_space<vmem>> -> memref<1x128xi32, #tpu.memory_space<vmem>>
    %dma_start3A_69 = tpu.memref_squeeze %dma_start3A_68 : memref<1x128xi32, #tpu.memory_space<vmem>> -> memref<128xi32, #tpu.memory_space<vmem>>
    %dma_start3A_70 = arith.constant 0 : i32
    %dma_start3A_71 = arith.constant 0 : i32
    %dma_start3A_72 = tpu.memref_slice %arg5[%dma_start3A_70, %dma_start3A_71] : memref<100000x128xf32, #tpu.memory_space<hbm>> -> memref<100000x128xf32, #tpu.memory_space<hbm>>
    tpu.enqueue_indirect_dma source(%dma_start3A_72 : memref<100000x128xf32, #tpu.memory_space<hbm>>) target(%dma_start3A_66 : memref<128x128xf32, #tpu.memory_space<vmem>>) offsets(%dma_start3A_69 : memref<128xi32, #tpu.memory_space<vmem>>) semaphore(%arg13 : memref<!tpu.dma_semaphore, #tpu.memory_space<semaphore_mem>>)
    %dma_wait3A = arith.constant 0 : i32
    %dma_wait3A_73 = arith.constant 0 : i32
    %dma_wait3A_74 = arith.constant 0 : i32
    %dma_wait3A_75 = arith.constant 0 : i32
    %dma_wait3A_76 = tpu.memref_slice %arg9[%dma_wait3A_73, %dma_wait3A_74, %dma_wait3A_75] : memref<2x128x128xf32, #tpu.memory_space<vmem>> -> memref<1x128x128xf32, #tpu.memory_space<vmem>>
    %dma_wait3A_77 = tpu.memref_squeeze %dma_wait3A_76 : memref<1x128x128xf32, #tpu.memory_space<vmem>> -> memref<128x128xf32, #tpu.memory_space<vmem>>
    %dma_wait3A_78 = arith.constant 0 : i32
    %dma_wait3A_79 = tpu.memref_slice %arg7[%dma_wait3A, %dma_wait3A_78] : memref<4x128xi32, #tpu.memory_space<vmem>> -> memref<1x128xi32, #tpu.memory_space<vmem>>
    %dma_wait3A_80 = tpu.memref_squeeze %dma_wait3A_79 : memref<1x128xi32, #tpu.memory_space<vmem>> -> memref<128xi32, #tpu.memory_space<vmem>>
    %dma_wait3A_81 = arith.constant 0 : i32
    %dma_wait3A_82 = arith.constant 0 : i32
    %dma_wait3A_83 = tpu.memref_slice %arg4[%dma_wait3A_81, %dma_wait3A_82] : memref<1000000x128xf32, #tpu.memory_space<hbm>> -> memref<1000000x128xf32, #tpu.memory_space<hbm>>
    tpu.wait_indirect_dma semaphore(%arg12 : memref<!tpu.dma_semaphore, #tpu.memory_space<semaphore_mem>>) src(%dma_wait3A_83 : memref<1000000x128xf32, #tpu.memory_space<hbm>>) dst(%dma_wait3A_77 : memref<128x128xf32, #tpu.memory_space<vmem>>)
    %dma_wait3A_84 = arith.constant 0 : i32
    %dma_wait3A_85 = arith.constant 0 : i32
    %dma_wait3A_86 = arith.constant 0 : i32
    %dma_wait3A_87 = arith.constant 0 : i32
    %dma_wait3A_88 = tpu.memref_slice %arg10[%dma_wait3A_85, %dma_wait3A_86, %dma_wait3A_87] : memref<2x128x128xf32, #tpu.memory_space<vmem>> -> memref<1x128x128xf32, #tpu.memory_space<vmem>>
    %dma_wait3A_89 = tpu.memref_squeeze %dma_wait3A_88 : memref<1x128x128xf32, #tpu.memory_space<vmem>> -> memref<128x128xf32, #tpu.memory_space<vmem>>
    %dma_wait3A_90 = arith.constant 0 : i32
    %dma_wait3A_91 = tpu.memref_slice %arg8[%dma_wait3A_84, %dma_wait3A_90] : memref<4x128xi32, #tpu.memory_space<vmem>> -> memref<1x128xi32, #tpu.memory_space<vmem>>
    %dma_wait3A_92 = tpu.memref_squeeze %dma_wait3A_91 : memref<1x128xi32, #tpu.memory_space<vmem>> -> memref<128xi32, #tpu.memory_space<vmem>>
    %dma_wait3A_93 = arith.constant 0 : i32
    %dma_wait3A_94 = arith.constant 0 : i32
    %dma_wait3A_95 = tpu.memref_slice %arg5[%dma_wait3A_93, %dma_wait3A_94] : memref<100000x128xf32, #tpu.memory_space<hbm>> -> memref<100000x128xf32, #tpu.memory_space<hbm>>
    tpu.wait_indirect_dma semaphore(%arg12 : memref<!tpu.dma_semaphore, #tpu.memory_space<semaphore_mem>>) src(%dma_wait3A_95 : memref<100000x128xf32, #tpu.memory_space<hbm>>) dst(%dma_wait3A_89 : memref<128x128xf32, #tpu.memory_space<vmem>>)
    %add3A_96 = arith.constant 0 : i32
    %add3A_97 = vector.broadcast %add3A_96 : i32 to vector<16xi32>
    %add3A_98 = arith.addi %add3A_97, %iota3A : vector<16xi32>
    %broadcast_in_dim3A = arith.constant 0.000000e+00 : f32
    %broadcast_in_dim3A_99 = vector.broadcast %broadcast_in_dim3A : f32 to vector<16xf32>
    %scan3A = arith.constant 0 : i32
    %scan3A_100 = arith.constant 0 : i32
    %scan3A_101 = arith.constant 0 : i32
    %scan3A_102 = arith.constant 64 : i32
    %scan3A_103 = arith.addi %scan3A_101, %scan3A_102 : i32
    %scan3A_104 = arith.constant 1 : i32
    %scan3A_105 = scf.for %scan3A_693 = %scan3A_101 to %scan3A_103 step %scan3A_104 iter_args(%scan3A_694 = %broadcast_in_dim3A_99) -> (vector<16xf32>)  : i32 {
      %mul3A_695 = arith.constant 0 : i32
      %mul3A_696 = vector.broadcast %mul3A_695 : i32 to vector<16xi32>
      %mul3A_697 = arith.muli %iota3A, %mul3A_696 : vector<16xi32>
      %add3A_698 = vector.broadcast %scan3A_693 : i32 to vector<16xi32>
      %add3A_699 = arith.addi %mul3A_697, %add3A_698 : vector<16xi32>
      %gather3A = arith.constant 0 : i32
      %gather3A_700 = arith.constant 0 : i32
      %gather3A_701 = tpu.memref_slice %arg9[%scan3A, %gather3A, %gather3A_700] : memref<2x128x128xf32, #tpu.memory_space<vmem>> -> memref<1x128x128xf32, #tpu.memory_space<vmem>>
      %gather3A_702 = tpu.memref_squeeze %gather3A_701 : memref<1x128x128xf32, #tpu.memory_space<vmem>> -> memref<128x128xf32, #tpu.memory_space<vmem>>
      %gather3A_703 = tpu.vector_load_idx %gather3A_702[%add3A_98, %add3A_699] : memref<128x128xf32, #tpu.memory_space<vmem>>[vector<16xi32>, vector<16xi32>], vector<16xf32>,
      %gather3A_704 = arith.constant 0 : i32
      %gather3A_705 = arith.constant 0 : i32
      %gather3A_706 = tpu.memref_slice %arg10[%scan3A_100, %gather3A_704, %gather3A_705] : memref<2x128x128xf32, #tpu.memory_space<vmem>> -> memref<1x128x128xf32, #tpu.memory_space<vmem>>
      %gather3A_707 = tpu.memref_squeeze %gather3A_706 : memref<1x128x128xf32, #tpu.memory_space<vmem>> -> memref<128x128xf32, #tpu.memory_space<vmem>>
      %gather3A_708 = tpu.vector_load_idx %gather3A_707[%add3A_98, %add3A_699] : memref<128x128xf32, #tpu.memory_space<vmem>>[vector<16xi32>, vector<16xi32>], vector<16xf32>,
      %mul3A_709 = arith.mulf %gather3A_703, %gather3A_708 : vector<16xf32>
      %add3A_710 = arith.addf %scan3A_694, %mul3A_709 : vector<16xf32>
      scf.yield %add3A_710 : vector<16xf32>
    }
    %scan3A_106 = arith.constant 64 : i32
    %swap3A = arith.constant 0 : index
    %swap3A_107 = tpu.vector_load %arg11[%swap3A] {strides = array<i32>} : memref<512xf32, #tpu.memory_space<vmem>>, vector<16xf32>,
    tpu.vector_store %arg11[%swap3A], %scan3A_105 {strides = array<i32>} : memref<512xf32, #tpu.memory_space<vmem>>, vector<16xf32>,
    %add3A_108 = arith.constant 16 : i32
    %add3A_109 = vector.broadcast %add3A_108 : i32 to vector<16xi32>
    %add3A_110 = arith.addi %add3A_109, %iota3A : vector<16xi32>
    %broadcast_in_dim3A_111 = arith.constant 0.000000e+00 : f32
    %broadcast_in_dim3A_112 = vector.broadcast %broadcast_in_dim3A_111 : f32 to vector<16xf32>
    %scan3A_113 = arith.constant 0 : i32
    %scan3A_114 = arith.constant 0 : i32
    %scan3A_115 = arith.constant 0 : i32
    %scan3A_116 = arith.constant 64 : i32
    %scan3A_117 = arith.addi %scan3A_115, %scan3A_116 : i32
    %scan3A_118 = arith.constant 1 : i32
    %scan3A_119 = scf.for %scan3A_693 = %scan3A_115 to %scan3A_117 step %scan3A_118 iter_args(%scan3A_694 = %broadcast_in_dim3A_112) -> (vector<16xf32>)  : i32 {
      %mul3A_695 = arith.constant 0 : i32
      %mul3A_696 = vector.broadcast %mul3A_695 : i32 to vector<16xi32>
      %mul3A_697 = arith.muli %iota3A, %mul3A_696 : vector<16xi32>
      %add3A_698 = vector.broadcast %scan3A_693 : i32 to vector<16xi32>
      %add3A_699 = arith.addi %mul3A_697, %add3A_698 : vector<16xi32>
      %gather3A = arith.constant 0 : i32
      %gather3A_700 = arith.constant 0 : i32
      %gather3A_701 = tpu.memref_slice %arg9[%scan3A_113, %gather3A, %gather3A_700] : memref<2x128x128xf32, #tpu.memory_space<vmem>> -> memref<1x128x128xf32, #tpu.memory_space<vmem>>
      %gather3A_702 = tpu.memref_squeeze %gather3A_701 : memref<1x128x128xf32, #tpu.memory_space<vmem>> -> memref<128x128xf32, #tpu.memory_space<vmem>>
      %gather3A_703 = tpu.vector_load_idx %gather3A_702[%add3A_110, %add3A_699] : memref<128x128xf32, #tpu.memory_space<vmem>>[vector<16xi32>, vector<16xi32>], vector<16xf32>,
      %gather3A_704 = arith.constant 0 : i32
      %gather3A_705 = arith.constant 0 : i32
      %gather3A_706 = tpu.memref_slice %arg10[%scan3A_114, %gather3A_704, %gather3A_705] : memref<2x128x128xf32, #tpu.memory_space<vmem>> -> memref<1x128x128xf32, #tpu.memory_space<vmem>>
      %gather3A_707 = tpu.memref_squeeze %gather3A_706 : memref<1x128x128xf32, #tpu.memory_space<vmem>> -> memref<128x128xf32, #tpu.memory_space<vmem>>
      %gather3A_708 = tpu.vector_load_idx %gather3A_707[%add3A_110, %add3A_699] : memref<128x128xf32, #tpu.memory_space<vmem>>[vector<16xi32>, vector<16xi32>], vector<16xf32>,
      %mul3A_709 = arith.mulf %gather3A_703, %gather3A_708 : vector<16xf32>
      %add3A_710 = arith.addf %scan3A_694, %mul3A_709 : vector<16xf32>
      scf.yield %add3A_710 : vector<16xf32>
    }
    %scan3A_120 = arith.constant 64 : i32
    %swap3A_121 = arith.constant 16 : index
    %swap3A_122 = tpu.vector_load %arg11[%swap3A_121] {strides = array<i32>} : memref<512xf32, #tpu.memory_space<vmem>>, vector<16xf32>,
    tpu.vector_store %arg11[%swap3A_121], %scan3A_119 {strides = array<i32>} : memref<512xf32, #tpu.memory_space<vmem>>, vector<16xf32>,
    %add3A_123 = arith.constant 32 : i32
    %add3A_124 = vector.broadcast %add3A_123 : i32 to vector<16xi32>
    %add3A_125 = arith.addi %add3A_124, %iota3A : vector<16xi32>
    %broadcast_in_dim3A_126 = arith.constant 0.000000e+00 : f32
    %broadcast_in_dim3A_127 = vector.broadcast %broadcast_in_dim3A_126 : f32 to vector<16xf32>
    %scan3A_128 = arith.constant 0 : i32
    %scan3A_129 = arith.constant 0 : i32
    %scan3A_130 = arith.constant 0 : i32
    %scan3A_131 = arith.constant 64 : i32
    %scan3A_132 = arith.addi %scan3A_130, %scan3A_131 : i32
    %scan3A_133 = arith.constant 1 : i32
    %scan3A_134 = scf.for %scan3A_693 = %scan3A_130 to %scan3A_132 step %scan3A_133 iter_args(%scan3A_694 = %broadcast_in_dim3A_127) -> (vector<16xf32>)  : i32 {
      %mul3A_695 = arith.constant 0 : i32
      %mul3A_696 = vector.broadcast %mul3A_695 : i32 to vector<16xi32>
      %mul3A_697 = arith.muli %iota3A, %mul3A_696 : vector<16xi32>
      %add3A_698 = vector.broadcast %scan3A_693 : i32 to vector<16xi32>
      %add3A_699 = arith.addi %mul3A_697, %add3A_698 : vector<16xi32>
      %gather3A = arith.constant 0 : i32
      %gather3A_700 = arith.constant 0 : i32
      %gather3A_701 = tpu.memref_slice %arg9[%scan3A_128, %gather3A, %gather3A_700] : memref<2x128x128xf32, #tpu.memory_space<vmem>> -> memref<1x128x128xf32, #tpu.memory_space<vmem>>
      %gather3A_702 = tpu.memref_squeeze %gather3A_701 : memref<1x128x128xf32, #tpu.memory_space<vmem>> -> memref<128x128xf32, #tpu.memory_space<vmem>>
      %gather3A_703 = tpu.vector_load_idx %gather3A_702[%add3A_125, %add3A_699] : memref<128x128xf32, #tpu.memory_space<vmem>>[vector<16xi32>, vector<16xi32>], vector<16xf32>,
      %gather3A_704 = arith.constant 0 : i32
      %gather3A_705 = arith.constant 0 : i32
      %gather3A_706 = tpu.memref_slice %arg10[%scan3A_129, %gather3A_704, %gather3A_705] : memref<2x128x128xf32, #tpu.memory_space<vmem>> -> memref<1x128x128xf32, #tpu.memory_space<vmem>>
      %gather3A_707 = tpu.memref_squeeze %gather3A_706 : memref<1x128x128xf32, #tpu.memory_space<vmem>> -> memref<128x128xf32, #tpu.memory_space<vmem>>
      %gather3A_708 = tpu.vector_load_idx %gather3A_707[%add3A_125, %add3A_699] : memref<128x128xf32, #tpu.memory_space<vmem>>[vector<16xi32>, vector<16xi32>], vector<16xf32>,
      %mul3A_709 = arith.mulf %gather3A_703, %gather3A_708 : vector<16xf32>
      %add3A_710 = arith.addf %scan3A_694, %mul3A_709 : vector<16xf32>
      scf.yield %add3A_710 : vector<16xf32>
    }
    %scan3A_135 = arith.constant 64 : i32
    %swap3A_136 = arith.constant 32 : index
    %swap3A_137 = tpu.vector_load %arg11[%swap3A_136] {strides = array<i32>} : memref<512xf32, #tpu.memory_space<vmem>>, vector<16xf32>,
    tpu.vector_store %arg11[%swap3A_136], %scan3A_134 {strides = array<i32>} : memref<512xf32, #tpu.memory_space<vmem>>, vector<16xf32>,
    %add3A_138 = arith.constant 48 : i32
    %add3A_139 = vector.broadcast %add3A_138 : i32 to vector<16xi32>
    %add3A_140 = arith.addi %add3A_139, %iota3A : vector<16xi32>
    %broadcast_in_dim3A_141 = arith.constant 0.000000e+00 : f32
    %broadcast_in_dim3A_142 = vector.broadcast %broadcast_in_dim3A_141 : f32 to vector<16xf32>
    %scan3A_143 = arith.constant 0 : i32
    %scan3A_144 = arith.constant 0 : i32
    %scan3A_145 = arith.constant 0 : i32
    %scan3A_146 = arith.constant 64 : i32
    %scan3A_147 = arith.addi %scan3A_145, %scan3A_146 : i32
    %scan3A_148 = arith.constant 1 : i32
    %scan3A_149 = scf.for %scan3A_693 = %scan3A_145 to %scan3A_147 step %scan3A_148 iter_args(%scan3A_694 = %broadcast_in_dim3A_142) -> (vector<16xf32>)  : i32 {
      %mul3A_695 = arith.constant 0 : i32
      %mul3A_696 = vector.broadcast %mul3A_695 : i32 to vector<16xi32>
      %mul3A_697 = arith.muli %iota3A, %mul3A_696 : vector<16xi32>
      %add3A_698 = vector.broadcast %scan3A_693 : i32 to vector<16xi32>
      %add3A_699 = arith.addi %mul3A_697, %add3A_698 : vector<16xi32>
      %gather3A = arith.constant 0 : i32
      %gather3A_700 = arith.constant 0 : i32
      %gather3A_701 = tpu.memref_slice %arg9[%scan3A_143, %gather3A, %gather3A_700] : memref<2x128x128xf32, #tpu.memory_space<vmem>> -> memref<1x128x128xf32, #tpu.memory_space<vmem>>
      %gather3A_702 = tpu.memref_squeeze %gather3A_701 : memref<1x128x128xf32, #tpu.memory_space<vmem>> -> memref<128x128xf32, #tpu.memory_space<vmem>>
      %gather3A_703 = tpu.vector_load_idx %gather3A_702[%add3A_140, %add3A_699] : memref<128x128xf32, #tpu.memory_space<vmem>>[vector<16xi32>, vector<16xi32>], vector<16xf32>,
      %gather3A_704 = arith.constant 0 : i32
      %gather3A_705 = arith.constant 0 : i32
      %gather3A_706 = tpu.memref_slice %arg10[%scan3A_144, %gather3A_704, %gather3A_705] : memref<2x128x128xf32, #tpu.memory_space<vmem>> -> memref<1x128x128xf32, #tpu.memory_space<vmem>>
      %gather3A_707 = tpu.memref_squeeze %gather3A_706 : memref<1x128x128xf32, #tpu.memory_space<vmem>> -> memref<128x128xf32, #tpu.memory_space<vmem>>
      %gather3A_708 = tpu.vector_load_idx %gather3A_707[%add3A_140, %add3A_699] : memref<128x128xf32, #tpu.memory_space<vmem>>[vector<16xi32>, vector<16xi32>], vector<16xf32>,
      %mul3A_709 = arith.mulf %gather3A_703, %gather3A_708 : vector<16xf32>
      %add3A_710 = arith.addf %scan3A_694, %mul3A_709 : vector<16xf32>
      scf.yield %add3A_710 : vector<16xf32>
    }
    %scan3A_150 = arith.constant 64 : i32
    %swap3A_151 = arith.constant 48 : index
    %swap3A_152 = tpu.vector_load %arg11[%swap3A_151] {strides = array<i32>} : memref<512xf32, #tpu.memory_space<vmem>>, vector<16xf32>,
    tpu.vector_store %arg11[%swap3A_151], %scan3A_149 {strides = array<i32>} : memref<512xf32, #tpu.memory_space<vmem>>, vector<16xf32>,
    %add3A_153 = arith.constant 64 : i32
    %add3A_154 = vector.broadcast %add3A_153 : i32 to vector<16xi32>
    %add3A_155 = arith.addi %add3A_154, %iota3A : vector<16xi32>
    %broadcast_in_dim3A_156 = arith.constant 0.000000e+00 : f32
    %broadcast_in_dim3A_157 = vector.broadcast %broadcast_in_dim3A_156 : f32 to vector<16xf32>
    %scan3A_158 = arith.constant 0 : i32
    %scan3A_159 = arith.constant 0 : i32
    %scan3A_160 = arith.constant 0 : i32
    %scan3A_161 = arith.constant 64 : i32
    %scan3A_162 = arith.addi %scan3A_160, %scan3A_161 : i32
    %scan3A_163 = arith.constant 1 : i32
    %scan3A_164 = scf.for %scan3A_693 = %scan3A_160 to %scan3A_162 step %scan3A_163 iter_args(%scan3A_694 = %broadcast_in_dim3A_157) -> (vector<16xf32>)  : i32 {
      %mul3A_695 = arith.constant 0 : i32
      %mul3A_696 = vector.broadcast %mul3A_695 : i32 to vector<16xi32>
      %mul3A_697 = arith.muli %iota3A, %mul3A_696 : vector<16xi32>
      %add3A_698 = vector.broadcast %scan3A_693 : i32 to vector<16xi32>
      %add3A_699 = arith.addi %mul3A_697, %add3A_698 : vector<16xi32>
      %gather3A = arith.constant 0 : i32
      %gather3A_700 = arith.constant 0 : i32
      %gather3A_701 = tpu.memref_slice %arg9[%scan3A_158, %gather3A, %gather3A_700] : memref<2x128x128xf32, #tpu.memory_space<vmem>> -> memref<1x128x128xf32, #tpu.memory_space<vmem>>
      %gather3A_702 = tpu.memref_squeeze %gather3A_701 : memref<1x128x128xf32, #tpu.memory_space<vmem>> -> memref<128x128xf32, #tpu.memory_space<vmem>>
      %gather3A_703 = tpu.vector_load_idx %gather3A_702[%add3A_155, %add3A_699] : memref<128x128xf32, #tpu.memory_space<vmem>>[vector<16xi32>, vector<16xi32>], vector<16xf32>,
      %gather3A_704 = arith.constant 0 : i32
      %gather3A_705 = arith.constant 0 : i32
      %gather3A_706 = tpu.memref_slice %arg10[%scan3A_159, %gather3A_704, %gather3A_705] : memref<2x128x128xf32, #tpu.memory_space<vmem>> -> memref<1x128x128xf32, #tpu.memory_space<vmem>>
      %gather3A_707 = tpu.memref_squeeze %gather3A_706 : memref<1x128x128xf32, #tpu.memory_space<vmem>> -> memref<128x128xf32, #tpu.memory_space<vmem>>
      %gather3A_708 = tpu.vector_load_idx %gather3A_707[%add3A_155, %add3A_699] : memref<128x128xf32, #tpu.memory_space<vmem>>[vector<16xi32>, vector<16xi32>], vector<16xf32>,
      %mul3A_709 = arith.mulf %gather3A_703, %gather3A_708 : vector<16xf32>
      %add3A_710 = arith.addf %scan3A_694, %mul3A_709 : vector<16xf32>
      scf.yield %add3A_710 : vector<16xf32>
    }
    %scan3A_165 = arith.constant 64 : i32
    %swap3A_166 = arith.constant 64 : index
    %swap3A_167 = tpu.vector_load %arg11[%swap3A_166] {strides = array<i32>} : memref<512xf32, #tpu.memory_space<vmem>>, vector<16xf32>,
    tpu.vector_store %arg11[%swap3A_166], %scan3A_164 {strides = array<i32>} : memref<512xf32, #tpu.memory_space<vmem>>, vector<16xf32>,
    %add3A_168 = arith.constant 80 : i32
    %add3A_169 = vector.broadcast %add3A_168 : i32 to vector<16xi32>
    %add3A_170 = arith.addi %add3A_169, %iota3A : vector<16xi32>
    %broadcast_in_dim3A_171 = arith.constant 0.000000e+00 : f32
    %broadcast_in_dim3A_172 = vector.broadcast %broadcast_in_dim3A_171 : f32 to vector<16xf32>
    %scan3A_173 = arith.constant 0 : i32
    %scan3A_174 = arith.constant 0 : i32
    %scan3A_175 = arith.constant 0 : i32
    %scan3A_176 = arith.constant 64 : i32
    %scan3A_177 = arith.addi %scan3A_175, %scan3A_176 : i32
    %scan3A_178 = arith.constant 1 : i32
    %scan3A_179 = scf.for %scan3A_693 = %scan3A_175 to %scan3A_177 step %scan3A_178 iter_args(%scan3A_694 = %broadcast_in_dim3A_172) -> (vector<16xf32>)  : i32 {
      %mul3A_695 = arith.constant 0 : i32
      %mul3A_696 = vector.broadcast %mul3A_695 : i32 to vector<16xi32>
      %mul3A_697 = arith.muli %iota3A, %mul3A_696 : vector<16xi32>
      %add3A_698 = vector.broadcast %scan3A_693 : i32 to vector<16xi32>
      %add3A_699 = arith.addi %mul3A_697, %add3A_698 : vector<16xi32>
      %gather3A = arith.constant 0 : i32
      %gather3A_700 = arith.constant 0 : i32
      %gather3A_701 = tpu.memref_slice %arg9[%scan3A_173, %gather3A, %gather3A_700] : memref<2x128x128xf32, #tpu.memory_space<vmem>> -> memref<1x128x128xf32, #tpu.memory_space<vmem>>
      %gather3A_702 = tpu.memref_squeeze %gather3A_701 : memref<1x128x128xf32, #tpu.memory_space<vmem>> -> memref<128x128xf32, #tpu.memory_space<vmem>>
      %gather3A_703 = tpu.vector_load_idx %gather3A_702[%add3A_170, %add3A_699] : memref<128x128xf32, #tpu.memory_space<vmem>>[vector<16xi32>, vector<16xi32>], vector<16xf32>,
      %gather3A_704 = arith.constant 0 : i32
      %gather3A_705 = arith.constant 0 : i32
      %gather3A_706 = tpu.memref_slice %arg10[%scan3A_174, %gather3A_704, %gather3A_705] : memref<2x128x128xf32, #tpu.memory_space<vmem>> -> memref<1x128x128xf32, #tpu.memory_space<vmem>>
      %gather3A_707 = tpu.memref_squeeze %gather3A_706 : memref<1x128x128xf32, #tpu.memory_space<vmem>> -> memref<128x128xf32, #tpu.memory_space<vmem>>
      %gather3A_708 = tpu.vector_load_idx %gather3A_707[%add3A_170, %add3A_699] : memref<128x128xf32, #tpu.memory_space<vmem>>[vector<16xi32>, vector<16xi32>], vector<16xf32>,
      %mul3A_709 = arith.mulf %gather3A_703, %gather3A_708 : vector<16xf32>
      %add3A_710 = arith.addf %scan3A_694, %mul3A_709 : vector<16xf32>
      scf.yield %add3A_710 : vector<16xf32>
    }
    %scan3A_180 = arith.constant 64 : i32
    %swap3A_181 = arith.constant 80 : index
    %swap3A_182 = tpu.vector_load %arg11[%swap3A_181] {strides = array<i32>} : memref<512xf32, #tpu.memory_space<vmem>>, vector<16xf32>,
    tpu.vector_store %arg11[%swap3A_181], %scan3A_179 {strides = array<i32>} : memref<512xf32, #tpu.memory_space<vmem>>, vector<16xf32>,
    %add3A_183 = arith.constant 96 : i32
    %add3A_184 = vector.broadcast %add3A_183 : i32 to vector<16xi32>
    %add3A_185 = arith.addi %add3A_184, %iota3A : vector<16xi32>
    %broadcast_in_dim3A_186 = arith.constant 0.000000e+00 : f32
    %broadcast_in_dim3A_187 = vector.broadcast %broadcast_in_dim3A_186 : f32 to vector<16xf32>
    %scan3A_188 = arith.constant 0 : i32
    %scan3A_189 = arith.constant 0 : i32
    %scan3A_190 = arith.constant 0 : i32
    %scan3A_191 = arith.constant 64 : i32
    %scan3A_192 = arith.addi %scan3A_190, %scan3A_191 : i32
    %scan3A_193 = arith.constant 1 : i32
    %scan3A_194 = scf.for %scan3A_693 = %scan3A_190 to %scan3A_192 step %scan3A_193 iter_args(%scan3A_694 = %broadcast_in_dim3A_187) -> (vector<16xf32>)  : i32 {
      %mul3A_695 = arith.constant 0 : i32
      %mul3A_696 = vector.broadcast %mul3A_695 : i32 to vector<16xi32>
      %mul3A_697 = arith.muli %iota3A, %mul3A_696 : vector<16xi32>
      %add3A_698 = vector.broadcast %scan3A_693 : i32 to vector<16xi32>
      %add3A_699 = arith.addi %mul3A_697, %add3A_698 : vector<16xi32>
      %gather3A = arith.constant 0 : i32
      %gather3A_700 = arith.constant 0 : i32
      %gather3A_701 = tpu.memref_slice %arg9[%scan3A_188, %gather3A, %gather3A_700] : memref<2x128x128xf32, #tpu.memory_space<vmem>> -> memref<1x128x128xf32, #tpu.memory_space<vmem>>
      %gather3A_702 = tpu.memref_squeeze %gather3A_701 : memref<1x128x128xf32, #tpu.memory_space<vmem>> -> memref<128x128xf32, #tpu.memory_space<vmem>>
      %gather3A_703 = tpu.vector_load_idx %gather3A_702[%add3A_185, %add3A_699] : memref<128x128xf32, #tpu.memory_space<vmem>>[vector<16xi32>, vector<16xi32>], vector<16xf32>,
      %gather3A_704 = arith.constant 0 : i32
      %gather3A_705 = arith.constant 0 : i32
      %gather3A_706 = tpu.memref_slice %arg10[%scan3A_189, %gather3A_704, %gather3A_705] : memref<2x128x128xf32, #tpu.memory_space<vmem>> -> memref<1x128x128xf32, #tpu.memory_space<vmem>>
      %gather3A_707 = tpu.memref_squeeze %gather3A_706 : memref<1x128x128xf32, #tpu.memory_space<vmem>> -> memref<128x128xf32, #tpu.memory_space<vmem>>
      %gather3A_708 = tpu.vector_load_idx %gather3A_707[%add3A_185, %add3A_699] : memref<128x128xf32, #tpu.memory_space<vmem>>[vector<16xi32>, vector<16xi32>], vector<16xf32>,
      %mul3A_709 = arith.mulf %gather3A_703, %gather3A_708 : vector<16xf32>
      %add3A_710 = arith.addf %scan3A_694, %mul3A_709 : vector<16xf32>
      scf.yield %add3A_710 : vector<16xf32>
    }
    %scan3A_195 = arith.constant 64 : i32
    %swap3A_196 = arith.constant 96 : index
    %swap3A_197 = tpu.vector_load %arg11[%swap3A_196] {strides = array<i32>} : memref<512xf32, #tpu.memory_space<vmem>>, vector<16xf32>,
    tpu.vector_store %arg11[%swap3A_196], %scan3A_194 {strides = array<i32>} : memref<512xf32, #tpu.memory_space<vmem>>, vector<16xf32>,
    %add3A_198 = arith.constant 112 : i32
    %add3A_199 = vector.broadcast %add3A_198 : i32 to vector<16xi32>
    %add3A_200 = arith.addi %add3A_199, %iota3A : vector<16xi32>
    %broadcast_in_dim3A_201 = arith.constant 0.000000e+00 : f32
    %broadcast_in_dim3A_202 = vector.broadcast %broadcast_in_dim3A_201 : f32 to vector<16xf32>
    %scan3A_203 = arith.constant 0 : i32
    %scan3A_204 = arith.constant 0 : i32
    %scan3A_205 = arith.constant 0 : i32
    %scan3A_206 = arith.constant 64 : i32
    %scan3A_207 = arith.addi %scan3A_205, %scan3A_206 : i32
    %scan3A_208 = arith.constant 1 : i32
    %scan3A_209 = scf.for %scan3A_693 = %scan3A_205 to %scan3A_207 step %scan3A_208 iter_args(%scan3A_694 = %broadcast_in_dim3A_202) -> (vector<16xf32>)  : i32 {
      %mul3A_695 = arith.constant 0 : i32
      %mul3A_696 = vector.broadcast %mul3A_695 : i32 to vector<16xi32>
      %mul3A_697 = arith.muli %iota3A, %mul3A_696 : vector<16xi32>
      %add3A_698 = vector.broadcast %scan3A_693 : i32 to vector<16xi32>
      %add3A_699 = arith.addi %mul3A_697, %add3A_698 : vector<16xi32>
      %gather3A = arith.constant 0 : i32
      %gather3A_700 = arith.constant 0 : i32
      %gather3A_701 = tpu.memref_slice %arg9[%scan3A_203, %gather3A, %gather3A_700] : memref<2x128x128xf32, #tpu.memory_space<vmem>> -> memref<1x128x128xf32, #tpu.memory_space<vmem>>
      %gather3A_702 = tpu.memref_squeeze %gather3A_701 : memref<1x128x128xf32, #tpu.memory_space<vmem>> -> memref<128x128xf32, #tpu.memory_space<vmem>>
      %gather3A_703 = tpu.vector_load_idx %gather3A_702[%add3A_200, %add3A_699] : memref<128x128xf32, #tpu.memory_space<vmem>>[vector<16xi32>, vector<16xi32>], vector<16xf32>,
      %gather3A_704 = arith.constant 0 : i32
      %gather3A_705 = arith.constant 0 : i32
      %gather3A_706 = tpu.memref_slice %arg10[%scan3A_204, %gather3A_704, %gather3A_705] : memref<2x128x128xf32, #tpu.memory_space<vmem>> -> memref<1x128x128xf32, #tpu.memory_space<vmem>>
      %gather3A_707 = tpu.memref_squeeze %gather3A_706 : memref<1x128x128xf32, #tpu.memory_space<vmem>> -> memref<128x128xf32, #tpu.memory_space<vmem>>
      %gather3A_708 = tpu.vector_load_idx %gather3A_707[%add3A_200, %add3A_699] : memref<128x128xf32, #tpu.memory_space<vmem>>[vector<16xi32>, vector<16xi32>], vector<16xf32>,
      %mul3A_709 = arith.mulf %gather3A_703, %gather3A_708 : vector<16xf32>
      %add3A_710 = arith.addf %scan3A_694, %mul3A_709 : vector<16xf32>
      scf.yield %add3A_710 : vector<16xf32>
    }
    %scan3A_210 = arith.constant 64 : i32
    %swap3A_211 = arith.constant 112 : index
    %swap3A_212 = tpu.vector_load %arg11[%swap3A_211] {strides = array<i32>} : memref<512xf32, #tpu.memory_space<vmem>>, vector<16xf32>,
    tpu.vector_store %arg11[%swap3A_211], %scan3A_209 {strides = array<i32>} : memref<512xf32, #tpu.memory_space<vmem>>, vector<16xf32>,
    %dma_start3A_213 = arith.constant 2 : i32
    %dma_start3A_214 = arith.constant 0 : i32
    %dma_start3A_215 = arith.constant 0 : i32
    %dma_start3A_216 = arith.constant 0 : i32
    %dma_start3A_217 = tpu.memref_slice %arg9[%dma_start3A_214, %dma_start3A_215, %dma_start3A_216] : memref<2x128x128xf32, #tpu.memory_space<vmem>> -> memref<1x128x128xf32, #tpu.memory_space<vmem>>
    %dma_start3A_218 = tpu.memref_squeeze %dma_start3A_217 : memref<1x128x128xf32, #tpu.memory_space<vmem>> -> memref<128x128xf32, #tpu.memory_space<vmem>>
    %dma_start3A_219 = arith.constant 0 : i32
    %dma_start3A_220 = tpu.memref_slice %arg7[%dma_start3A_213, %dma_start3A_219] : memref<4x128xi32, #tpu.memory_space<vmem>> -> memref<1x128xi32, #tpu.memory_space<vmem>>
    %dma_start3A_221 = tpu.memref_squeeze %dma_start3A_220 : memref<1x128xi32, #tpu.memory_space<vmem>> -> memref<128xi32, #tpu.memory_space<vmem>>
    %dma_start3A_222 = arith.constant 0 : i32
    %dma_start3A_223 = arith.constant 0 : i32
    %dma_start3A_224 = tpu.memref_slice %arg4[%dma_start3A_222, %dma_start3A_223] : memref<1000000x128xf32, #tpu.memory_space<hbm>> -> memref<1000000x128xf32, #tpu.memory_space<hbm>>
    tpu.enqueue_indirect_dma source(%dma_start3A_224 : memref<1000000x128xf32, #tpu.memory_space<hbm>>) target(%dma_start3A_218 : memref<128x128xf32, #tpu.memory_space<vmem>>) offsets(%dma_start3A_221 : memref<128xi32, #tpu.memory_space<vmem>>) semaphore(%arg12 : memref<!tpu.dma_semaphore, #tpu.memory_space<semaphore_mem>>)
    %dma_start3A_225 = arith.constant 2 : i32
    %dma_start3A_226 = arith.constant 0 : i32
    %dma_start3A_227 = arith.constant 0 : i32
    %dma_start3A_228 = arith.constant 0 : i32
    %dma_start3A_229 = tpu.memref_slice %arg10[%dma_start3A_226, %dma_start3A_227, %dma_start3A_228] : memref<2x128x128xf32, #tpu.memory_space<vmem>> -> memref<1x128x128xf32, #tpu.memory_space<vmem>>
    %dma_start3A_230 = tpu.memref_squeeze %dma_start3A_229 : memref<1x128x128xf32, #tpu.memory_space<vmem>> -> memref<128x128xf32, #tpu.memory_space<vmem>>
    %dma_start3A_231 = arith.constant 0 : i32
    %dma_start3A_232 = tpu.memref_slice %arg8[%dma_start3A_225, %dma_start3A_231] : memref<4x128xi32, #tpu.memory_space<vmem>> -> memref<1x128xi32, #tpu.memory_space<vmem>>
    %dma_start3A_233 = tpu.memref_squeeze %dma_start3A_232 : memref<1x128xi32, #tpu.memory_space<vmem>> -> memref<128xi32, #tpu.memory_space<vmem>>
    %dma_start3A_234 = arith.constant 0 : i32
    %dma_start3A_235 = arith.constant 0 : i32
    %dma_start3A_236 = tpu.memref_slice %arg5[%dma_start3A_234, %dma_start3A_235] : memref<100000x128xf32, #tpu.memory_space<hbm>> -> memref<100000x128xf32, #tpu.memory_space<hbm>>
    tpu.enqueue_indirect_dma source(%dma_start3A_236 : memref<100000x128xf32, #tpu.memory_space<hbm>>) target(%dma_start3A_230 : memref<128x128xf32, #tpu.memory_space<vmem>>) offsets(%dma_start3A_233 : memref<128xi32, #tpu.memory_space<vmem>>) semaphore(%arg12 : memref<!tpu.dma_semaphore, #tpu.memory_space<semaphore_mem>>)
    %dma_wait3A_237 = arith.constant 1 : i32
    %dma_wait3A_238 = arith.constant 1 : i32
    %dma_wait3A_239 = arith.constant 0 : i32
    %dma_wait3A_240 = arith.constant 0 : i32
    %dma_wait3A_241 = tpu.memref_slice %arg9[%dma_wait3A_238, %dma_wait3A_239, %dma_wait3A_240] : memref<2x128x128xf32, #tpu.memory_space<vmem>> -> memref<1x128x128xf32, #tpu.memory_space<vmem>>
    %dma_wait3A_242 = tpu.memref_squeeze %dma_wait3A_241 : memref<1x128x128xf32, #tpu.memory_space<vmem>> -> memref<128x128xf32, #tpu.memory_space<vmem>>
    %dma_wait3A_243 = arith.constant 0 : i32
    %dma_wait3A_244 = tpu.memref_slice %arg7[%dma_wait3A_237, %dma_wait3A_243] : memref<4x128xi32, #tpu.memory_space<vmem>> -> memref<1x128xi32, #tpu.memory_space<vmem>>
    %dma_wait3A_245 = tpu.memref_squeeze %dma_wait3A_244 : memref<1x128xi32, #tpu.memory_space<vmem>> -> memref<128xi32, #tpu.memory_space<vmem>>
    %dma_wait3A_246 = arith.constant 0 : i32
    %dma_wait3A_247 = arith.constant 0 : i32
    %dma_wait3A_248 = tpu.memref_slice %arg4[%dma_wait3A_246, %dma_wait3A_247] : memref<1000000x128xf32, #tpu.memory_space<hbm>> -> memref<1000000x128xf32, #tpu.memory_space<hbm>>
    tpu.wait_indirect_dma semaphore(%arg13 : memref<!tpu.dma_semaphore, #tpu.memory_space<semaphore_mem>>) src(%dma_wait3A_248 : memref<1000000x128xf32, #tpu.memory_space<hbm>>) dst(%dma_wait3A_242 : memref<128x128xf32, #tpu.memory_space<vmem>>)
    %dma_wait3A_249 = arith.constant 1 : i32
    %dma_wait3A_250 = arith.constant 1 : i32
    %dma_wait3A_251 = arith.constant 0 : i32
    %dma_wait3A_252 = arith.constant 0 : i32
    %dma_wait3A_253 = tpu.memref_slice %arg10[%dma_wait3A_250, %dma_wait3A_251, %dma_wait3A_252] : memref<2x128x128xf32, #tpu.memory_space<vmem>> -> memref<1x128x128xf32, #tpu.memory_space<vmem>>
    %dma_wait3A_254 = tpu.memref_squeeze %dma_wait3A_253 : memref<1x128x128xf32, #tpu.memory_space<vmem>> -> memref<128x128xf32, #tpu.memory_space<vmem>>
    %dma_wait3A_255 = arith.constant 0 : i32
    %dma_wait3A_256 = tpu.memref_slice %arg8[%dma_wait3A_249, %dma_wait3A_255] : memref<4x128xi32, #tpu.memory_space<vmem>> -> memref<1x128xi32, #tpu.memory_space<vmem>>
    %dma_wait3A_257 = tpu.memref_squeeze %dma_wait3A_256 : memref<1x128xi32, #tpu.memory_space<vmem>> -> memref<128xi32, #tpu.memory_space<vmem>>
    %dma_wait3A_258 = arith.constant 0 : i32
    %dma_wait3A_259 = arith.constant 0 : i32
    %dma_wait3A_260 = tpu.memref_slice %arg5[%dma_wait3A_258, %dma_wait3A_259] : memref<100000x128xf32, #tpu.memory_space<hbm>> -> memref<100000x128xf32, #tpu.memory_space<hbm>>
    tpu.wait_indirect_dma semaphore(%arg13 : memref<!tpu.dma_semaphore, #tpu.memory_space<semaphore_mem>>) src(%dma_wait3A_260 : memref<100000x128xf32, #tpu.memory_space<hbm>>) dst(%dma_wait3A_254 : memref<128x128xf32, #tpu.memory_space<vmem>>)
    %add3A_261 = arith.constant 0 : i32
    %add3A_262 = vector.broadcast %add3A_261 : i32 to vector<16xi32>
    %add3A_263 = arith.addi %add3A_262, %iota3A : vector<16xi32>
    %broadcast_in_dim3A_264 = arith.constant 0.000000e+00 : f32
    %broadcast_in_dim3A_265 = vector.broadcast %broadcast_in_dim3A_264 : f32 to vector<16xf32>
    %scan3A_266 = arith.constant 1 : i32
    %scan3A_267 = arith.constant 1 : i32
    %scan3A_268 = arith.constant 0 : i32
    %scan3A_269 = arith.constant 64 : i32
    %scan3A_270 = arith.addi %scan3A_268, %scan3A_269 : i32
    %scan3A_271 = arith.constant 1 : i32
    %scan3A_272 = scf.for %scan3A_693 = %scan3A_268 to %scan3A_270 step %scan3A_271 iter_args(%scan3A_694 = %broadcast_in_dim3A_265) -> (vector<16xf32>)  : i32 {
      %mul3A_695 = arith.constant 0 : i32
      %mul3A_696 = vector.broadcast %mul3A_695 : i32 to vector<16xi32>
      %mul3A_697 = arith.muli %iota3A, %mul3A_696 : vector<16xi32>
      %add3A_698 = vector.broadcast %scan3A_693 : i32 to vector<16xi32>
      %add3A_699 = arith.addi %mul3A_697, %add3A_698 : vector<16xi32>
      %gather3A = arith.constant 0 : i32
      %gather3A_700 = arith.constant 0 : i32
      %gather3A_701 = tpu.memref_slice %arg9[%scan3A_266, %gather3A, %gather3A_700] : memref<2x128x128xf32, #tpu.memory_space<vmem>> -> memref<1x128x128xf32, #tpu.memory_space<vmem>>
      %gather3A_702 = tpu.memref_squeeze %gather3A_701 : memref<1x128x128xf32, #tpu.memory_space<vmem>> -> memref<128x128xf32, #tpu.memory_space<vmem>>
      %gather3A_703 = tpu.vector_load_idx %gather3A_702[%add3A_263, %add3A_699] : memref<128x128xf32, #tpu.memory_space<vmem>>[vector<16xi32>, vector<16xi32>], vector<16xf32>,
      %gather3A_704 = arith.constant 0 : i32
      %gather3A_705 = arith.constant 0 : i32
      %gather3A_706 = tpu.memref_slice %arg10[%scan3A_267, %gather3A_704, %gather3A_705] : memref<2x128x128xf32, #tpu.memory_space<vmem>> -> memref<1x128x128xf32, #tpu.memory_space<vmem>>
      %gather3A_707 = tpu.memref_squeeze %gather3A_706 : memref<1x128x128xf32, #tpu.memory_space<vmem>> -> memref<128x128xf32, #tpu.memory_space<vmem>>
      %gather3A_708 = tpu.vector_load_idx %gather3A_707[%add3A_263, %add3A_699] : memref<128x128xf32, #tpu.memory_space<vmem>>[vector<16xi32>, vector<16xi32>], vector<16xf32>,
      %mul3A_709 = arith.mulf %gather3A_703, %gather3A_708 : vector<16xf32>
      %add3A_710 = arith.addf %scan3A_694, %mul3A_709 : vector<16xf32>
      scf.yield %add3A_710 : vector<16xf32>
    }
    %scan3A_273 = arith.constant 64 : i32
    %swap3A_274 = arith.constant 128 : index
    %swap3A_275 = tpu.vector_load %arg11[%swap3A_274] {strides = array<i32>} : memref<512xf32, #tpu.memory_space<vmem>>, vector<16xf32>,
    tpu.vector_store %arg11[%swap3A_274], %scan3A_272 {strides = array<i32>} : memref<512xf32, #tpu.memory_space<vmem>>, vector<16xf32>,
    %add3A_276 = arith.constant 16 : i32
    %add3A_277 = vector.broadcast %add3A_276 : i32 to vector<16xi32>
    %add3A_278 = arith.addi %add3A_277, %iota3A : vector<16xi32>
    %broadcast_in_dim3A_279 = arith.constant 0.000000e+00 : f32
    %broadcast_in_dim3A_280 = vector.broadcast %broadcast_in_dim3A_279 : f32 to vector<16xf32>
    %scan3A_281 = arith.constant 1 : i32
    %scan3A_282 = arith.constant 1 : i32
    %scan3A_283 = arith.constant 0 : i32
    %scan3A_284 = arith.constant 64 : i32
    %scan3A_285 = arith.addi %scan3A_283, %scan3A_284 : i32
    %scan3A_286 = arith.constant 1 : i32
    %scan3A_287 = scf.for %scan3A_693 = %scan3A_283 to %scan3A_285 step %scan3A_286 iter_args(%scan3A_694 = %broadcast_in_dim3A_280) -> (vector<16xf32>)  : i32 {
      %mul3A_695 = arith.constant 0 : i32
      %mul3A_696 = vector.broadcast %mul3A_695 : i32 to vector<16xi32>
      %mul3A_697 = arith.muli %iota3A, %mul3A_696 : vector<16xi32>
      %add3A_698 = vector.broadcast %scan3A_693 : i32 to vector<16xi32>
      %add3A_699 = arith.addi %mul3A_697, %add3A_698 : vector<16xi32>
      %gather3A = arith.constant 0 : i32
      %gather3A_700 = arith.constant 0 : i32
      %gather3A_701 = tpu.memref_slice %arg9[%scan3A_281, %gather3A, %gather3A_700] : memref<2x128x128xf32, #tpu.memory_space<vmem>> -> memref<1x128x128xf32, #tpu.memory_space<vmem>>
      %gather3A_702 = tpu.memref_squeeze %gather3A_701 : memref<1x128x128xf32, #tpu.memory_space<vmem>> -> memref<128x128xf32, #tpu.memory_space<vmem>>
      %gather3A_703 = tpu.vector_load_idx %gather3A_702[%add3A_278, %add3A_699] : memref<128x128xf32, #tpu.memory_space<vmem>>[vector<16xi32>, vector<16xi32>], vector<16xf32>,
      %gather3A_704 = arith.constant 0 : i32
      %gather3A_705 = arith.constant 0 : i32
      %gather3A_706 = tpu.memref_slice %arg10[%scan3A_282, %gather3A_704, %gather3A_705] : memref<2x128x128xf32, #tpu.memory_space<vmem>> -> memref<1x128x128xf32, #tpu.memory_space<vmem>>
      %gather3A_707 = tpu.memref_squeeze %gather3A_706 : memref<1x128x128xf32, #tpu.memory_space<vmem>> -> memref<128x128xf32, #tpu.memory_space<vmem>>
      %gather3A_708 = tpu.vector_load_idx %gather3A_707[%add3A_278, %add3A_699] : memref<128x128xf32, #tpu.memory_space<vmem>>[vector<16xi32>, vector<16xi32>], vector<16xf32>,
      %mul3A_709 = arith.mulf %gather3A_703, %gather3A_708 : vector<16xf32>
      %add3A_710 = arith.addf %scan3A_694, %mul3A_709 : vector<16xf32>
      scf.yield %add3A_710 : vector<16xf32>
    }
    %scan3A_288 = arith.constant 64 : i32
    %swap3A_289 = arith.constant 144 : index
    %swap3A_290 = tpu.vector_load %arg11[%swap3A_289] {strides = array<i32>} : memref<512xf32, #tpu.memory_space<vmem>>, vector<16xf32>,
    tpu.vector_store %arg11[%swap3A_289], %scan3A_287 {strides = array<i32>} : memref<512xf32, #tpu.memory_space<vmem>>, vector<16xf32>,
    %add3A_291 = arith.constant 32 : i32
    %add3A_292 = vector.broadcast %add3A_291 : i32 to vector<16xi32>
    %add3A_293 = arith.addi %add3A_292, %iota3A : vector<16xi32>
    %broadcast_in_dim3A_294 = arith.constant 0.000000e+00 : f32
    %broadcast_in_dim3A_295 = vector.broadcast %broadcast_in_dim3A_294 : f32 to vector<16xf32>
    %scan3A_296 = arith.constant 1 : i32
    %scan3A_297 = arith.constant 1 : i32
    %scan3A_298 = arith.constant 0 : i32
    %scan3A_299 = arith.constant 64 : i32
    %scan3A_300 = arith.addi %scan3A_298, %scan3A_299 : i32
    %scan3A_301 = arith.constant 1 : i32
    %scan3A_302 = scf.for %scan3A_693 = %scan3A_298 to %scan3A_300 step %scan3A_301 iter_args(%scan3A_694 = %broadcast_in_dim3A_295) -> (vector<16xf32>)  : i32 {
      %mul3A_695 = arith.constant 0 : i32
      %mul3A_696 = vector.broadcast %mul3A_695 : i32 to vector<16xi32>
      %mul3A_697 = arith.muli %iota3A, %mul3A_696 : vector<16xi32>
      %add3A_698 = vector.broadcast %scan3A_693 : i32 to vector<16xi32>
      %add3A_699 = arith.addi %mul3A_697, %add3A_698 : vector<16xi32>
      %gather3A = arith.constant 0 : i32
      %gather3A_700 = arith.constant 0 : i32
      %gather3A_701 = tpu.memref_slice %arg9[%scan3A_296, %gather3A, %gather3A_700] : memref<2x128x128xf32, #tpu.memory_space<vmem>> -> memref<1x128x128xf32, #tpu.memory_space<vmem>>
      %gather3A_702 = tpu.memref_squeeze %gather3A_701 : memref<1x128x128xf32, #tpu.memory_space<vmem>> -> memref<128x128xf32, #tpu.memory_space<vmem>>
      %gather3A_703 = tpu.vector_load_idx %gather3A_702[%add3A_293, %add3A_699] : memref<128x128xf32, #tpu.memory_space<vmem>>[vector<16xi32>, vector<16xi32>], vector<16xf32>,
      %gather3A_704 = arith.constant 0 : i32
      %gather3A_705 = arith.constant 0 : i32
      %gather3A_706 = tpu.memref_slice %arg10[%scan3A_297, %gather3A_704, %gather3A_705] : memref<2x128x128xf32, #tpu.memory_space<vmem>> -> memref<1x128x128xf32, #tpu.memory_space<vmem>>
      %gather3A_707 = tpu.memref_squeeze %gather3A_706 : memref<1x128x128xf32, #tpu.memory_space<vmem>> -> memref<128x128xf32, #tpu.memory_space<vmem>>
      %gather3A_708 = tpu.vector_load_idx %gather3A_707[%add3A_293, %add3A_699] : memref<128x128xf32, #tpu.memory_space<vmem>>[vector<16xi32>, vector<16xi32>], vector<16xf32>,
      %mul3A_709 = arith.mulf %gather3A_703, %gather3A_708 : vector<16xf32>
      %add3A_710 = arith.addf %scan3A_694, %mul3A_709 : vector<16xf32>
      scf.yield %add3A_710 : vector<16xf32>
    }
    %scan3A_303 = arith.constant 64 : i32
    %swap3A_304 = arith.constant 160 : index
    %swap3A_305 = tpu.vector_load %arg11[%swap3A_304] {strides = array<i32>} : memref<512xf32, #tpu.memory_space<vmem>>, vector<16xf32>,
    tpu.vector_store %arg11[%swap3A_304], %scan3A_302 {strides = array<i32>} : memref<512xf32, #tpu.memory_space<vmem>>, vector<16xf32>,
    %add3A_306 = arith.constant 48 : i32
    %add3A_307 = vector.broadcast %add3A_306 : i32 to vector<16xi32>
    %add3A_308 = arith.addi %add3A_307, %iota3A : vector<16xi32>
    %broadcast_in_dim3A_309 = arith.constant 0.000000e+00 : f32
    %broadcast_in_dim3A_310 = vector.broadcast %broadcast_in_dim3A_309 : f32 to vector<16xf32>
    %scan3A_311 = arith.constant 1 : i32
    %scan3A_312 = arith.constant 1 : i32
    %scan3A_313 = arith.constant 0 : i32
    %scan3A_314 = arith.constant 64 : i32
    %scan3A_315 = arith.addi %scan3A_313, %scan3A_314 : i32
    %scan3A_316 = arith.constant 1 : i32
    %scan3A_317 = scf.for %scan3A_693 = %scan3A_313 to %scan3A_315 step %scan3A_316 iter_args(%scan3A_694 = %broadcast_in_dim3A_310) -> (vector<16xf32>)  : i32 {
      %mul3A_695 = arith.constant 0 : i32
      %mul3A_696 = vector.broadcast %mul3A_695 : i32 to vector<16xi32>
      %mul3A_697 = arith.muli %iota3A, %mul3A_696 : vector<16xi32>
      %add3A_698 = vector.broadcast %scan3A_693 : i32 to vector<16xi32>
      %add3A_699 = arith.addi %mul3A_697, %add3A_698 : vector<16xi32>
      %gather3A = arith.constant 0 : i32
      %gather3A_700 = arith.constant 0 : i32
      %gather3A_701 = tpu.memref_slice %arg9[%scan3A_311, %gather3A, %gather3A_700] : memref<2x128x128xf32, #tpu.memory_space<vmem>> -> memref<1x128x128xf32, #tpu.memory_space<vmem>>
      %gather3A_702 = tpu.memref_squeeze %gather3A_701 : memref<1x128x128xf32, #tpu.memory_space<vmem>> -> memref<128x128xf32, #tpu.memory_space<vmem>>
      %gather3A_703 = tpu.vector_load_idx %gather3A_702[%add3A_308, %add3A_699] : memref<128x128xf32, #tpu.memory_space<vmem>>[vector<16xi32>, vector<16xi32>], vector<16xf32>,
      %gather3A_704 = arith.constant 0 : i32
      %gather3A_705 = arith.constant 0 : i32
      %gather3A_706 = tpu.memref_slice %arg10[%scan3A_312, %gather3A_704, %gather3A_705] : memref<2x128x128xf32, #tpu.memory_space<vmem>> -> memref<1x128x128xf32, #tpu.memory_space<vmem>>
      %gather3A_707 = tpu.memref_squeeze %gather3A_706 : memref<1x128x128xf32, #tpu.memory_space<vmem>> -> memref<128x128xf32, #tpu.memory_space<vmem>>
      %gather3A_708 = tpu.vector_load_idx %gather3A_707[%add3A_308, %add3A_699] : memref<128x128xf32, #tpu.memory_space<vmem>>[vector<16xi32>, vector<16xi32>], vector<16xf32>,
      %mul3A_709 = arith.mulf %gather3A_703, %gather3A_708 : vector<16xf32>
      %add3A_710 = arith.addf %scan3A_694, %mul3A_709 : vector<16xf32>
      scf.yield %add3A_710 : vector<16xf32>
    }
    %scan3A_318 = arith.constant 64 : i32
    %swap3A_319 = arith.constant 176 : index
    %swap3A_320 = tpu.vector_load %arg11[%swap3A_319] {strides = array<i32>} : memref<512xf32, #tpu.memory_space<vmem>>, vector<16xf32>,
    tpu.vector_store %arg11[%swap3A_319], %scan3A_317 {strides = array<i32>} : memref<512xf32, #tpu.memory_space<vmem>>, vector<16xf32>,
    %add3A_321 = arith.constant 64 : i32
    %add3A_322 = vector.broadcast %add3A_321 : i32 to vector<16xi32>
    %add3A_323 = arith.addi %add3A_322, %iota3A : vector<16xi32>
    %broadcast_in_dim3A_324 = arith.constant 0.000000e+00 : f32
    %broadcast_in_dim3A_325 = vector.broadcast %broadcast_in_dim3A_324 : f32 to vector<16xf32>
    %scan3A_326 = arith.constant 1 : i32
    %scan3A_327 = arith.constant 1 : i32
    %scan3A_328 = arith.constant 0 : i32
    %scan3A_329 = arith.constant 64 : i32
    %scan3A_330 = arith.addi %scan3A_328, %scan3A_329 : i32
    %scan3A_331 = arith.constant 1 : i32
    %scan3A_332 = scf.for %scan3A_693 = %scan3A_328 to %scan3A_330 step %scan3A_331 iter_args(%scan3A_694 = %broadcast_in_dim3A_325) -> (vector<16xf32>)  : i32 {
      %mul3A_695 = arith.constant 0 : i32
      %mul3A_696 = vector.broadcast %mul3A_695 : i32 to vector<16xi32>
      %mul3A_697 = arith.muli %iota3A, %mul3A_696 : vector<16xi32>
      %add3A_698 = vector.broadcast %scan3A_693 : i32 to vector<16xi32>
      %add3A_699 = arith.addi %mul3A_697, %add3A_698 : vector<16xi32>
      %gather3A = arith.constant 0 : i32
      %gather3A_700 = arith.constant 0 : i32
      %gather3A_701 = tpu.memref_slice %arg9[%scan3A_326, %gather3A, %gather3A_700] : memref<2x128x128xf32, #tpu.memory_space<vmem>> -> memref<1x128x128xf32, #tpu.memory_space<vmem>>
      %gather3A_702 = tpu.memref_squeeze %gather3A_701 : memref<1x128x128xf32, #tpu.memory_space<vmem>> -> memref<128x128xf32, #tpu.memory_space<vmem>>
      %gather3A_703 = tpu.vector_load_idx %gather3A_702[%add3A_323, %add3A_699] : memref<128x128xf32, #tpu.memory_space<vmem>>[vector<16xi32>, vector<16xi32>], vector<16xf32>,
      %gather3A_704 = arith.constant 0 : i32
      %gather3A_705 = arith.constant 0 : i32
      %gather3A_706 = tpu.memref_slice %arg10[%scan3A_327, %gather3A_704, %gather3A_705] : memref<2x128x128xf32, #tpu.memory_space<vmem>> -> memref<1x128x128xf32, #tpu.memory_space<vmem>>
      %gather3A_707 = tpu.memref_squeeze %gather3A_706 : memref<1x128x128xf32, #tpu.memory_space<vmem>> -> memref<128x128xf32, #tpu.memory_space<vmem>>
      %gather3A_708 = tpu.vector_load_idx %gather3A_707[%add3A_323, %add3A_699] : memref<128x128xf32, #tpu.memory_space<vmem>>[vector<16xi32>, vector<16xi32>], vector<16xf32>,
      %mul3A_709 = arith.mulf %gather3A_703, %gather3A_708 : vector<16xf32>
      %add3A_710 = arith.addf %scan3A_694, %mul3A_709 : vector<16xf32>
      scf.yield %add3A_710 : vector<16xf32>
    }
    %scan3A_333 = arith.constant 64 : i32
    %swap3A_334 = arith.constant 192 : index
    %swap3A_335 = tpu.vector_load %arg11[%swap3A_334] {strides = array<i32>} : memref<512xf32, #tpu.memory_space<vmem>>, vector<16xf32>,
    tpu.vector_store %arg11[%swap3A_334], %scan3A_332 {strides = array<i32>} : memref<512xf32, #tpu.memory_space<vmem>>, vector<16xf32>,
    %add3A_336 = arith.constant 80 : i32
    %add3A_337 = vector.broadcast %add3A_336 : i32 to vector<16xi32>
    %add3A_338 = arith.addi %add3A_337, %iota3A : vector<16xi32>
    %broadcast_in_dim3A_339 = arith.constant 0.000000e+00 : f32
    %broadcast_in_dim3A_340 = vector.broadcast %broadcast_in_dim3A_339 : f32 to vector<16xf32>
    %scan3A_341 = arith.constant 1 : i32
    %scan3A_342 = arith.constant 1 : i32
    %scan3A_343 = arith.constant 0 : i32
    %scan3A_344 = arith.constant 64 : i32
    %scan3A_345 = arith.addi %scan3A_343, %scan3A_344 : i32
    %scan3A_346 = arith.constant 1 : i32
    %scan3A_347 = scf.for %scan3A_693 = %scan3A_343 to %scan3A_345 step %scan3A_346 iter_args(%scan3A_694 = %broadcast_in_dim3A_340) -> (vector<16xf32>)  : i32 {
      %mul3A_695 = arith.constant 0 : i32
      %mul3A_696 = vector.broadcast %mul3A_695 : i32 to vector<16xi32>
      %mul3A_697 = arith.muli %iota3A, %mul3A_696 : vector<16xi32>
      %add3A_698 = vector.broadcast %scan3A_693 : i32 to vector<16xi32>
      %add3A_699 = arith.addi %mul3A_697, %add3A_698 : vector<16xi32>
      %gather3A = arith.constant 0 : i32
      %gather3A_700 = arith.constant 0 : i32
      %gather3A_701 = tpu.memref_slice %arg9[%scan3A_341, %gather3A, %gather3A_700] : memref<2x128x128xf32, #tpu.memory_space<vmem>> -> memref<1x128x128xf32, #tpu.memory_space<vmem>>
      %gather3A_702 = tpu.memref_squeeze %gather3A_701 : memref<1x128x128xf32, #tpu.memory_space<vmem>> -> memref<128x128xf32, #tpu.memory_space<vmem>>
      %gather3A_703 = tpu.vector_load_idx %gather3A_702[%add3A_338, %add3A_699] : memref<128x128xf32, #tpu.memory_space<vmem>>[vector<16xi32>, vector<16xi32>], vector<16xf32>,
      %gather3A_704 = arith.constant 0 : i32
      %gather3A_705 = arith.constant 0 : i32
      %gather3A_706 = tpu.memref_slice %arg10[%scan3A_342, %gather3A_704, %gather3A_705] : memref<2x128x128xf32, #tpu.memory_space<vmem>> -> memref<1x128x128xf32, #tpu.memory_space<vmem>>
      %gather3A_707 = tpu.memref_squeeze %gather3A_706 : memref<1x128x128xf32, #tpu.memory_space<vmem>> -> memref<128x128xf32, #tpu.memory_space<vmem>>
      %gather3A_708 = tpu.vector_load_idx %gather3A_707[%add3A_338, %add3A_699] : memref<128x128xf32, #tpu.memory_space<vmem>>[vector<16xi32>, vector<16xi32>], vector<16xf32>,
      %mul3A_709 = arith.mulf %gather3A_703, %gather3A_708 : vector<16xf32>
      %add3A_710 = arith.addf %scan3A_694, %mul3A_709 : vector<16xf32>
      scf.yield %add3A_710 : vector<16xf32>
    }
    %scan3A_348 = arith.constant 64 : i32
    %swap3A_349 = arith.constant 208 : index
    %swap3A_350 = tpu.vector_load %arg11[%swap3A_349] {strides = array<i32>} : memref<512xf32, #tpu.memory_space<vmem>>, vector<16xf32>,
    tpu.vector_store %arg11[%swap3A_349], %scan3A_347 {strides = array<i32>} : memref<512xf32, #tpu.memory_space<vmem>>, vector<16xf32>,
    %add3A_351 = arith.constant 96 : i32
    %add3A_352 = vector.broadcast %add3A_351 : i32 to vector<16xi32>
    %add3A_353 = arith.addi %add3A_352, %iota3A : vector<16xi32>
    %broadcast_in_dim3A_354 = arith.constant 0.000000e+00 : f32
    %broadcast_in_dim3A_355 = vector.broadcast %broadcast_in_dim3A_354 : f32 to vector<16xf32>
    %scan3A_356 = arith.constant 1 : i32
    %scan3A_357 = arith.constant 1 : i32
    %scan3A_358 = arith.constant 0 : i32
    %scan3A_359 = arith.constant 64 : i32
    %scan3A_360 = arith.addi %scan3A_358, %scan3A_359 : i32
    %scan3A_361 = arith.constant 1 : i32
    %scan3A_362 = scf.for %scan3A_693 = %scan3A_358 to %scan3A_360 step %scan3A_361 iter_args(%scan3A_694 = %broadcast_in_dim3A_355) -> (vector<16xf32>)  : i32 {
      %mul3A_695 = arith.constant 0 : i32
      %mul3A_696 = vector.broadcast %mul3A_695 : i32 to vector<16xi32>
      %mul3A_697 = arith.muli %iota3A, %mul3A_696 : vector<16xi32>
      %add3A_698 = vector.broadcast %scan3A_693 : i32 to vector<16xi32>
      %add3A_699 = arith.addi %mul3A_697, %add3A_698 : vector<16xi32>
      %gather3A = arith.constant 0 : i32
      %gather3A_700 = arith.constant 0 : i32
      %gather3A_701 = tpu.memref_slice %arg9[%scan3A_356, %gather3A, %gather3A_700] : memref<2x128x128xf32, #tpu.memory_space<vmem>> -> memref<1x128x128xf32, #tpu.memory_space<vmem>>
      %gather3A_702 = tpu.memref_squeeze %gather3A_701 : memref<1x128x128xf32, #tpu.memory_space<vmem>> -> memref<128x128xf32, #tpu.memory_space<vmem>>
      %gather3A_703 = tpu.vector_load_idx %gather3A_702[%add3A_353, %add3A_699] : memref<128x128xf32, #tpu.memory_space<vmem>>[vector<16xi32>, vector<16xi32>], vector<16xf32>,
      %gather3A_704 = arith.constant 0 : i32
      %gather3A_705 = arith.constant 0 : i32
      %gather3A_706 = tpu.memref_slice %arg10[%scan3A_357, %gather3A_704, %gather3A_705] : memref<2x128x128xf32, #tpu.memory_space<vmem>> -> memref<1x128x128xf32, #tpu.memory_space<vmem>>
      %gather3A_707 = tpu.memref_squeeze %gather3A_706 : memref<1x128x128xf32, #tpu.memory_space<vmem>> -> memref<128x128xf32, #tpu.memory_space<vmem>>
      %gather3A_708 = tpu.vector_load_idx %gather3A_707[%add3A_353, %add3A_699] : memref<128x128xf32, #tpu.memory_space<vmem>>[vector<16xi32>, vector<16xi32>], vector<16xf32>,
      %mul3A_709 = arith.mulf %gather3A_703, %gather3A_708 : vector<16xf32>
      %add3A_710 = arith.addf %scan3A_694, %mul3A_709 : vector<16xf32>
      scf.yield %add3A_710 : vector<16xf32>
    }
    %scan3A_363 = arith.constant 64 : i32
    %swap3A_364 = arith.constant 224 : index
    %swap3A_365 = tpu.vector_load %arg11[%swap3A_364] {strides = array<i32>} : memref<512xf32, #tpu.memory_space<vmem>>, vector<16xf32>,
    tpu.vector_store %arg11[%swap3A_364], %scan3A_362 {strides = array<i32>} : memref<512xf32, #tpu.memory_space<vmem>>, vector<16xf32>,
    %add3A_366 = arith.constant 112 : i32
    %add3A_367 = vector.broadcast %add3A_366 : i32 to vector<16xi32>
    %add3A_368 = arith.addi %add3A_367, %iota3A : vector<16xi32>
    %broadcast_in_dim3A_369 = arith.constant 0.000000e+00 : f32
    %broadcast_in_dim3A_370 = vector.broadcast %broadcast_in_dim3A_369 : f32 to vector<16xf32>
    %scan3A_371 = arith.constant 1 : i32
    %scan3A_372 = arith.constant 1 : i32
    %scan3A_373 = arith.constant 0 : i32
    %scan3A_374 = arith.constant 64 : i32
    %scan3A_375 = arith.addi %scan3A_373, %scan3A_374 : i32
    %scan3A_376 = arith.constant 1 : i32
    %scan3A_377 = scf.for %scan3A_693 = %scan3A_373 to %scan3A_375 step %scan3A_376 iter_args(%scan3A_694 = %broadcast_in_dim3A_370) -> (vector<16xf32>)  : i32 {
      %mul3A_695 = arith.constant 0 : i32
      %mul3A_696 = vector.broadcast %mul3A_695 : i32 to vector<16xi32>
      %mul3A_697 = arith.muli %iota3A, %mul3A_696 : vector<16xi32>
      %add3A_698 = vector.broadcast %scan3A_693 : i32 to vector<16xi32>
      %add3A_699 = arith.addi %mul3A_697, %add3A_698 : vector<16xi32>
      %gather3A = arith.constant 0 : i32
      %gather3A_700 = arith.constant 0 : i32
      %gather3A_701 = tpu.memref_slice %arg9[%scan3A_371, %gather3A, %gather3A_700] : memref<2x128x128xf32, #tpu.memory_space<vmem>> -> memref<1x128x128xf32, #tpu.memory_space<vmem>>
      %gather3A_702 = tpu.memref_squeeze %gather3A_701 : memref<1x128x128xf32, #tpu.memory_space<vmem>> -> memref<128x128xf32, #tpu.memory_space<vmem>>
      %gather3A_703 = tpu.vector_load_idx %gather3A_702[%add3A_368, %add3A_699] : memref<128x128xf32, #tpu.memory_space<vmem>>[vector<16xi32>, vector<16xi32>], vector<16xf32>,
      %gather3A_704 = arith.constant 0 : i32
      %gather3A_705 = arith.constant 0 : i32
      %gather3A_706 = tpu.memref_slice %arg10[%scan3A_372, %gather3A_704, %gather3A_705] : memref<2x128x128xf32, #tpu.memory_space<vmem>> -> memref<1x128x128xf32, #tpu.memory_space<vmem>>
      %gather3A_707 = tpu.memref_squeeze %gather3A_706 : memref<1x128x128xf32, #tpu.memory_space<vmem>> -> memref<128x128xf32, #tpu.memory_space<vmem>>
      %gather3A_708 = tpu.vector_load_idx %gather3A_707[%add3A_368, %add3A_699] : memref<128x128xf32, #tpu.memory_space<vmem>>[vector<16xi32>, vector<16xi32>], vector<16xf32>,
      %mul3A_709 = arith.mulf %gather3A_703, %gather3A_708 : vector<16xf32>
      %add3A_710 = arith.addf %scan3A_694, %mul3A_709 : vector<16xf32>
      scf.yield %add3A_710 : vector<16xf32>
    }
    %scan3A_378 = arith.constant 64 : i32
    %swap3A_379 = arith.constant 240 : index
    %swap3A_380 = tpu.vector_load %arg11[%swap3A_379] {strides = array<i32>} : memref<512xf32, #tpu.memory_space<vmem>>, vector<16xf32>,
    tpu.vector_store %arg11[%swap3A_379], %scan3A_377 {strides = array<i32>} : memref<512xf32, #tpu.memory_space<vmem>>, vector<16xf32>,
    %dma_start3A_381 = arith.constant 3 : i32
    %dma_start3A_382 = arith.constant 1 : i32
    %dma_start3A_383 = arith.constant 0 : i32
    %dma_start3A_384 = arith.constant 0 : i32
    %dma_start3A_385 = tpu.memref_slice %arg9[%dma_start3A_382, %dma_start3A_383, %dma_start3A_384] : memref<2x128x128xf32, #tpu.memory_space<vmem>> -> memref<1x128x128xf32, #tpu.memory_space<vmem>>
    %dma_start3A_386 = tpu.memref_squeeze %dma_start3A_385 : memref<1x128x128xf32, #tpu.memory_space<vmem>> -> memref<128x128xf32, #tpu.memory_space<vmem>>
    %dma_start3A_387 = arith.constant 0 : i32
    %dma_start3A_388 = tpu.memref_slice %arg7[%dma_start3A_381, %dma_start3A_387] : memref<4x128xi32, #tpu.memory_space<vmem>> -> memref<1x128xi32, #tpu.memory_space<vmem>>
    %dma_start3A_389 = tpu.memref_squeeze %dma_start3A_388 : memref<1x128xi32, #tpu.memory_space<vmem>> -> memref<128xi32, #tpu.memory_space<vmem>>
    %dma_start3A_390 = arith.constant 0 : i32
    %dma_start3A_391 = arith.constant 0 : i32
    %dma_start3A_392 = tpu.memref_slice %arg4[%dma_start3A_390, %dma_start3A_391] : memref<1000000x128xf32, #tpu.memory_space<hbm>> -> memref<1000000x128xf32, #tpu.memory_space<hbm>>
    tpu.enqueue_indirect_dma source(%dma_start3A_392 : memref<1000000x128xf32, #tpu.memory_space<hbm>>) target(%dma_start3A_386 : memref<128x128xf32, #tpu.memory_space<vmem>>) offsets(%dma_start3A_389 : memref<128xi32, #tpu.memory_space<vmem>>) semaphore(%arg13 : memref<!tpu.dma_semaphore, #tpu.memory_space<semaphore_mem>>)
    %dma_start3A_393 = arith.constant 3 : i32
    %dma_start3A_394 = arith.constant 1 : i32
    %dma_start3A_395 = arith.constant 0 : i32
    %dma_start3A_396 = arith.constant 0 : i32
    %dma_start3A_397 = tpu.memref_slice %arg10[%dma_start3A_394, %dma_start3A_395, %dma_start3A_396] : memref<2x128x128xf32, #tpu.memory_space<vmem>> -> memref<1x128x128xf32, #tpu.memory_space<vmem>>
    %dma_start3A_398 = tpu.memref_squeeze %dma_start3A_397 : memref<1x128x128xf32, #tpu.memory_space<vmem>> -> memref<128x128xf32, #tpu.memory_space<vmem>>
    %dma_start3A_399 = arith.constant 0 : i32
    %dma_start3A_400 = tpu.memref_slice %arg8[%dma_start3A_393, %dma_start3A_399] : memref<4x128xi32, #tpu.memory_space<vmem>> -> memref<1x128xi32, #tpu.memory_space<vmem>>
    %dma_start3A_401 = tpu.memref_squeeze %dma_start3A_400 : memref<1x128xi32, #tpu.memory_space<vmem>> -> memref<128xi32, #tpu.memory_space<vmem>>
    %dma_start3A_402 = arith.constant 0 : i32
    %dma_start3A_403 = arith.constant 0 : i32
    %dma_start3A_404 = tpu.memref_slice %arg5[%dma_start3A_402, %dma_start3A_403] : memref<100000x128xf32, #tpu.memory_space<hbm>> -> memref<100000x128xf32, #tpu.memory_space<hbm>>
    tpu.enqueue_indirect_dma source(%dma_start3A_404 : memref<100000x128xf32, #tpu.memory_space<hbm>>) target(%dma_start3A_398 : memref<128x128xf32, #tpu.memory_space<vmem>>) offsets(%dma_start3A_401 : memref<128xi32, #tpu.memory_space<vmem>>) semaphore(%arg13 : memref<!tpu.dma_semaphore, #tpu.memory_space<semaphore_mem>>)
    %dma_wait3A_405 = arith.constant 2 : i32
    %dma_wait3A_406 = arith.constant 0 : i32
    %dma_wait3A_407 = arith.constant 0 : i32
    %dma_wait3A_408 = arith.constant 0 : i32
    %dma_wait3A_409 = tpu.memref_slice %arg9[%dma_wait3A_406, %dma_wait3A_407, %dma_wait3A_408] : memref<2x128x128xf32, #tpu.memory_space<vmem>> -> memref<1x128x128xf32, #tpu.memory_space<vmem>>
    %dma_wait3A_410 = tpu.memref_squeeze %dma_wait3A_409 : memref<1x128x128xf32, #tpu.memory_space<vmem>> -> memref<128x128xf32, #tpu.memory_space<vmem>>
    %dma_wait3A_411 = arith.constant 0 : i32
    %dma_wait3A_412 = tpu.memref_slice %arg7[%dma_wait3A_405, %dma_wait3A_411] : memref<4x128xi32, #tpu.memory_space<vmem>> -> memref<1x128xi32, #tpu.memory_space<vmem>>
    %dma_wait3A_413 = tpu.memref_squeeze %dma_wait3A_412 : memref<1x128xi32, #tpu.memory_space<vmem>> -> memref<128xi32, #tpu.memory_space<vmem>>
    %dma_wait3A_414 = arith.constant 0 : i32
    %dma_wait3A_415 = arith.constant 0 : i32
    %dma_wait3A_416 = tpu.memref_slice %arg4[%dma_wait3A_414, %dma_wait3A_415] : memref<1000000x128xf32, #tpu.memory_space<hbm>> -> memref<1000000x128xf32, #tpu.memory_space<hbm>>
    tpu.wait_indirect_dma semaphore(%arg12 : memref<!tpu.dma_semaphore, #tpu.memory_space<semaphore_mem>>) src(%dma_wait3A_416 : memref<1000000x128xf32, #tpu.memory_space<hbm>>) dst(%dma_wait3A_410 : memref<128x128xf32, #tpu.memory_space<vmem>>)
    %dma_wait3A_417 = arith.constant 2 : i32
    %dma_wait3A_418 = arith.constant 0 : i32
    %dma_wait3A_419 = arith.constant 0 : i32
    %dma_wait3A_420 = arith.constant 0 : i32
    %dma_wait3A_421 = tpu.memref_slice %arg10[%dma_wait3A_418, %dma_wait3A_419, %dma_wait3A_420] : memref<2x128x128xf32, #tpu.memory_space<vmem>> -> memref<1x128x128xf32, #tpu.memory_space<vmem>>
    %dma_wait3A_422 = tpu.memref_squeeze %dma_wait3A_421 : memref<1x128x128xf32, #tpu.memory_space<vmem>> -> memref<128x128xf32, #tpu.memory_space<vmem>>
    %dma_wait3A_423 = arith.constant 0 : i32
    %dma_wait3A_424 = tpu.memref_slice %arg8[%dma_wait3A_417, %dma_wait3A_423] : memref<4x128xi32, #tpu.memory_space<vmem>> -> memref<1x128xi32, #tpu.memory_space<vmem>>
    %dma_wait3A_425 = tpu.memref_squeeze %dma_wait3A_424 : memref<1x128xi32, #tpu.memory_space<vmem>> -> memref<128xi32, #tpu.memory_space<vmem>>
    %dma_wait3A_426 = arith.constant 0 : i32
    %dma_wait3A_427 = arith.constant 0 : i32
    %dma_wait3A_428 = tpu.memref_slice %arg5[%dma_wait3A_426, %dma_wait3A_427] : memref<100000x128xf32, #tpu.memory_space<hbm>> -> memref<100000x128xf32, #tpu.memory_space<hbm>>
    tpu.wait_indirect_dma semaphore(%arg12 : memref<!tpu.dma_semaphore, #tpu.memory_space<semaphore_mem>>) src(%dma_wait3A_428 : memref<100000x128xf32, #tpu.memory_space<hbm>>) dst(%dma_wait3A_422 : memref<128x128xf32, #tpu.memory_space<vmem>>)
    %add3A_429 = arith.constant 0 : i32
    %add3A_430 = vector.broadcast %add3A_429 : i32 to vector<16xi32>
    %add3A_431 = arith.addi %add3A_430, %iota3A : vector<16xi32>
    %broadcast_in_dim3A_432 = arith.constant 0.000000e+00 : f32
    %broadcast_in_dim3A_433 = vector.broadcast %broadcast_in_dim3A_432 : f32 to vector<16xf32>
    %scan3A_434 = arith.constant 0 : i32
    %scan3A_435 = arith.constant 0 : i32
    %scan3A_436 = arith.constant 0 : i32
    %scan3A_437 = arith.constant 64 : i32
    %scan3A_438 = arith.addi %scan3A_436, %scan3A_437 : i32
    %scan3A_439 = arith.constant 1 : i32
    %scan3A_440 = scf.for %scan3A_693 = %scan3A_436 to %scan3A_438 step %scan3A_439 iter_args(%scan3A_694 = %broadcast_in_dim3A_433) -> (vector<16xf32>)  : i32 {
      %mul3A_695 = arith.constant 0 : i32
      %mul3A_696 = vector.broadcast %mul3A_695 : i32 to vector<16xi32>
      %mul3A_697 = arith.muli %iota3A, %mul3A_696 : vector<16xi32>
      %add3A_698 = vector.broadcast %scan3A_693 : i32 to vector<16xi32>
      %add3A_699 = arith.addi %mul3A_697, %add3A_698 : vector<16xi32>
      %gather3A = arith.constant 0 : i32
      %gather3A_700 = arith.constant 0 : i32
      %gather3A_701 = tpu.memref_slice %arg9[%scan3A_434, %gather3A, %gather3A_700] : memref<2x128x128xf32, #tpu.memory_space<vmem>> -> memref<1x128x128xf32, #tpu.memory_space<vmem>>
      %gather3A_702 = tpu.memref_squeeze %gather3A_701 : memref<1x128x128xf32, #tpu.memory_space<vmem>> -> memref<128x128xf32, #tpu.memory_space<vmem>>
      %gather3A_703 = tpu.vector_load_idx %gather3A_702[%add3A_431, %add3A_699] : memref<128x128xf32, #tpu.memory_space<vmem>>[vector<16xi32>, vector<16xi32>], vector<16xf32>,
      %gather3A_704 = arith.constant 0 : i32
      %gather3A_705 = arith.constant 0 : i32
      %gather3A_706 = tpu.memref_slice %arg10[%scan3A_435, %gather3A_704, %gather3A_705] : memref<2x128x128xf32, #tpu.memory_space<vmem>> -> memref<1x128x128xf32, #tpu.memory_space<vmem>>
      %gather3A_707 = tpu.memref_squeeze %gather3A_706 : memref<1x128x128xf32, #tpu.memory_space<vmem>> -> memref<128x128xf32, #tpu.memory_space<vmem>>
      %gather3A_708 = tpu.vector_load_idx %gather3A_707[%add3A_431, %add3A_699] : memref<128x128xf32, #tpu.memory_space<vmem>>[vector<16xi32>, vector<16xi32>], vector<16xf32>,
      %mul3A_709 = arith.mulf %gather3A_703, %gather3A_708 : vector<16xf32>
      %add3A_710 = arith.addf %scan3A_694, %mul3A_709 : vector<16xf32>
      scf.yield %add3A_710 : vector<16xf32>
    }
    %scan3A_441 = arith.constant 64 : i32
    %swap3A_442 = arith.constant 256 : index
    %swap3A_443 = tpu.vector_load %arg11[%swap3A_442] {strides = array<i32>} : memref<512xf32, #tpu.memory_space<vmem>>, vector<16xf32>,
    tpu.vector_store %arg11[%swap3A_442], %scan3A_440 {strides = array<i32>} : memref<512xf32, #tpu.memory_space<vmem>>, vector<16xf32>,
    %add3A_444 = arith.constant 16 : i32
    %add3A_445 = vector.broadcast %add3A_444 : i32 to vector<16xi32>
    %add3A_446 = arith.addi %add3A_445, %iota3A : vector<16xi32>
    %broadcast_in_dim3A_447 = arith.constant 0.000000e+00 : f32
    %broadcast_in_dim3A_448 = vector.broadcast %broadcast_in_dim3A_447 : f32 to vector<16xf32>
    %scan3A_449 = arith.constant 0 : i32
    %scan3A_450 = arith.constant 0 : i32
    %scan3A_451 = arith.constant 0 : i32
    %scan3A_452 = arith.constant 64 : i32
    %scan3A_453 = arith.addi %scan3A_451, %scan3A_452 : i32
    %scan3A_454 = arith.constant 1 : i32
    %scan3A_455 = scf.for %scan3A_693 = %scan3A_451 to %scan3A_453 step %scan3A_454 iter_args(%scan3A_694 = %broadcast_in_dim3A_448) -> (vector<16xf32>)  : i32 {
      %mul3A_695 = arith.constant 0 : i32
      %mul3A_696 = vector.broadcast %mul3A_695 : i32 to vector<16xi32>
      %mul3A_697 = arith.muli %iota3A, %mul3A_696 : vector<16xi32>
      %add3A_698 = vector.broadcast %scan3A_693 : i32 to vector<16xi32>
      %add3A_699 = arith.addi %mul3A_697, %add3A_698 : vector<16xi32>
      %gather3A = arith.constant 0 : i32
      %gather3A_700 = arith.constant 0 : i32
      %gather3A_701 = tpu.memref_slice %arg9[%scan3A_449, %gather3A, %gather3A_700] : memref<2x128x128xf32, #tpu.memory_space<vmem>> -> memref<1x128x128xf32, #tpu.memory_space<vmem>>
      %gather3A_702 = tpu.memref_squeeze %gather3A_701 : memref<1x128x128xf32, #tpu.memory_space<vmem>> -> memref<128x128xf32, #tpu.memory_space<vmem>>
      %gather3A_703 = tpu.vector_load_idx %gather3A_702[%add3A_446, %add3A_699] : memref<128x128xf32, #tpu.memory_space<vmem>>[vector<16xi32>, vector<16xi32>], vector<16xf32>,
      %gather3A_704 = arith.constant 0 : i32
      %gather3A_705 = arith.constant 0 : i32
      %gather3A_706 = tpu.memref_slice %arg10[%scan3A_450, %gather3A_704, %gather3A_705] : memref<2x128x128xf32, #tpu.memory_space<vmem>> -> memref<1x128x128xf32, #tpu.memory_space<vmem>>
      %gather3A_707 = tpu.memref_squeeze %gather3A_706 : memref<1x128x128xf32, #tpu.memory_space<vmem>> -> memref<128x128xf32, #tpu.memory_space<vmem>>
      %gather3A_708 = tpu.vector_load_idx %gather3A_707[%add3A_446, %add3A_699] : memref<128x128xf32, #tpu.memory_space<vmem>>[vector<16xi32>, vector<16xi32>], vector<16xf32>,
      %mul3A_709 = arith.mulf %gather3A_703, %gather3A_708 : vector<16xf32>
      %add3A_710 = arith.addf %scan3A_694, %mul3A_709 : vector<16xf32>
      scf.yield %add3A_710 : vector<16xf32>
    }
    %scan3A_456 = arith.constant 64 : i32
    %swap3A_457 = arith.constant 272 : index
    %swap3A_458 = tpu.vector_load %arg11[%swap3A_457] {strides = array<i32>} : memref<512xf32, #tpu.memory_space<vmem>>, vector<16xf32>,
    tpu.vector_store %arg11[%swap3A_457], %scan3A_455 {strides = array<i32>} : memref<512xf32, #tpu.memory_space<vmem>>, vector<16xf32>,
    %add3A_459 = arith.constant 32 : i32
    %add3A_460 = vector.broadcast %add3A_459 : i32 to vector<16xi32>
    %add3A_461 = arith.addi %add3A_460, %iota3A : vector<16xi32>
    %broadcast_in_dim3A_462 = arith.constant 0.000000e+00 : f32
    %broadcast_in_dim3A_463 = vector.broadcast %broadcast_in_dim3A_462 : f32 to vector<16xf32>
    %scan3A_464 = arith.constant 0 : i32
    %scan3A_465 = arith.constant 0 : i32
    %scan3A_466 = arith.constant 0 : i32
    %scan3A_467 = arith.constant 64 : i32
    %scan3A_468 = arith.addi %scan3A_466, %scan3A_467 : i32
    %scan3A_469 = arith.constant 1 : i32
    %scan3A_470 = scf.for %scan3A_693 = %scan3A_466 to %scan3A_468 step %scan3A_469 iter_args(%scan3A_694 = %broadcast_in_dim3A_463) -> (vector<16xf32>)  : i32 {
      %mul3A_695 = arith.constant 0 : i32
      %mul3A_696 = vector.broadcast %mul3A_695 : i32 to vector<16xi32>
      %mul3A_697 = arith.muli %iota3A, %mul3A_696 : vector<16xi32>
      %add3A_698 = vector.broadcast %scan3A_693 : i32 to vector<16xi32>
      %add3A_699 = arith.addi %mul3A_697, %add3A_698 : vector<16xi32>
      %gather3A = arith.constant 0 : i32
      %gather3A_700 = arith.constant 0 : i32
      %gather3A_701 = tpu.memref_slice %arg9[%scan3A_464, %gather3A, %gather3A_700] : memref<2x128x128xf32, #tpu.memory_space<vmem>> -> memref<1x128x128xf32, #tpu.memory_space<vmem>>
      %gather3A_702 = tpu.memref_squeeze %gather3A_701 : memref<1x128x128xf32, #tpu.memory_space<vmem>> -> memref<128x128xf32, #tpu.memory_space<vmem>>
      %gather3A_703 = tpu.vector_load_idx %gather3A_702[%add3A_461, %add3A_699] : memref<128x128xf32, #tpu.memory_space<vmem>>[vector<16xi32>, vector<16xi32>], vector<16xf32>,
      %gather3A_704 = arith.constant 0 : i32
      %gather3A_705 = arith.constant 0 : i32
      %gather3A_706 = tpu.memref_slice %arg10[%scan3A_465, %gather3A_704, %gather3A_705] : memref<2x128x128xf32, #tpu.memory_space<vmem>> -> memref<1x128x128xf32, #tpu.memory_space<vmem>>
      %gather3A_707 = tpu.memref_squeeze %gather3A_706 : memref<1x128x128xf32, #tpu.memory_space<vmem>> -> memref<128x128xf32, #tpu.memory_space<vmem>>
      %gather3A_708 = tpu.vector_load_idx %gather3A_707[%add3A_461, %add3A_699] : memref<128x128xf32, #tpu.memory_space<vmem>>[vector<16xi32>, vector<16xi32>], vector<16xf32>,
      %mul3A_709 = arith.mulf %gather3A_703, %gather3A_708 : vector<16xf32>
      %add3A_710 = arith.addf %scan3A_694, %mul3A_709 : vector<16xf32>
      scf.yield %add3A_710 : vector<16xf32>
    }
    %scan3A_471 = arith.constant 64 : i32
    %swap3A_472 = arith.constant 288 : index
    %swap3A_473 = tpu.vector_load %arg11[%swap3A_472] {strides = array<i32>} : memref<512xf32, #tpu.memory_space<vmem>>, vector<16xf32>,
    tpu.vector_store %arg11[%swap3A_472], %scan3A_470 {strides = array<i32>} : memref<512xf32, #tpu.memory_space<vmem>>, vector<16xf32>,
    %add3A_474 = arith.constant 48 : i32
    %add3A_475 = vector.broadcast %add3A_474 : i32 to vector<16xi32>
    %add3A_476 = arith.addi %add3A_475, %iota3A : vector<16xi32>
    %broadcast_in_dim3A_477 = arith.constant 0.000000e+00 : f32
    %broadcast_in_dim3A_478 = vector.broadcast %broadcast_in_dim3A_477 : f32 to vector<16xf32>
    %scan3A_479 = arith.constant 0 : i32
    %scan3A_480 = arith.constant 0 : i32
    %scan3A_481 = arith.constant 0 : i32
    %scan3A_482 = arith.constant 64 : i32
    %scan3A_483 = arith.addi %scan3A_481, %scan3A_482 : i32
    %scan3A_484 = arith.constant 1 : i32
    %scan3A_485 = scf.for %scan3A_693 = %scan3A_481 to %scan3A_483 step %scan3A_484 iter_args(%scan3A_694 = %broadcast_in_dim3A_478) -> (vector<16xf32>)  : i32 {
      %mul3A_695 = arith.constant 0 : i32
      %mul3A_696 = vector.broadcast %mul3A_695 : i32 to vector<16xi32>
      %mul3A_697 = arith.muli %iota3A, %mul3A_696 : vector<16xi32>
      %add3A_698 = vector.broadcast %scan3A_693 : i32 to vector<16xi32>
      %add3A_699 = arith.addi %mul3A_697, %add3A_698 : vector<16xi32>
      %gather3A = arith.constant 0 : i32
      %gather3A_700 = arith.constant 0 : i32
      %gather3A_701 = tpu.memref_slice %arg9[%scan3A_479, %gather3A, %gather3A_700] : memref<2x128x128xf32, #tpu.memory_space<vmem>> -> memref<1x128x128xf32, #tpu.memory_space<vmem>>
      %gather3A_702 = tpu.memref_squeeze %gather3A_701 : memref<1x128x128xf32, #tpu.memory_space<vmem>> -> memref<128x128xf32, #tpu.memory_space<vmem>>
      %gather3A_703 = tpu.vector_load_idx %gather3A_702[%add3A_476, %add3A_699] : memref<128x128xf32, #tpu.memory_space<vmem>>[vector<16xi32>, vector<16xi32>], vector<16xf32>,
      %gather3A_704 = arith.constant 0 : i32
      %gather3A_705 = arith.constant 0 : i32
      %gather3A_706 = tpu.memref_slice %arg10[%scan3A_480, %gather3A_704, %gather3A_705] : memref<2x128x128xf32, #tpu.memory_space<vmem>> -> memref<1x128x128xf32, #tpu.memory_space<vmem>>
      %gather3A_707 = tpu.memref_squeeze %gather3A_706 : memref<1x128x128xf32, #tpu.memory_space<vmem>> -> memref<128x128xf32, #tpu.memory_space<vmem>>
      %gather3A_708 = tpu.vector_load_idx %gather3A_707[%add3A_476, %add3A_699] : memref<128x128xf32, #tpu.memory_space<vmem>>[vector<16xi32>, vector<16xi32>], vector<16xf32>,
      %mul3A_709 = arith.mulf %gather3A_703, %gather3A_708 : vector<16xf32>
      %add3A_710 = arith.addf %scan3A_694, %mul3A_709 : vector<16xf32>
      scf.yield %add3A_710 : vector<16xf32>
    }
    %scan3A_486 = arith.constant 64 : i32
    %swap3A_487 = arith.constant 304 : index
    %swap3A_488 = tpu.vector_load %arg11[%swap3A_487] {strides = array<i32>} : memref<512xf32, #tpu.memory_space<vmem>>, vector<16xf32>,
    tpu.vector_store %arg11[%swap3A_487], %scan3A_485 {strides = array<i32>} : memref<512xf32, #tpu.memory_space<vmem>>, vector<16xf32>,
    %add3A_489 = arith.constant 64 : i32
    %add3A_490 = vector.broadcast %add3A_489 : i32 to vector<16xi32>
    %add3A_491 = arith.addi %add3A_490, %iota3A : vector<16xi32>
    %broadcast_in_dim3A_492 = arith.constant 0.000000e+00 : f32
    %broadcast_in_dim3A_493 = vector.broadcast %broadcast_in_dim3A_492 : f32 to vector<16xf32>
    %scan3A_494 = arith.constant 0 : i32
    %scan3A_495 = arith.constant 0 : i32
    %scan3A_496 = arith.constant 0 : i32
    %scan3A_497 = arith.constant 64 : i32
    %scan3A_498 = arith.addi %scan3A_496, %scan3A_497 : i32
    %scan3A_499 = arith.constant 1 : i32
    %scan3A_500 = scf.for %scan3A_693 = %scan3A_496 to %scan3A_498 step %scan3A_499 iter_args(%scan3A_694 = %broadcast_in_dim3A_493) -> (vector<16xf32>)  : i32 {
      %mul3A_695 = arith.constant 0 : i32
      %mul3A_696 = vector.broadcast %mul3A_695 : i32 to vector<16xi32>
      %mul3A_697 = arith.muli %iota3A, %mul3A_696 : vector<16xi32>
      %add3A_698 = vector.broadcast %scan3A_693 : i32 to vector<16xi32>
      %add3A_699 = arith.addi %mul3A_697, %add3A_698 : vector<16xi32>
      %gather3A = arith.constant 0 : i32
      %gather3A_700 = arith.constant 0 : i32
      %gather3A_701 = tpu.memref_slice %arg9[%scan3A_494, %gather3A, %gather3A_700] : memref<2x128x128xf32, #tpu.memory_space<vmem>> -> memref<1x128x128xf32, #tpu.memory_space<vmem>>
      %gather3A_702 = tpu.memref_squeeze %gather3A_701 : memref<1x128x128xf32, #tpu.memory_space<vmem>> -> memref<128x128xf32, #tpu.memory_space<vmem>>
      %gather3A_703 = tpu.vector_load_idx %gather3A_702[%add3A_491, %add3A_699] : memref<128x128xf32, #tpu.memory_space<vmem>>[vector<16xi32>, vector<16xi32>], vector<16xf32>,
      %gather3A_704 = arith.constant 0 : i32
      %gather3A_705 = arith.constant 0 : i32
      %gather3A_706 = tpu.memref_slice %arg10[%scan3A_495, %gather3A_704, %gather3A_705] : memref<2x128x128xf32, #tpu.memory_space<vmem>> -> memref<1x128x128xf32, #tpu.memory_space<vmem>>
      %gather3A_707 = tpu.memref_squeeze %gather3A_706 : memref<1x128x128xf32, #tpu.memory_space<vmem>> -> memref<128x128xf32, #tpu.memory_space<vmem>>
      %gather3A_708 = tpu.vector_load_idx %gather3A_707[%add3A_491, %add3A_699] : memref<128x128xf32, #tpu.memory_space<vmem>>[vector<16xi32>, vector<16xi32>], vector<16xf32>,
      %mul3A_709 = arith.mulf %gather3A_703, %gather3A_708 : vector<16xf32>
      %add3A_710 = arith.addf %scan3A_694, %mul3A_709 : vector<16xf32>
      scf.yield %add3A_710 : vector<16xf32>
    }
    %scan3A_501 = arith.constant 64 : i32
    %swap3A_502 = arith.constant 320 : index
    %swap3A_503 = tpu.vector_load %arg11[%swap3A_502] {strides = array<i32>} : memref<512xf32, #tpu.memory_space<vmem>>, vector<16xf32>,
    tpu.vector_store %arg11[%swap3A_502], %scan3A_500 {strides = array<i32>} : memref<512xf32, #tpu.memory_space<vmem>>, vector<16xf32>,
    %add3A_504 = arith.constant 80 : i32
    %add3A_505 = vector.broadcast %add3A_504 : i32 to vector<16xi32>
    %add3A_506 = arith.addi %add3A_505, %iota3A : vector<16xi32>
    %broadcast_in_dim3A_507 = arith.constant 0.000000e+00 : f32
    %broadcast_in_dim3A_508 = vector.broadcast %broadcast_in_dim3A_507 : f32 to vector<16xf32>
    %scan3A_509 = arith.constant 0 : i32
    %scan3A_510 = arith.constant 0 : i32
    %scan3A_511 = arith.constant 0 : i32
    %scan3A_512 = arith.constant 64 : i32
    %scan3A_513 = arith.addi %scan3A_511, %scan3A_512 : i32
    %scan3A_514 = arith.constant 1 : i32
    %scan3A_515 = scf.for %scan3A_693 = %scan3A_511 to %scan3A_513 step %scan3A_514 iter_args(%scan3A_694 = %broadcast_in_dim3A_508) -> (vector<16xf32>)  : i32 {
      %mul3A_695 = arith.constant 0 : i32
      %mul3A_696 = vector.broadcast %mul3A_695 : i32 to vector<16xi32>
      %mul3A_697 = arith.muli %iota3A, %mul3A_696 : vector<16xi32>
      %add3A_698 = vector.broadcast %scan3A_693 : i32 to vector<16xi32>
      %add3A_699 = arith.addi %mul3A_697, %add3A_698 : vector<16xi32>
      %gather3A = arith.constant 0 : i32
      %gather3A_700 = arith.constant 0 : i32
      %gather3A_701 = tpu.memref_slice %arg9[%scan3A_509, %gather3A, %gather3A_700] : memref<2x128x128xf32, #tpu.memory_space<vmem>> -> memref<1x128x128xf32, #tpu.memory_space<vmem>>
      %gather3A_702 = tpu.memref_squeeze %gather3A_701 : memref<1x128x128xf32, #tpu.memory_space<vmem>> -> memref<128x128xf32, #tpu.memory_space<vmem>>
      %gather3A_703 = tpu.vector_load_idx %gather3A_702[%add3A_506, %add3A_699] : memref<128x128xf32, #tpu.memory_space<vmem>>[vector<16xi32>, vector<16xi32>], vector<16xf32>,
      %gather3A_704 = arith.constant 0 : i32
      %gather3A_705 = arith.constant 0 : i32
      %gather3A_706 = tpu.memref_slice %arg10[%scan3A_510, %gather3A_704, %gather3A_705] : memref<2x128x128xf32, #tpu.memory_space<vmem>> -> memref<1x128x128xf32, #tpu.memory_space<vmem>>
      %gather3A_707 = tpu.memref_squeeze %gather3A_706 : memref<1x128x128xf32, #tpu.memory_space<vmem>> -> memref<128x128xf32, #tpu.memory_space<vmem>>
      %gather3A_708 = tpu.vector_load_idx %gather3A_707[%add3A_506, %add3A_699] : memref<128x128xf32, #tpu.memory_space<vmem>>[vector<16xi32>, vector<16xi32>], vector<16xf32>,
      %mul3A_709 = arith.mulf %gather3A_703, %gather3A_708 : vector<16xf32>
      %add3A_710 = arith.addf %scan3A_694, %mul3A_709 : vector<16xf32>
      scf.yield %add3A_710 : vector<16xf32>
    }
    %scan3A_516 = arith.constant 64 : i32
    %swap3A_517 = arith.constant 336 : index
    %swap3A_518 = tpu.vector_load %arg11[%swap3A_517] {strides = array<i32>} : memref<512xf32, #tpu.memory_space<vmem>>, vector<16xf32>,
    tpu.vector_store %arg11[%swap3A_517], %scan3A_515 {strides = array<i32>} : memref<512xf32, #tpu.memory_space<vmem>>, vector<16xf32>,
    %add3A_519 = arith.constant 96 : i32
    %add3A_520 = vector.broadcast %add3A_519 : i32 to vector<16xi32>
    %add3A_521 = arith.addi %add3A_520, %iota3A : vector<16xi32>
    %broadcast_in_dim3A_522 = arith.constant 0.000000e+00 : f32
    %broadcast_in_dim3A_523 = vector.broadcast %broadcast_in_dim3A_522 : f32 to vector<16xf32>
    %scan3A_524 = arith.constant 0 : i32
    %scan3A_525 = arith.constant 0 : i32
    %scan3A_526 = arith.constant 0 : i32
    %scan3A_527 = arith.constant 64 : i32
    %scan3A_528 = arith.addi %scan3A_526, %scan3A_527 : i32
    %scan3A_529 = arith.constant 1 : i32
    %scan3A_530 = scf.for %scan3A_693 = %scan3A_526 to %scan3A_528 step %scan3A_529 iter_args(%scan3A_694 = %broadcast_in_dim3A_523) -> (vector<16xf32>)  : i32 {
      %mul3A_695 = arith.constant 0 : i32
      %mul3A_696 = vector.broadcast %mul3A_695 : i32 to vector<16xi32>
      %mul3A_697 = arith.muli %iota3A, %mul3A_696 : vector<16xi32>
      %add3A_698 = vector.broadcast %scan3A_693 : i32 to vector<16xi32>
      %add3A_699 = arith.addi %mul3A_697, %add3A_698 : vector<16xi32>
      %gather3A = arith.constant 0 : i32
      %gather3A_700 = arith.constant 0 : i32
      %gather3A_701 = tpu.memref_slice %arg9[%scan3A_524, %gather3A, %gather3A_700] : memref<2x128x128xf32, #tpu.memory_space<vmem>> -> memref<1x128x128xf32, #tpu.memory_space<vmem>>
      %gather3A_702 = tpu.memref_squeeze %gather3A_701 : memref<1x128x128xf32, #tpu.memory_space<vmem>> -> memref<128x128xf32, #tpu.memory_space<vmem>>
      %gather3A_703 = tpu.vector_load_idx %gather3A_702[%add3A_521, %add3A_699] : memref<128x128xf32, #tpu.memory_space<vmem>>[vector<16xi32>, vector<16xi32>], vector<16xf32>,
      %gather3A_704 = arith.constant 0 : i32
      %gather3A_705 = arith.constant 0 : i32
      %gather3A_706 = tpu.memref_slice %arg10[%scan3A_525, %gather3A_704, %gather3A_705] : memref<2x128x128xf32, #tpu.memory_space<vmem>> -> memref<1x128x128xf32, #tpu.memory_space<vmem>>
      %gather3A_707 = tpu.memref_squeeze %gather3A_706 : memref<1x128x128xf32, #tpu.memory_space<vmem>> -> memref<128x128xf32, #tpu.memory_space<vmem>>
      %gather3A_708 = tpu.vector_load_idx %gather3A_707[%add3A_521, %add3A_699] : memref<128x128xf32, #tpu.memory_space<vmem>>[vector<16xi32>, vector<16xi32>], vector<16xf32>,
      %mul3A_709 = arith.mulf %gather3A_703, %gather3A_708 : vector<16xf32>
      %add3A_710 = arith.addf %scan3A_694, %mul3A_709 : vector<16xf32>
      scf.yield %add3A_710 : vector<16xf32>
    }
    %scan3A_531 = arith.constant 64 : i32
    %swap3A_532 = arith.constant 352 : index
    %swap3A_533 = tpu.vector_load %arg11[%swap3A_532] {strides = array<i32>} : memref<512xf32, #tpu.memory_space<vmem>>, vector<16xf32>,
    tpu.vector_store %arg11[%swap3A_532], %scan3A_530 {strides = array<i32>} : memref<512xf32, #tpu.memory_space<vmem>>, vector<16xf32>,
    %add3A_534 = arith.constant 112 : i32
    %add3A_535 = vector.broadcast %add3A_534 : i32 to vector<16xi32>
    %add3A_536 = arith.addi %add3A_535, %iota3A : vector<16xi32>
    %broadcast_in_dim3A_537 = arith.constant 0.000000e+00 : f32
    %broadcast_in_dim3A_538 = vector.broadcast %broadcast_in_dim3A_537 : f32 to vector<16xf32>
    %scan3A_539 = arith.constant 0 : i32
    %scan3A_540 = arith.constant 0 : i32
    %scan3A_541 = arith.constant 0 : i32
    %scan3A_542 = arith.constant 64 : i32
    %scan3A_543 = arith.addi %scan3A_541, %scan3A_542 : i32
    %scan3A_544 = arith.constant 1 : i32
    %scan3A_545 = scf.for %scan3A_693 = %scan3A_541 to %scan3A_543 step %scan3A_544 iter_args(%scan3A_694 = %broadcast_in_dim3A_538) -> (vector<16xf32>)  : i32 {
      %mul3A_695 = arith.constant 0 : i32
      %mul3A_696 = vector.broadcast %mul3A_695 : i32 to vector<16xi32>
      %mul3A_697 = arith.muli %iota3A, %mul3A_696 : vector<16xi32>
      %add3A_698 = vector.broadcast %scan3A_693 : i32 to vector<16xi32>
      %add3A_699 = arith.addi %mul3A_697, %add3A_698 : vector<16xi32>
      %gather3A = arith.constant 0 : i32
      %gather3A_700 = arith.constant 0 : i32
      %gather3A_701 = tpu.memref_slice %arg9[%scan3A_539, %gather3A, %gather3A_700] : memref<2x128x128xf32, #tpu.memory_space<vmem>> -> memref<1x128x128xf32, #tpu.memory_space<vmem>>
      %gather3A_702 = tpu.memref_squeeze %gather3A_701 : memref<1x128x128xf32, #tpu.memory_space<vmem>> -> memref<128x128xf32, #tpu.memory_space<vmem>>
      %gather3A_703 = tpu.vector_load_idx %gather3A_702[%add3A_536, %add3A_699] : memref<128x128xf32, #tpu.memory_space<vmem>>[vector<16xi32>, vector<16xi32>], vector<16xf32>,
      %gather3A_704 = arith.constant 0 : i32
      %gather3A_705 = arith.constant 0 : i32
      %gather3A_706 = tpu.memref_slice %arg10[%scan3A_540, %gather3A_704, %gather3A_705] : memref<2x128x128xf32, #tpu.memory_space<vmem>> -> memref<1x128x128xf32, #tpu.memory_space<vmem>>
      %gather3A_707 = tpu.memref_squeeze %gather3A_706 : memref<1x128x128xf32, #tpu.memory_space<vmem>> -> memref<128x128xf32, #tpu.memory_space<vmem>>
      %gather3A_708 = tpu.vector_load_idx %gather3A_707[%add3A_536, %add3A_699] : memref<128x128xf32, #tpu.memory_space<vmem>>[vector<16xi32>, vector<16xi32>], vector<16xf32>,
      %mul3A_709 = arith.mulf %gather3A_703, %gather3A_708 : vector<16xf32>
      %add3A_710 = arith.addf %scan3A_694, %mul3A_709 : vector<16xf32>
      scf.yield %add3A_710 : vector<16xf32>
    }
    %scan3A_546 = arith.constant 64 : i32
    %swap3A_547 = arith.constant 368 : index
    %swap3A_548 = tpu.vector_load %arg11[%swap3A_547] {strides = array<i32>} : memref<512xf32, #tpu.memory_space<vmem>>, vector<16xf32>,
    tpu.vector_store %arg11[%swap3A_547], %scan3A_545 {strides = array<i32>} : memref<512xf32, #tpu.memory_space<vmem>>, vector<16xf32>,
    %dma_wait3A_549 = arith.constant 3 : i32
    %dma_wait3A_550 = arith.constant 1 : i32
    %dma_wait3A_551 = arith.constant 0 : i32
    %dma_wait3A_552 = arith.constant 0 : i32
    %dma_wait3A_553 = tpu.memref_slice %arg9[%dma_wait3A_550, %dma_wait3A_551, %dma_wait3A_552] : memref<2x128x128xf32, #tpu.memory_space<vmem>> -> memref<1x128x128xf32, #tpu.memory_space<vmem>>
    %dma_wait3A_554 = tpu.memref_squeeze %dma_wait3A_553 : memref<1x128x128xf32, #tpu.memory_space<vmem>> -> memref<128x128xf32, #tpu.memory_space<vmem>>
    %dma_wait3A_555 = arith.constant 0 : i32
    %dma_wait3A_556 = tpu.memref_slice %arg7[%dma_wait3A_549, %dma_wait3A_555] : memref<4x128xi32, #tpu.memory_space<vmem>> -> memref<1x128xi32, #tpu.memory_space<vmem>>
    %dma_wait3A_557 = tpu.memref_squeeze %dma_wait3A_556 : memref<1x128xi32, #tpu.memory_space<vmem>> -> memref<128xi32, #tpu.memory_space<vmem>>
    %dma_wait3A_558 = arith.constant 0 : i32
    %dma_wait3A_559 = arith.constant 0 : i32
    %dma_wait3A_560 = tpu.memref_slice %arg4[%dma_wait3A_558, %dma_wait3A_559] : memref<1000000x128xf32, #tpu.memory_space<hbm>> -> memref<1000000x128xf32, #tpu.memory_space<hbm>>
    tpu.wait_indirect_dma semaphore(%arg13 : memref<!tpu.dma_semaphore, #tpu.memory_space<semaphore_mem>>) src(%dma_wait3A_560 : memref<1000000x128xf32, #tpu.memory_space<hbm>>) dst(%dma_wait3A_554 : memref<128x128xf32, #tpu.memory_space<vmem>>)
    %dma_wait3A_561 = arith.constant 3 : i32
    %dma_wait3A_562 = arith.constant 1 : i32
    %dma_wait3A_563 = arith.constant 0 : i32
    %dma_wait3A_564 = arith.constant 0 : i32
    %dma_wait3A_565 = tpu.memref_slice %arg10[%dma_wait3A_562, %dma_wait3A_563, %dma_wait3A_564] : memref<2x128x128xf32, #tpu.memory_space<vmem>> -> memref<1x128x128xf32, #tpu.memory_space<vmem>>
    %dma_wait3A_566 = tpu.memref_squeeze %dma_wait3A_565 : memref<1x128x128xf32, #tpu.memory_space<vmem>> -> memref<128x128xf32, #tpu.memory_space<vmem>>
    %dma_wait3A_567 = arith.constant 0 : i32
    %dma_wait3A_568 = tpu.memref_slice %arg8[%dma_wait3A_561, %dma_wait3A_567] : memref<4x128xi32, #tpu.memory_space<vmem>> -> memref<1x128xi32, #tpu.memory_space<vmem>>
    %dma_wait3A_569 = tpu.memref_squeeze %dma_wait3A_568 : memref<1x128xi32, #tpu.memory_space<vmem>> -> memref<128xi32, #tpu.memory_space<vmem>>
    %dma_wait3A_570 = arith.constant 0 : i32
    %dma_wait3A_571 = arith.constant 0 : i32
    %dma_wait3A_572 = tpu.memref_slice %arg5[%dma_wait3A_570, %dma_wait3A_571] : memref<100000x128xf32, #tpu.memory_space<hbm>> -> memref<100000x128xf32, #tpu.memory_space<hbm>>
    tpu.wait_indirect_dma semaphore(%arg13 : memref<!tpu.dma_semaphore, #tpu.memory_space<semaphore_mem>>) src(%dma_wait3A_572 : memref<100000x128xf32, #tpu.memory_space<hbm>>) dst(%dma_wait3A_566 : memref<128x128xf32, #tpu.memory_space<vmem>>)
    %add3A_573 = arith.constant 0 : i32
    %add3A_574 = vector.broadcast %add3A_573 : i32 to vector<16xi32>
    %add3A_575 = arith.addi %add3A_574, %iota3A : vector<16xi32>
    %broadcast_in_dim3A_576 = arith.constant 0.000000e+00 : f32
    %broadcast_in_dim3A_577 = vector.broadcast %broadcast_in_dim3A_576 : f32 to vector<16xf32>
    %scan3A_578 = arith.constant 1 : i32
    %scan3A_579 = arith.constant 1 : i32
    %scan3A_580 = arith.constant 0 : i32
    %scan3A_581 = arith.constant 64 : i32
    %scan3A_582 = arith.addi %scan3A_580, %scan3A_581 : i32
    %scan3A_583 = arith.constant 1 : i32
    %scan3A_584 = scf.for %scan3A_693 = %scan3A_580 to %scan3A_582 step %scan3A_583 iter_args(%scan3A_694 = %broadcast_in_dim3A_577) -> (vector<16xf32>)  : i32 {
      %mul3A_695 = arith.constant 0 : i32
      %mul3A_696 = vector.broadcast %mul3A_695 : i32 to vector<16xi32>
      %mul3A_697 = arith.muli %iota3A, %mul3A_696 : vector<16xi32>
      %add3A_698 = vector.broadcast %scan3A_693 : i32 to vector<16xi32>
      %add3A_699 = arith.addi %mul3A_697, %add3A_698 : vector<16xi32>
      %gather3A = arith.constant 0 : i32
      %gather3A_700 = arith.constant 0 : i32
      %gather3A_701 = tpu.memref_slice %arg9[%scan3A_578, %gather3A, %gather3A_700] : memref<2x128x128xf32, #tpu.memory_space<vmem>> -> memref<1x128x128xf32, #tpu.memory_space<vmem>>
      %gather3A_702 = tpu.memref_squeeze %gather3A_701 : memref<1x128x128xf32, #tpu.memory_space<vmem>> -> memref<128x128xf32, #tpu.memory_space<vmem>>
      %gather3A_703 = tpu.vector_load_idx %gather3A_702[%add3A_575, %add3A_699] : memref<128x128xf32, #tpu.memory_space<vmem>>[vector<16xi32>, vector<16xi32>], vector<16xf32>,
      %gather3A_704 = arith.constant 0 : i32
      %gather3A_705 = arith.constant 0 : i32
      %gather3A_706 = tpu.memref_slice %arg10[%scan3A_579, %gather3A_704, %gather3A_705] : memref<2x128x128xf32, #tpu.memory_space<vmem>> -> memref<1x128x128xf32, #tpu.memory_space<vmem>>
      %gather3A_707 = tpu.memref_squeeze %gather3A_706 : memref<1x128x128xf32, #tpu.memory_space<vmem>> -> memref<128x128xf32, #tpu.memory_space<vmem>>
      %gather3A_708 = tpu.vector_load_idx %gather3A_707[%add3A_575, %add3A_699] : memref<128x128xf32, #tpu.memory_space<vmem>>[vector<16xi32>, vector<16xi32>], vector<16xf32>,
      %mul3A_709 = arith.mulf %gather3A_703, %gather3A_708 : vector<16xf32>
      %add3A_710 = arith.addf %scan3A_694, %mul3A_709 : vector<16xf32>
      scf.yield %add3A_710 : vector<16xf32>
    }
    %scan3A_585 = arith.constant 64 : i32
    %swap3A_586 = arith.constant 384 : index
    %swap3A_587 = tpu.vector_load %arg11[%swap3A_586] {strides = array<i32>} : memref<512xf32, #tpu.memory_space<vmem>>, vector<16xf32>,
    tpu.vector_store %arg11[%swap3A_586], %scan3A_584 {strides = array<i32>} : memref<512xf32, #tpu.memory_space<vmem>>, vector<16xf32>,
    %add3A_588 = arith.constant 16 : i32
    %add3A_589 = vector.broadcast %add3A_588 : i32 to vector<16xi32>
    %add3A_590 = arith.addi %add3A_589, %iota3A : vector<16xi32>
    %broadcast_in_dim3A_591 = arith.constant 0.000000e+00 : f32
    %broadcast_in_dim3A_592 = vector.broadcast %broadcast_in_dim3A_591 : f32 to vector<16xf32>
    %scan3A_593 = arith.constant 1 : i32
    %scan3A_594 = arith.constant 1 : i32
    %scan3A_595 = arith.constant 0 : i32
    %scan3A_596 = arith.constant 64 : i32
    %scan3A_597 = arith.addi %scan3A_595, %scan3A_596 : i32
    %scan3A_598 = arith.constant 1 : i32
    %scan3A_599 = scf.for %scan3A_693 = %scan3A_595 to %scan3A_597 step %scan3A_598 iter_args(%scan3A_694 = %broadcast_in_dim3A_592) -> (vector<16xf32>)  : i32 {
      %mul3A_695 = arith.constant 0 : i32
      %mul3A_696 = vector.broadcast %mul3A_695 : i32 to vector<16xi32>
      %mul3A_697 = arith.muli %iota3A, %mul3A_696 : vector<16xi32>
      %add3A_698 = vector.broadcast %scan3A_693 : i32 to vector<16xi32>
      %add3A_699 = arith.addi %mul3A_697, %add3A_698 : vector<16xi32>
      %gather3A = arith.constant 0 : i32
      %gather3A_700 = arith.constant 0 : i32
      %gather3A_701 = tpu.memref_slice %arg9[%scan3A_593, %gather3A, %gather3A_700] : memref<2x128x128xf32, #tpu.memory_space<vmem>> -> memref<1x128x128xf32, #tpu.memory_space<vmem>>
      %gather3A_702 = tpu.memref_squeeze %gather3A_701 : memref<1x128x128xf32, #tpu.memory_space<vmem>> -> memref<128x128xf32, #tpu.memory_space<vmem>>
      %gather3A_703 = tpu.vector_load_idx %gather3A_702[%add3A_590, %add3A_699] : memref<128x128xf32, #tpu.memory_space<vmem>>[vector<16xi32>, vector<16xi32>], vector<16xf32>,
      %gather3A_704 = arith.constant 0 : i32
      %gather3A_705 = arith.constant 0 : i32
      %gather3A_706 = tpu.memref_slice %arg10[%scan3A_594, %gather3A_704, %gather3A_705] : memref<2x128x128xf32, #tpu.memory_space<vmem>> -> memref<1x128x128xf32, #tpu.memory_space<vmem>>
      %gather3A_707 = tpu.memref_squeeze %gather3A_706 : memref<1x128x128xf32, #tpu.memory_space<vmem>> -> memref<128x128xf32, #tpu.memory_space<vmem>>
      %gather3A_708 = tpu.vector_load_idx %gather3A_707[%add3A_590, %add3A_699] : memref<128x128xf32, #tpu.memory_space<vmem>>[vector<16xi32>, vector<16xi32>], vector<16xf32>,
      %mul3A_709 = arith.mulf %gather3A_703, %gather3A_708 : vector<16xf32>
      %add3A_710 = arith.addf %scan3A_694, %mul3A_709 : vector<16xf32>
      scf.yield %add3A_710 : vector<16xf32>
    }
    %scan3A_600 = arith.constant 64 : i32
    %swap3A_601 = arith.constant 400 : index
    %swap3A_602 = tpu.vector_load %arg11[%swap3A_601] {strides = array<i32>} : memref<512xf32, #tpu.memory_space<vmem>>, vector<16xf32>,
    tpu.vector_store %arg11[%swap3A_601], %scan3A_599 {strides = array<i32>} : memref<512xf32, #tpu.memory_space<vmem>>, vector<16xf32>,
    %add3A_603 = arith.constant 32 : i32
    %add3A_604 = vector.broadcast %add3A_603 : i32 to vector<16xi32>
    %add3A_605 = arith.addi %add3A_604, %iota3A : vector<16xi32>
    %broadcast_in_dim3A_606 = arith.constant 0.000000e+00 : f32
    %broadcast_in_dim3A_607 = vector.broadcast %broadcast_in_dim3A_606 : f32 to vector<16xf32>
    %scan3A_608 = arith.constant 1 : i32
    %scan3A_609 = arith.constant 1 : i32
    %scan3A_610 = arith.constant 0 : i32
    %scan3A_611 = arith.constant 64 : i32
    %scan3A_612 = arith.addi %scan3A_610, %scan3A_611 : i32
    %scan3A_613 = arith.constant 1 : i32
    %scan3A_614 = scf.for %scan3A_693 = %scan3A_610 to %scan3A_612 step %scan3A_613 iter_args(%scan3A_694 = %broadcast_in_dim3A_607) -> (vector<16xf32>)  : i32 {
      %mul3A_695 = arith.constant 0 : i32
      %mul3A_696 = vector.broadcast %mul3A_695 : i32 to vector<16xi32>
      %mul3A_697 = arith.muli %iota3A, %mul3A_696 : vector<16xi32>
      %add3A_698 = vector.broadcast %scan3A_693 : i32 to vector<16xi32>
      %add3A_699 = arith.addi %mul3A_697, %add3A_698 : vector<16xi32>
      %gather3A = arith.constant 0 : i32
      %gather3A_700 = arith.constant 0 : i32
      %gather3A_701 = tpu.memref_slice %arg9[%scan3A_608, %gather3A, %gather3A_700] : memref<2x128x128xf32, #tpu.memory_space<vmem>> -> memref<1x128x128xf32, #tpu.memory_space<vmem>>
      %gather3A_702 = tpu.memref_squeeze %gather3A_701 : memref<1x128x128xf32, #tpu.memory_space<vmem>> -> memref<128x128xf32, #tpu.memory_space<vmem>>
      %gather3A_703 = tpu.vector_load_idx %gather3A_702[%add3A_605, %add3A_699] : memref<128x128xf32, #tpu.memory_space<vmem>>[vector<16xi32>, vector<16xi32>], vector<16xf32>,
      %gather3A_704 = arith.constant 0 : i32
      %gather3A_705 = arith.constant 0 : i32
      %gather3A_706 = tpu.memref_slice %arg10[%scan3A_609, %gather3A_704, %gather3A_705] : memref<2x128x128xf32, #tpu.memory_space<vmem>> -> memref<1x128x128xf32, #tpu.memory_space<vmem>>
      %gather3A_707 = tpu.memref_squeeze %gather3A_706 : memref<1x128x128xf32, #tpu.memory_space<vmem>> -> memref<128x128xf32, #tpu.memory_space<vmem>>
      %gather3A_708 = tpu.vector_load_idx %gather3A_707[%add3A_605, %add3A_699] : memref<128x128xf32, #tpu.memory_space<vmem>>[vector<16xi32>, vector<16xi32>], vector<16xf32>,
      %mul3A_709 = arith.mulf %gather3A_703, %gather3A_708 : vector<16xf32>
      %add3A_710 = arith.addf %scan3A_694, %mul3A_709 : vector<16xf32>
      scf.yield %add3A_710 : vector<16xf32>
    }
    %scan3A_615 = arith.constant 64 : i32
    %swap3A_616 = arith.constant 416 : index
    %swap3A_617 = tpu.vector_load %arg11[%swap3A_616] {strides = array<i32>} : memref<512xf32, #tpu.memory_space<vmem>>, vector<16xf32>,
    tpu.vector_store %arg11[%swap3A_616], %scan3A_614 {strides = array<i32>} : memref<512xf32, #tpu.memory_space<vmem>>, vector<16xf32>,
    %add3A_618 = arith.constant 48 : i32
    %add3A_619 = vector.broadcast %add3A_618 : i32 to vector<16xi32>
    %add3A_620 = arith.addi %add3A_619, %iota3A : vector<16xi32>
    %broadcast_in_dim3A_621 = arith.constant 0.000000e+00 : f32
    %broadcast_in_dim3A_622 = vector.broadcast %broadcast_in_dim3A_621 : f32 to vector<16xf32>
    %scan3A_623 = arith.constant 1 : i32
    %scan3A_624 = arith.constant 1 : i32
    %scan3A_625 = arith.constant 0 : i32
    %scan3A_626 = arith.constant 64 : i32
    %scan3A_627 = arith.addi %scan3A_625, %scan3A_626 : i32
    %scan3A_628 = arith.constant 1 : i32
    %scan3A_629 = scf.for %scan3A_693 = %scan3A_625 to %scan3A_627 step %scan3A_628 iter_args(%scan3A_694 = %broadcast_in_dim3A_622) -> (vector<16xf32>)  : i32 {
      %mul3A_695 = arith.constant 0 : i32
      %mul3A_696 = vector.broadcast %mul3A_695 : i32 to vector<16xi32>
      %mul3A_697 = arith.muli %iota3A, %mul3A_696 : vector<16xi32>
      %add3A_698 = vector.broadcast %scan3A_693 : i32 to vector<16xi32>
      %add3A_699 = arith.addi %mul3A_697, %add3A_698 : vector<16xi32>
      %gather3A = arith.constant 0 : i32
      %gather3A_700 = arith.constant 0 : i32
      %gather3A_701 = tpu.memref_slice %arg9[%scan3A_623, %gather3A, %gather3A_700] : memref<2x128x128xf32, #tpu.memory_space<vmem>> -> memref<1x128x128xf32, #tpu.memory_space<vmem>>
      %gather3A_702 = tpu.memref_squeeze %gather3A_701 : memref<1x128x128xf32, #tpu.memory_space<vmem>> -> memref<128x128xf32, #tpu.memory_space<vmem>>
      %gather3A_703 = tpu.vector_load_idx %gather3A_702[%add3A_620, %add3A_699] : memref<128x128xf32, #tpu.memory_space<vmem>>[vector<16xi32>, vector<16xi32>], vector<16xf32>,
      %gather3A_704 = arith.constant 0 : i32
      %gather3A_705 = arith.constant 0 : i32
      %gather3A_706 = tpu.memref_slice %arg10[%scan3A_624, %gather3A_704, %gather3A_705] : memref<2x128x128xf32, #tpu.memory_space<vmem>> -> memref<1x128x128xf32, #tpu.memory_space<vmem>>
      %gather3A_707 = tpu.memref_squeeze %gather3A_706 : memref<1x128x128xf32, #tpu.memory_space<vmem>> -> memref<128x128xf32, #tpu.memory_space<vmem>>
      %gather3A_708 = tpu.vector_load_idx %gather3A_707[%add3A_620, %add3A_699] : memref<128x128xf32, #tpu.memory_space<vmem>>[vector<16xi32>, vector<16xi32>], vector<16xf32>,
      %mul3A_709 = arith.mulf %gather3A_703, %gather3A_708 : vector<16xf32>
      %add3A_710 = arith.addf %scan3A_694, %mul3A_709 : vector<16xf32>
      scf.yield %add3A_710 : vector<16xf32>
    }
    %scan3A_630 = arith.constant 64 : i32
    %swap3A_631 = arith.constant 432 : index
    %swap3A_632 = tpu.vector_load %arg11[%swap3A_631] {strides = array<i32>} : memref<512xf32, #tpu.memory_space<vmem>>, vector<16xf32>,
    tpu.vector_store %arg11[%swap3A_631], %scan3A_629 {strides = array<i32>} : memref<512xf32, #tpu.memory_space<vmem>>, vector<16xf32>,
    %add3A_633 = arith.constant 64 : i32
    %add3A_634 = vector.broadcast %add3A_633 : i32 to vector<16xi32>
    %add3A_635 = arith.addi %add3A_634, %iota3A : vector<16xi32>
    %broadcast_in_dim3A_636 = arith.constant 0.000000e+00 : f32
    %broadcast_in_dim3A_637 = vector.broadcast %broadcast_in_dim3A_636 : f32 to vector<16xf32>
    %scan3A_638 = arith.constant 1 : i32
    %scan3A_639 = arith.constant 1 : i32
    %scan3A_640 = arith.constant 0 : i32
    %scan3A_641 = arith.constant 64 : i32
    %scan3A_642 = arith.addi %scan3A_640, %scan3A_641 : i32
    %scan3A_643 = arith.constant 1 : i32
    %scan3A_644 = scf.for %scan3A_693 = %scan3A_640 to %scan3A_642 step %scan3A_643 iter_args(%scan3A_694 = %broadcast_in_dim3A_637) -> (vector<16xf32>)  : i32 {
      %mul3A_695 = arith.constant 0 : i32
      %mul3A_696 = vector.broadcast %mul3A_695 : i32 to vector<16xi32>
      %mul3A_697 = arith.muli %iota3A, %mul3A_696 : vector<16xi32>
      %add3A_698 = vector.broadcast %scan3A_693 : i32 to vector<16xi32>
      %add3A_699 = arith.addi %mul3A_697, %add3A_698 : vector<16xi32>
      %gather3A = arith.constant 0 : i32
      %gather3A_700 = arith.constant 0 : i32
      %gather3A_701 = tpu.memref_slice %arg9[%scan3A_638, %gather3A, %gather3A_700] : memref<2x128x128xf32, #tpu.memory_space<vmem>> -> memref<1x128x128xf32, #tpu.memory_space<vmem>>
      %gather3A_702 = tpu.memref_squeeze %gather3A_701 : memref<1x128x128xf32, #tpu.memory_space<vmem>> -> memref<128x128xf32, #tpu.memory_space<vmem>>
      %gather3A_703 = tpu.vector_load_idx %gather3A_702[%add3A_635, %add3A_699] : memref<128x128xf32, #tpu.memory_space<vmem>>[vector<16xi32>, vector<16xi32>], vector<16xf32>,
      %gather3A_704 = arith.constant 0 : i32
      %gather3A_705 = arith.constant 0 : i32
      %gather3A_706 = tpu.memref_slice %arg10[%scan3A_639, %gather3A_704, %gather3A_705] : memref<2x128x128xf32, #tpu.memory_space<vmem>> -> memref<1x128x128xf32, #tpu.memory_space<vmem>>
      %gather3A_707 = tpu.memref_squeeze %gather3A_706 : memref<1x128x128xf32, #tpu.memory_space<vmem>> -> memref<128x128xf32, #tpu.memory_space<vmem>>
      %gather3A_708 = tpu.vector_load_idx %gather3A_707[%add3A_635, %add3A_699] : memref<128x128xf32, #tpu.memory_space<vmem>>[vector<16xi32>, vector<16xi32>], vector<16xf32>,
      %mul3A_709 = arith.mulf %gather3A_703, %gather3A_708 : vector<16xf32>
      %add3A_710 = arith.addf %scan3A_694, %mul3A_709 : vector<16xf32>
      scf.yield %add3A_710 : vector<16xf32>
    }
    %scan3A_645 = arith.constant 64 : i32
    %swap3A_646 = arith.constant 448 : index
    %swap3A_647 = tpu.vector_load %arg11[%swap3A_646] {strides = array<i32>} : memref<512xf32, #tpu.memory_space<vmem>>, vector<16xf32>,
    tpu.vector_store %arg11[%swap3A_646], %scan3A_644 {strides = array<i32>} : memref<512xf32, #tpu.memory_space<vmem>>, vector<16xf32>,
    %add3A_648 = arith.constant 80 : i32
    %add3A_649 = vector.broadcast %add3A_648 : i32 to vector<16xi32>
    %add3A_650 = arith.addi %add3A_649, %iota3A : vector<16xi32>
    %broadcast_in_dim3A_651 = arith.constant 0.000000e+00 : f32
    %broadcast_in_dim3A_652 = vector.broadcast %broadcast_in_dim3A_651 : f32 to vector<16xf32>
    %scan3A_653 = arith.constant 1 : i32
    %scan3A_654 = arith.constant 1 : i32
    %scan3A_655 = arith.constant 0 : i32
    %scan3A_656 = arith.constant 64 : i32
    %scan3A_657 = arith.addi %scan3A_655, %scan3A_656 : i32
    %scan3A_658 = arith.constant 1 : i32
    %scan3A_659 = scf.for %scan3A_693 = %scan3A_655 to %scan3A_657 step %scan3A_658 iter_args(%scan3A_694 = %broadcast_in_dim3A_652) -> (vector<16xf32>)  : i32 {
      %mul3A_695 = arith.constant 0 : i32
      %mul3A_696 = vector.broadcast %mul3A_695 : i32 to vector<16xi32>
      %mul3A_697 = arith.muli %iota3A, %mul3A_696 : vector<16xi32>
      %add3A_698 = vector.broadcast %scan3A_693 : i32 to vector<16xi32>
      %add3A_699 = arith.addi %mul3A_697, %add3A_698 : vector<16xi32>
      %gather3A = arith.constant 0 : i32
      %gather3A_700 = arith.constant 0 : i32
      %gather3A_701 = tpu.memref_slice %arg9[%scan3A_653, %gather3A, %gather3A_700] : memref<2x128x128xf32, #tpu.memory_space<vmem>> -> memref<1x128x128xf32, #tpu.memory_space<vmem>>
      %gather3A_702 = tpu.memref_squeeze %gather3A_701 : memref<1x128x128xf32, #tpu.memory_space<vmem>> -> memref<128x128xf32, #tpu.memory_space<vmem>>
      %gather3A_703 = tpu.vector_load_idx %gather3A_702[%add3A_650, %add3A_699] : memref<128x128xf32, #tpu.memory_space<vmem>>[vector<16xi32>, vector<16xi32>], vector<16xf32>,
      %gather3A_704 = arith.constant 0 : i32
      %gather3A_705 = arith.constant 0 : i32
      %gather3A_706 = tpu.memref_slice %arg10[%scan3A_654, %gather3A_704, %gather3A_705] : memref<2x128x128xf32, #tpu.memory_space<vmem>> -> memref<1x128x128xf32, #tpu.memory_space<vmem>>
      %gather3A_707 = tpu.memref_squeeze %gather3A_706 : memref<1x128x128xf32, #tpu.memory_space<vmem>> -> memref<128x128xf32, #tpu.memory_space<vmem>>
      %gather3A_708 = tpu.vector_load_idx %gather3A_707[%add3A_650, %add3A_699] : memref<128x128xf32, #tpu.memory_space<vmem>>[vector<16xi32>, vector<16xi32>], vector<16xf32>,
      %mul3A_709 = arith.mulf %gather3A_703, %gather3A_708 : vector<16xf32>
      %add3A_710 = arith.addf %scan3A_694, %mul3A_709 : vector<16xf32>
      scf.yield %add3A_710 : vector<16xf32>
    }
    %scan3A_660 = arith.constant 64 : i32
    %swap3A_661 = arith.constant 464 : index
    %swap3A_662 = tpu.vector_load %arg11[%swap3A_661] {strides = array<i32>} : memref<512xf32, #tpu.memory_space<vmem>>, vector<16xf32>,
    tpu.vector_store %arg11[%swap3A_661], %scan3A_659 {strides = array<i32>} : memref<512xf32, #tpu.memory_space<vmem>>, vector<16xf32>,
    %add3A_663 = arith.constant 96 : i32
    %add3A_664 = vector.broadcast %add3A_663 : i32 to vector<16xi32>
    %add3A_665 = arith.addi %add3A_664, %iota3A : vector<16xi32>
    %broadcast_in_dim3A_666 = arith.constant 0.000000e+00 : f32
    %broadcast_in_dim3A_667 = vector.broadcast %broadcast_in_dim3A_666 : f32 to vector<16xf32>
    %scan3A_668 = arith.constant 1 : i32
    %scan3A_669 = arith.constant 1 : i32
    %scan3A_670 = arith.constant 0 : i32
    %scan3A_671 = arith.constant 64 : i32
    %scan3A_672 = arith.addi %scan3A_670, %scan3A_671 : i32
    %scan3A_673 = arith.constant 1 : i32
    %scan3A_674 = scf.for %scan3A_693 = %scan3A_670 to %scan3A_672 step %scan3A_673 iter_args(%scan3A_694 = %broadcast_in_dim3A_667) -> (vector<16xf32>)  : i32 {
      %mul3A_695 = arith.constant 0 : i32
      %mul3A_696 = vector.broadcast %mul3A_695 : i32 to vector<16xi32>
      %mul3A_697 = arith.muli %iota3A, %mul3A_696 : vector<16xi32>
      %add3A_698 = vector.broadcast %scan3A_693 : i32 to vector<16xi32>
      %add3A_699 = arith.addi %mul3A_697, %add3A_698 : vector<16xi32>
      %gather3A = arith.constant 0 : i32
      %gather3A_700 = arith.constant 0 : i32
      %gather3A_701 = tpu.memref_slice %arg9[%scan3A_668, %gather3A, %gather3A_700] : memref<2x128x128xf32, #tpu.memory_space<vmem>> -> memref<1x128x128xf32, #tpu.memory_space<vmem>>
      %gather3A_702 = tpu.memref_squeeze %gather3A_701 : memref<1x128x128xf32, #tpu.memory_space<vmem>> -> memref<128x128xf32, #tpu.memory_space<vmem>>
      %gather3A_703 = tpu.vector_load_idx %gather3A_702[%add3A_665, %add3A_699] : memref<128x128xf32, #tpu.memory_space<vmem>>[vector<16xi32>, vector<16xi32>], vector<16xf32>,
      %gather3A_704 = arith.constant 0 : i32
      %gather3A_705 = arith.constant 0 : i32
      %gather3A_706 = tpu.memref_slice %arg10[%scan3A_669, %gather3A_704, %gather3A_705] : memref<2x128x128xf32, #tpu.memory_space<vmem>> -> memref<1x128x128xf32, #tpu.memory_space<vmem>>
      %gather3A_707 = tpu.memref_squeeze %gather3A_706 : memref<1x128x128xf32, #tpu.memory_space<vmem>> -> memref<128x128xf32, #tpu.memory_space<vmem>>
      %gather3A_708 = tpu.vector_load_idx %gather3A_707[%add3A_665, %add3A_699] : memref<128x128xf32, #tpu.memory_space<vmem>>[vector<16xi32>, vector<16xi32>], vector<16xf32>,
      %mul3A_709 = arith.mulf %gather3A_703, %gather3A_708 : vector<16xf32>
      %add3A_710 = arith.addf %scan3A_694, %mul3A_709 : vector<16xf32>
      scf.yield %add3A_710 : vector<16xf32>
    }
    %scan3A_675 = arith.constant 64 : i32
    %swap3A_676 = arith.constant 480 : index
    %swap3A_677 = tpu.vector_load %arg11[%swap3A_676] {strides = array<i32>} : memref<512xf32, #tpu.memory_space<vmem>>, vector<16xf32>,
    tpu.vector_store %arg11[%swap3A_676], %scan3A_674 {strides = array<i32>} : memref<512xf32, #tpu.memory_space<vmem>>, vector<16xf32>,
    %add3A_678 = arith.constant 112 : i32
    %add3A_679 = vector.broadcast %add3A_678 : i32 to vector<16xi32>
    %add3A_680 = arith.addi %add3A_679, %iota3A : vector<16xi32>
    %broadcast_in_dim3A_681 = arith.constant 0.000000e+00 : f32
    %broadcast_in_dim3A_682 = vector.broadcast %broadcast_in_dim3A_681 : f32 to vector<16xf32>
    %scan3A_683 = arith.constant 1 : i32
    %scan3A_684 = arith.constant 1 : i32
    %scan3A_685 = arith.constant 0 : i32
    %scan3A_686 = arith.constant 64 : i32
    %scan3A_687 = arith.addi %scan3A_685, %scan3A_686 : i32
    %scan3A_688 = arith.constant 1 : i32
    %scan3A_689 = scf.for %scan3A_693 = %scan3A_685 to %scan3A_687 step %scan3A_688 iter_args(%scan3A_694 = %broadcast_in_dim3A_682) -> (vector<16xf32>)  : i32 {
      %mul3A_695 = arith.constant 0 : i32
      %mul3A_696 = vector.broadcast %mul3A_695 : i32 to vector<16xi32>
      %mul3A_697 = arith.muli %iota3A, %mul3A_696 : vector<16xi32>
      %add3A_698 = vector.broadcast %scan3A_693 : i32 to vector<16xi32>
      %add3A_699 = arith.addi %mul3A_697, %add3A_698 : vector<16xi32>
      %gather3A = arith.constant 0 : i32
      %gather3A_700 = arith.constant 0 : i32
      %gather3A_701 = tpu.memref_slice %arg9[%scan3A_683, %gather3A, %gather3A_700] : memref<2x128x128xf32, #tpu.memory_space<vmem>> -> memref<1x128x128xf32, #tpu.memory_space<vmem>>
      %gather3A_702 = tpu.memref_squeeze %gather3A_701 : memref<1x128x128xf32, #tpu.memory_space<vmem>> -> memref<128x128xf32, #tpu.memory_space<vmem>>
      %gather3A_703 = tpu.vector_load_idx %gather3A_702[%add3A_680, %add3A_699] : memref<128x128xf32, #tpu.memory_space<vmem>>[vector<16xi32>, vector<16xi32>], vector<16xf32>,
      %gather3A_704 = arith.constant 0 : i32
      %gather3A_705 = arith.constant 0 : i32
      %gather3A_706 = tpu.memref_slice %arg10[%scan3A_684, %gather3A_704, %gather3A_705] : memref<2x128x128xf32, #tpu.memory_space<vmem>> -> memref<1x128x128xf32, #tpu.memory_space<vmem>>
      %gather3A_707 = tpu.memref_squeeze %gather3A_706 : memref<1x128x128xf32, #tpu.memory_space<vmem>> -> memref<128x128xf32, #tpu.memory_space<vmem>>
      %gather3A_708 = tpu.vector_load_idx %gather3A_707[%add3A_680, %add3A_699] : memref<128x128xf32, #tpu.memory_space<vmem>>[vector<16xi32>, vector<16xi32>], vector<16xf32>,
      %mul3A_709 = arith.mulf %gather3A_703, %gather3A_708 : vector<16xf32>
      %add3A_710 = arith.addf %scan3A_694, %mul3A_709 : vector<16xf32>
      scf.yield %add3A_710 : vector<16xf32>
    }
    %scan3A_690 = arith.constant 64 : i32
    %swap3A_691 = arith.constant 496 : index
    %swap3A_692 = tpu.vector_load %arg11[%swap3A_691] {strides = array<i32>} : memref<512xf32, #tpu.memory_space<vmem>>, vector<16xf32>,
    tpu.vector_store %arg11[%swap3A_691], %scan3A_689 {strides = array<i32>} : memref<512xf32, #tpu.memory_space<vmem>>, vector<16xf32>,
    "tpu.region"() ({
      %run_scoped3A_693 = tpu.sem_alloc : memref<!tpu.dma_semaphore, #tpu.memory_space<semaphore_mem>>
      %dma_start3A_694 = tpu.memref_slice %arg6[%mul3A_2] : memref<16384xf32, #tpu.memory_space<hbm>> -> memref<512xf32, #tpu.memory_space<hbm>>
      %dma_start3A_695 = tpu.memref_slice %arg6[%mul3A_2] : memref<16384xf32, #tpu.memory_space<hbm>> -> memref<512xf32, #tpu.memory_space<hbm>>
      tpu.enqueue_dma source(%arg11 : memref<512xf32, #tpu.memory_space<vmem>>) target(%dma_start3A_695 : memref<512xf32, #tpu.memory_space<hbm>>) target_semaphore(%run_scoped3A_693 : memref<!tpu.dma_semaphore, #tpu.memory_space<semaphore_mem>>)
      %dma_wait3A_696 = tpu.memref_slice %arg6[%mul3A_2] : memref<16384xf32, #tpu.memory_space<hbm>> -> memref<512xf32, #tpu.memory_space<hbm>>
      %dma_wait3A_697 = tpu.memref_slice %arg6[%mul3A_2] : memref<16384xf32, #tpu.memory_space<hbm>> -> memref<512xf32, #tpu.memory_space<hbm>>
      tpu.wait_dma2 semaphore(%run_scoped3A_693 : memref<!tpu.dma_semaphore, #tpu.memory_space<semaphore_mem>>) src(%arg11 : memref<512xf32, #tpu.memory_space<vmem>>) dst(%dma_wait3A_697 : memref<512xf32, #tpu.memory_space<hbm>>)
      tpu.yield
    }) : () -> ()
    return
  }
}

module attributes {stable_mosaic.version = 14 : i64} {
  func.func @_pad_body(%arg0: i32, %arg1: memref<8000x64xf32, #tpu.memory_space<vmem>>, %arg2: memref<8000x128xf32, #tpu.memory_space<vmem>>) attributes {dimension_semantics = [#tpu.dimension_semantics<arbitrary>], iteration_bounds = array<i64: 125>, scalar_prefetch = 0 : i64, scratch_operands = 0 : i64, tpu.core_type = #tpu.core_type<tc>, window_params = [{transform_indices = @transform_0, window_bounds = array<i64: 8000, 64>}, {transform_indices = @transform_1, window_bounds = array<i64: 8000, 128>}]} {
    %get3A = arith.constant 0 : index
    %get3A_0 = arith.constant 0 : index
    %get3A_1 = vector.load %arg1[%get3A, %get3A_0] : memref<8000x64xf32, #tpu.memory_space<vmem>>, vector<8000x64xf32>
    %broadcast_in_dim3A = arith.constant 0.000000e+00 : f32
    %broadcast_in_dim3A_2 = vector.broadcast %broadcast_in_dim3A : f32 to vector<8000x64xf32>
    %concatenate3A = tpu.concatenate %get3A_1, %broadcast_in_dim3A_2 in 1 : vector<8000x64xf32>, vector<8000x64xf32> -> vector<8000x128xf32>
    %swap3A = arith.constant 0 : index
    %swap3A_3 = arith.constant 0 : index
    %swap3A_4 = vector.load %arg2[%swap3A, %swap3A_3] : memref<8000x128xf32, #tpu.memory_space<vmem>>, vector<8000x128xf32>
    tpu.vector_store %arg2[%swap3A, %swap3A_3], %concatenate3A {strides = array<i32>} : memref<8000x128xf32, #tpu.memory_space<vmem>>, vector<8000x128xf32>,
    return
  }
  func.func @transform_0(%arg0: i32) -> (i32, i32) {
    %c0_i32 = arith.constant 0 : i32
    %c0_i32_0 = arith.constant 0 : i32
    return %arg0, %c0_i32 : i32, i32
  }
  func.func @transform_1(%arg0: i32) -> (i32, i32) {
    %c0_i32 = arith.constant 0 : i32
    %c0_i32_0 = arith.constant 0 : i32
    return %arg0, %c0_i32 : i32, i32
  }
}

module attributes {stable_mosaic.version = 14 : i64} {
  func.func @_pad_body(%arg0: i32, %arg1: memref<4000x64xf32, #tpu.memory_space<vmem>>, %arg2: memref<4000x128xf32, #tpu.memory_space<vmem>>) attributes {dimension_semantics = [#tpu.dimension_semantics<arbitrary>], iteration_bounds = array<i64: 25>, scalar_prefetch = 0 : i64, scratch_operands = 0 : i64, tpu.core_type = #tpu.core_type<tc>, window_params = [{transform_indices = @transform_0, window_bounds = array<i64: 4000, 64>}, {transform_indices = @transform_1, window_bounds = array<i64: 4000, 128>}]} {
    %get3A = arith.constant 0 : index
    %get3A_0 = arith.constant 0 : index
    %get3A_1 = vector.load %arg1[%get3A, %get3A_0] : memref<4000x64xf32, #tpu.memory_space<vmem>>, vector<4000x64xf32>
    %broadcast_in_dim3A = arith.constant 0.000000e+00 : f32
    %broadcast_in_dim3A_2 = vector.broadcast %broadcast_in_dim3A : f32 to vector<4000x64xf32>
    %concatenate3A = tpu.concatenate %get3A_1, %broadcast_in_dim3A_2 in 1 : vector<4000x64xf32>, vector<4000x64xf32> -> vector<4000x128xf32>
    %swap3A = arith.constant 0 : index
    %swap3A_3 = arith.constant 0 : index
    %swap3A_4 = vector.load %arg2[%swap3A, %swap3A_3] : memref<4000x128xf32, #tpu.memory_space<vmem>>, vector<4000x128xf32>
    tpu.vector_store %arg2[%swap3A, %swap3A_3], %concatenate3A {strides = array<i32>} : memref<4000x128xf32, #tpu.memory_space<vmem>>, vector<4000x128xf32>,
    return
  }
  func.func @transform_0(%arg0: i32) -> (i32, i32) {
    %c0_i32 = arith.constant 0 : i32
    %c0_i32_0 = arith.constant 0 : i32
    return %arg0, %c0_i32 : i32, i32
  }
  func.func @transform_1(%arg0: i32) -> (i32, i32) {
    %c0_i32 = arith.constant 0 : i32
    %c0_i32_0 = arith.constant 0 : i32
    return %arg0, %c0_i32 : i32, i32
  }
}

</mosaic_0001>

<sc_bundles>
// kernel: _dmf.5.cloned.1.call-start
scs
__scs_entry_jumppad:
0x0: {  	(pc) =	sbr.rel $0x88, $3  }
0x1: {  	(tag) =	ssettag $0x0;
	lr =	simm.s32 $0x1  }
0x2: {  	[smem:$0x3F9D] =	sst lr;
	_ =	strace $0xD0000000  }
0x3: {  	_ = 	snop  }
0x4: {  	_ = 	snop  }
0x5: {  	_ = 	snop  }
0x6: {  	_ = 	snop  }
0x7: {  	_ = 	snop  }
__scs_overlays_trampoline_lowered:
0x8: {  	[smem:$0x3FAC] =	sst s0  }
0x9: {  	[smem:$0x3FAD] =	sst s1  }
0xa: {  	[smem:$0x3FAE] =	sst s2  }
0xb: {  	[smem:$0x3FAF] =	sst s3  }
0xc: {  	[smem:$0x3FB0] =	sst s4  }
0xd: {  	[smem:$0x3FB1] =	sst s5  }
0xe: {  	[smem:$0x3FB2] =	sst s6  }
0xf: {  	[smem:$0x3FB3] =	sst s7  }
0x10: {  	[smem:$0x3FB4] =	sst s8  }
0x11: {  	[smem:$0x3FB5] =	sst s9;
	s0 =	simm.s32 @!p0 $0x0  }
0x12: {  	s1 =	sld [smem:$0x3F9B];
	s0 =	simm.s32 @p0 $0x1  }
0x13: {  	[smem:$0x3FB6] =	sst s0;
	s0 =	simm.s32 @!p1 $0x0  }
0x14: {  	s2 =	sld [smem:$0x3F9A];
	s0 =	simm.s32 @p1 $0x1  }
0x15: {  	[smem:$0x3FB7] =	sst s0;
	s0 =	simm.s32 @!p2 $0x0  }
0x16: {  	s3 =	sld [smem:$0x3FDB];
	s0 =	simm.s32 @p2 $0x1  }
0x17: {  	s4 =	simm.s32 $0x1BF5;
	[smem:$0x3FB9] =	sst s0  }
0x18: {  	s0 =	sld [smem:$0x3F9C];
	_ =	swait.ge [sflag:s4], $0x0  }
0x19: {  	s7 =	sld [smem:$0x3F9D]  }
0x1a: {  	s8 =	sadd.s32 $0xFFFFE003, lr  }
0x1b: {  	s9 =	sadd.s32 $0xFFFFFEF7, lr;
	s5 =	simm.s32 $0xFFFFFFFF;
	p2 =	slt.u32 s8, $0xFFFFF086  }
0x1c: {  	p1 =	slt.u32 s9, $0xF7A;
	s5 =	simm.s32 @!p2 $0x0  }
0x1d: {  	s5 =	simm.s32 @p1 $0x1;
	p0 =	seq.s32 s7, s2  }
0x1e: {  	s7 =	smul.u32 @!p0 $0xF7A, s2;
	p2 =	seq.s32 @!p0 s5, $0x0  }
0x1f: {  	s9 =	smul.u32 $0xF7A, s1;
	s8 =	simm.s32 @!p0 $0x1BF5;
	p2 =	por !p2, p0  }
0x20: {  	[sflag:s8] =	ssyncset.s32 @!p0 $0xFFFFF086;
	s6 =	sadd.s32 @!p0 s3, s7;
	s7 =	simm.s32 @!p0 $0x108  }
0x21: {  	s3 =	sadd.s32 s3, s9;
	s6 =	sadd.s32 @!p0 $0x88, s6;
	s7 =	simm.s32 @p2 $0x1082  }
0x22: {  	[simem:s7], [sflag:s8] =	dma.local @!p0 [hbm:s6], $0xF7A  }
0x23: {  	s9 =	sor.u32 $0xD0000000, s2;
	s6 =	simm.s32 $0x108;
	_ =	swait.ge @!p0 [sflag:s8], $0x0  }
0x24: {  	s3 =	sadd.s32 $0x88, s3;
	s6 =	simm.s32 @!p1 $0x1082;
	[sflag:s4] =	ssyncset.s32 $0xFFFFF086  }
0x25: {  	[simem:s6], [sflag:s4] =	dma.local [hbm:s3], $0xF7A  }
0x26: {  	[smem:$0x3F9D] =	sst s1;
	(tag) =	ssettag s2;
	_ =	strace s9  }
0x27: {  	s1 =	sld [smem:$0x3FAD]  }
0x28: {  	s2 =	sld [smem:$0x3FAE]  }
0x29: {  	s4 =	sld [smem:$0x3FB0]  }
0x2a: {  	p0 =	seq.s32 s5, $0x0;
	s5 =	sld [smem:$0x3FB1]  }
0x2b: {  	s6 =	sld [smem:$0x3FB2]  }
0x2c: {  	s7 =	sld [smem:$0x3FB3]  }
0x2d: {  	s3 =	simm.s32 $0x108;
	s8 =	sld [smem:$0x3FB4]  }
0x2e: {  	s3 =	simm.s32 @!p0 $0x1082;
	s9 =	sld [smem:$0x3FB5]  }
0x2f: {  	lr =	sadd.s32 s0, s3;
	s0 =	sld [smem:$0x3FAC]  }
0x30: {  	s3 =	sld [smem:$0x3FAF]  }
0x31: {  	[smem:$0x3FB8] =	sst s10  }
0x32: {  	s10 =	sld [smem:$0x3FB6];
	_ =	sdelay $0x3  }
0x33: {  	p0 =	seq.s32 s10, $0x1;
	s10 =	sld [smem:$0x3FB8];
	_ =	sdelay $0x3  }
0x34: {  	[smem:$0x3FB8] =	sst s10  }
0x35: {  	s10 =	sld [smem:$0x3FB7];
	_ =	sdelay $0x3  }
0x36: {  	p1 =	seq.s32 s10, $0x1;
	s10 =	sld [smem:$0x3FB8];
	_ =	sdelay $0x3  }
0x37: {  	[smem:$0x3FB8] =	sst s10  }
0x38: {  	s10 =	sld [smem:$0x3FB9]  }
0x39: {  	_ = 	snop;
	(pc) =	sbr.ind lr, $3  }
0x3a: {  	_ = 	snop  }
0x3b: {  	_ = 	snop  }
0x3c: {  	p2 =	seq.s32 s10, $0x1;
	s10 =	sld [smem:$0x3FB8]  }
0x3d: {  	_ =	shalt  }
0x3e: {  	_ =	shalt  }
0x3f: {  	_ =	shalt  }
0x40: {  	_ =	shalt  }
0x41: {  	_ =	shalt  }
0x42: {  	_ =	shalt  }
0x43: {  	_ =	shalt  }
0x44: {  	_ =	shalt  }
0x45: {  	_ =	shalt  }
0x46: {  	_ =	shalt  }
0x47: {  	_ =	shalt  }
0x48: {  	_ =	shalt  }
0x49: {  	_ =	shalt  }
0x4a: {  	_ =	shalt  }
0x4b: {  	_ =	shalt  }
0x4c: {  	_ =	shalt  }
0x4d: {  	_ =	shalt  }
0x4e: {  	_ =	shalt  }
0x4f: {  	_ =	shalt  }
0x50: {  	_ =	shalt  }
0x51: {  	_ =	shalt  }
0x52: {  	_ =	shalt  }
0x53: {  	_ =	shalt  }
0x54: {  	_ =	shalt  }
0x55: {  	_ =	shalt  }
0x56: {  	_ =	shalt  }
0x57: {  	_ =	shalt  }
0x58: {  	_ =	shalt  }
0x59: {  	_ =	shalt  }
0x5a: {  	_ =	shalt  }
0x5b: {  	_ =	shalt  }
0x5c: {  	_ =	shalt  }
0x5d: {  	_ =	shalt  }
0x5e: {  	_ =	shalt  }
0x5f: {  	_ =	shalt  }
0x60: {  	_ =	shalt  }
0x61: {  	_ =	shalt  }
0x62: {  	_ =	shalt  }
0x63: {  	_ =	shalt  }
0x64: {  	_ =	shalt  }
0x65: {  	_ =	shalt  }
0x66: {  	_ =	shalt  }
0x67: {  	_ =	shalt  }
0x68: {  	_ =	shalt  }
0x69: {  	_ =	shalt  }
0x6a: {  	_ =	shalt  }
0x6b: {  	_ =	shalt  }
0x6c: {  	_ =	shalt  }
0x6d: {  	_ =	shalt  }
0x6e: {  	_ =	shalt  }
0x6f: {  	_ =	shalt  }
0x70: {  	_ =	shalt  }
0x71: {  	_ =	shalt  }
0x72: {  	_ =	shalt  }
0x73: {  	_ =	shalt  }
0x74: {  	_ =	shalt  }
0x75: {  	_ =	shalt  }
0x76: {  	_ =	shalt  }
0x77: {  	_ =	shalt  }
0x78: {  	_ =	shalt  }
0x79: {  	_ =	shalt  }
0x7a: {  	_ =	shalt  }
0x7b: {  	_ =	shalt  }
0x7c: {  	_ =	shalt  }
0x7d: {  	_ =	shalt  }
0x7e: {  	_ =	shalt  }
0x7f: {  	_ =	shalt  }
0x80: {  	_ =	shalt  }
0x81: {  	_ =	shalt  }
0x82: {  	_ =	shalt  }
0x83: {  	_ =	shalt  }
0x84: {  	_ =	shalt  }
0x85: {  	_ =	shalt  }
0x86: {  	_ =	shalt  }
0x87: {  	_ =	shalt  }
.Lfunc_end0:
.L_simem_size_0:
called_computation_lowered:
.L_overlay_start_0:
0x88: {  	s2 =	sld [smem:$0x3FD9]  }
0x89: {  	s3 =	sld [smem:$0x3FFE];
	_ =	sdelay $0x1  }
0x8a: {  	s1 =	srdreg.scid  }
0x8b: {  	s0 =	sand.u32 $0x1, s1  }
0x8c: {  	s17 =	sshll.u32 s0, $0xA;
	s2 =	sadd.s32 s3, s2  }
0x8d: {  	s2 =	sadd.s32 s2, s17  }
0x8e: {  	[smem:$0x3FC4] =	sst s2  }
0x8f: {  	_ = 	snop  }
0x90: {  	s2 =	sld [smem:$0x3FC9]  }
0x91: {  	s18 =	sld [smem:$0x3FC8]  }
0x92: {  	s4 =	sld [smem:$0x3FD0];
	(tm) =	ssettm $0x1  }
0x93: {  	s5 =	sld [smem:$0x3FFB];
	_ =	sdelay $0x3  }
0x94: {  	_ =	strace s5  }
0x95: {  	s5 =	sld [smem:$0x3FFC];
	_ =	sdelay $0x3  }
0x96: {  	_ =	strace s5  }
0x97: {  	s5 =	sld [smem:$0x3FFD];
	_ =	sdelay $0x3  }
0x98: {  	_ =	strace s5  }
0x99: {  	_ =	strace $0x8FFFFFFF  }
0x9a: {  	s19 =	sld [smem:$0x3FDB];
	_ =	sdelay $0x1  }
0x9b: {  	s6 =	simm.s32 $_scs_section_size  }
0x9c: {  	s7 =	simm.s32 $_size__tile_overlayer_lowered;
	s8 =	simm.s32 $_tile_overlayer_lowered  }
0x9d: {  	s22 =	simm.s32 $0x1BFF;
	s21 =	sshll.u32 s8, $0x1;
	s5 =	sadd.s32 s6, s19  }
0x9e: {  	s9 =	simm.s32 $0x0;
	s20 =	sshll.u32 s7, $0x1;
	s7 =	sadd.s32 s21, s5  }
0x9f: {  	[timem:s9], [sflag:s22] =	dma.local [hbm:s7], s20  }
0xa0: {  	_ =	swait.ge [sflag:s22], s20  }
0xa1: {  	s6 =	ssub.s32 $0x0, s20;
	[sflag:s22] =	ssyncset.done $0x0  }
0xa2: {  	[sflag:s22] =	ssyncadd.s32 s6;
	_ =	sdelay $0x1  }
0xa3: {  	s23 =	simm.s32 $0x1B8B  }
0xa4: {  	_ =	swait.ge [sflag:s23], $0x1  }
0xa5: {  	[sflag:s23] =	ssyncset.done $0x0  }
0xa6: {  	s25 =	simm.s32 $0x1B8E;
	s24 =	sld [smem:$0x3FFE];
	[sflag:s23] =	ssyncadd.s32 $0xFFFFFFFF  }
0xa7: {  	s26 =	simm.s32 $execute0_lowered;
	[smem:$0x3FD2] =	sst s25  }
0xa8: {  	s7 =	sshll.u32 s26, $0x1;
	_ =	strace $0x80000046;
	[dreg:$0x1] =	wrdreg $0xFFFFFFFF  }
0xa9: {  	s28 =	simm.s32 $_size_execute0_lowered;
	s5 =	sadd.s32 s5, s7;
	[dreg:$0x0] =	wrdreg $0x0  }
0xaa: {  	s7 =	sshll.u32 s28, $0x1;
	[dreg:$0x2] =	wrdreg s5  }
0xab: {  	[dreg:$0x3] =	wrdreg s7  }
0xac: {  	[dreg:$0x4] =	wrdreg $0xC0  }
0xad: {  	_ =	task [dreg:s9], $0x5FFFF  }
0xae: {  	[dreg:$0x1] =	wrdreg $0xFFFFFFFF  }
0xaf: {  	[dreg:$0x0] =	wrdreg $0x60  }
0xb0: {  	[dreg:$0x2] =	wrdreg s2  }
0xb1: {  	[dreg:$0x3] =	wrdreg s18  }
0xb2: {  	[dreg:$0x4] =	wrdreg s24  }
0xb3: {  	[dreg:$0x5] =	wrdreg s4  }
0xb4: {  	[dreg:$0x6] =	wrdreg $0x9  }
0xb5: {  	_ =	task.clear_ibuf [dreg:s9], $0x7FFFF;
	_ =	strace $0x90000046  }
0xb6: {  	s29 =	simm.s32 $0x9;
	_ =	strace $0x80000048  }
0xb7: {  	_ =	swait.ge [sflag:s29], $0x1  }
0xb8: {  	[sflag:s29] =	ssyncadd.s32 $0xFFFFFFFF  }
0xb9: {  	_ =	strace $0x90000048  }
0xba: {  	_ =	sfence  }
0xbb: {  	s30 =	sld [smem:$0x0];
	_ =	sdelay $0x2  }
0xbc: {  	s31 =	sshll.u32 s1, $0xD;
	s1 =	sshrl.u32 s1, $0x2  }
0xbd: {  	s3 =	sand.u32 $0x4000, s31;
	s1 =	sadd.s32 s1, s30  }
0xbe: {  	s0 =	sor.u32 s3, s0;
	s1 =	sshll.u32 s1, $0x11  }
0xbf: {  	s0 =	sor.u32 s1, s0  }
0xc0: {  	s0 =	sadd.s32 $0x8F2B, s0  }
0xc1: {  	[sflag:s0] =	ssyncadd.remote.s32 $0x1  }
0xc2: {  	_ =	sfence.sel $0xFFFF  }
0xc3: {  	[dreg:$0x0] =	wrdreg $0xFFFFFFFF;
	(pc) =	sbr.abs _section_cstart, $3  }
0xc4: {  	[dreg:$0x1] =	wrdreg $0xFFFFFFFF  }
0xc5: {  	_ =	task.clear_ibuf [dreg:s9], $0x2FFFF;
	_ =	strace $0x9FFFFFFF  }
0xc6: {  	(tm) =	ssettm $0x7FFFFFFF  }
0xc7: {  	_ =	shalt  }
tec
execute0_lowered:
.L_overlay_start_1:
0x0: {  	(tag) =	ssettag $0x1  }
0x1: {  	s0 =	rddreg [dreg:$0x0]  }
0x2: {  	s12 =	rddreg [dreg:$0x1]  }
0x3: {  	s4 =	rddreg [dreg:$0x2]  }
0x4: {  	s13 =	rddreg [dreg:$0x3];
	s1 =	simm.s32 $0x0  }
0x5: {  	s5 =	srdreg.scid;
	s2 =	stileid.u32;
	s17 =	simm.s32 $0x80  }
0x6: {  	s18 =	simm.s32 $0x280;
	s19 =	simm.s32 $0x100;
	s20 =	simm.s32 $0x300  }
0x7: {  	s21 =	simm.s32 $0x180;
	s22 =	simm.s32 $0x380;
	s23 =	simm.s32 $0x400  }
0x8: {  	s24 =	simm.s32 $0x8400;
	s25 =	simm.s32 $0x4400;
	s28 =	simm.s32 $0x1  }
0x9: {  	s29 =	simm.s32 $0x2;
	s30 =	simm.s32 $0x10400;
	s31 =	simm.s32 $0x0  }
0xa: {  	[smem:$0x7FF] =	sst s1;
	s3 =	sadd.s32 $0xF42A00, s4;
	s5 =	sand.u32 $0x1, s5  }
0xb: {  	s7 =	sshll.u32 s2, $0x7;
	s6 =	ssub.s32 $0x2, s5;
	s5 =	sshll.u32 s5, $0x6  }
0xc: {  	s4 =	sadd.s32 $0x187000, s4;
	s8 =	sshrl.u32 s6, $0x1;
	s14 =	sor.u32 s5, s7  }
0xd: {  	v0 =	vlaneseq.u32;
	_ =	strace $0x80000047;
	s15 =	ssub.s32 s6, s8;
	s5 =	sadd.s32 s0, s14  }
0xe: {  	v0 =	vmul.u32 $0x80, v0;
	s26 =	sor.u32 $0x10, s14;
	s6 =	sadd.s32 s12, s14;
	s10 =	sor.u32 $0x20, s14  }
0xf: {  	s16 =	sor.u32 $0x30, s14;
	s13 =	sadd.s32 s13, s14;
	s7 =	sadd.s32 s0, s26  }
0x10: {  	v1 =	vor.u32 $0x800, v0;
	s8 =	sadd.s32 s12, s26;
	s9 =	sadd.s32 s0, s10;
	s10 =	sadd.s32 s12, s10  }
0x11: {  	v2 =	vor.u32 $0x1000, v0;
	v3 =	vor.u32 $0x1800, v0;
	v4 =	vor.u32 $0x2000, v0;
	s11 =	sadd.s32 s0, s16;
	s12 =	sadd.s32 s12, s16;
	s14 =	smax.u32 s15, $0x1  }
0x12: {  	v5 =	vor.u32 $0x2800, v0;
	v6 =	vor.u32 $0x3000, v0;
	v7 =	vor.u32 $0x3800, v0;
	s15 =	simm.s32 $0x3;
	s16 =	simm.s32 $0x200;
	s26 =	simm.s32 $0xC400  }
.LBB2_1:
0x13: {  	[tilespmem:s1], [sflag:$0x3] =	stream.linear.gather [hbm4b:s5+s1], $0x80, $0x38;
	[tilespmem:$0x10600] =	vst v63  }
0x14: {  	_ =	swait.ge [sflag:s15], $0x80  }
0x15: {  	[sflag:s15] =	ssyncset.done $0x0  }
0x16: {  	[sflag:s15] =	ssyncadd.s32 $0xFFFFFF80  }
0x17: {  	[tilespmem:s16], [sflag:$0x3] =	stream.linear.gather [hbm4b:s6+s1], $0x80, $0x38;
	[tilespmem:$0x10600] =	vst v63  }
0x18: {  	_ =	swait.ge [sflag:s15], $0x80  }
0x19: {  	[sflag:s15] =	ssyncset.done $0x0  }
0x1a: {  	[sflag:s15] =	ssyncadd.s32 $0xFFFFFF80  }
0x1b: {  	[tilespmem:s17], [sflag:$0x3] =	stream.linear.gather [hbm4b:s7+s1], $0x80, $0x38;
	[tilespmem:$0x10600] =	vst v63  }
0x1c: {  	_ =	swait.ge [sflag:s15], $0x80  }
0x1d: {  	[sflag:s15] =	ssyncset.done $0x0  }
0x1e: {  	[sflag:s15] =	ssyncadd.s32 $0xFFFFFF80  }
0x1f: {  	[tilespmem:s18], [sflag:$0x3] =	stream.linear.gather [hbm4b:s8+s1], $0x80, $0x38;
	[tilespmem:$0x10600] =	vst v63  }
0x20: {  	_ =	swait.ge [sflag:s15], $0x80  }
0x21: {  	[sflag:s15] =	ssyncset.done $0x0  }
0x22: {  	[sflag:s15] =	ssyncadd.s32 $0xFFFFFF80  }
0x23: {  	[tilespmem:s19], [sflag:$0x3] =	stream.linear.gather [hbm4b:s9+s1], $0x80, $0x38;
	[tilespmem:$0x10600] =	vst v63  }
0x24: {  	_ =	swait.ge [sflag:s15], $0x80  }
0x25: {  	[sflag:s15] =	ssyncset.done $0x0  }
0x26: {  	[sflag:s15] =	ssyncadd.s32 $0xFFFFFF80  }
0x27: {  	[tilespmem:s20], [sflag:$0x3] =	stream.linear.gather [hbm4b:s10+s1], $0x80, $0x38;
	[tilespmem:$0x10600] =	vst v63  }
0x28: {  	_ =	swait.ge [sflag:s15], $0x80  }
0x29: {  	[sflag:s15] =	ssyncset.done $0x0  }
0x2a: {  	[sflag:s15] =	ssyncadd.s32 $0xFFFFFF80  }
0x2b: {  	[tilespmem:s21], [sflag:$0x3] =	stream.linear.gather [hbm4b:s11+s1], $0x80, $0x38;
	[tilespmem:$0x10600] =	vst v63  }
0x2c: {  	_ =	swait.ge [sflag:s15], $0x80  }
0x2d: {  	[sflag:s15] =	ssyncset.done $0x0  }
0x2e: {  	[sflag:s15] =	ssyncadd.s32 $0xFFFFFF80  }
0x2f: {  	[tilespmem:s22], [sflag:$0x3] =	stream.linear.gather [hbm4b:s12+s1], $0x80, $0x38;
	[tilespmem:$0x10600] =	vst v63  }
0x30: {  	_ =	swait.ge [sflag:s15], $0x80  }
0x31: {  	[sflag:s15] =	ssyncset.done $0x0  }
0x32: {  	[sflag:s15] =	ssyncadd.s32 $0xFFFFFF80  }
0x33: {  	[tilespmem:s23], [sflag:$0x1] =	stream.indirect.gather [hbm4b:s3+s17], $0x80, s1, s17, $0xb8;
	[tilespmem:$0x10600] =	vst v63  }
0x34: {  	_ = 	snop  }
0x35: {  	[tilespmem:s24], [sflag:$0x1] =	stream.indirect.gather [hbm4b:s4+s17], $0x80, s16, s17, $0xb8;
	[tilespmem:$0x10600] =	vst v63  }
0x36: {  	_ = 	snop  }
0x37: {  	v8 =	vmov s1;
	[tilespmem:s25], [sflag:$0x2] =	stream.indirect.gather [hbm4b:s3+s17], $0x80, s17, s17, $0xb8;
	[tilespmem:$0x10600] =	vst v63  }
0x38: {  	v8 =	vand.u32 $0x7F, v8  }
0x39: {  	v8 =	vbroadcast v8, $0x0;
	[tilespmem:s26], [sflag:$0x2] =	stream.indirect.gather [hbm4b:s4+s17], $0x80, s18, s17, $0xb8;
	[tilespmem:$0x10600] =	vst v63  }
0x3a: {  	_ =	swait.ge [sflag:s28], $0x4000  }
0x3b: {  	s0 =	simm.s32 $0x1;
	v8 =	vor.u32 v0, v8;
	[sflag:s28] =	ssyncset.done $0x0  }
0x3c: {  	v9 =	vmov s0;
	[sflag:s28] =	ssyncadd.s32 $0xFFFFC000  }
0x3d: {  	v9 =	vand.u32 $0x7F, v9;
	_ =	swait.ge [sflag:s28], $0x4000  }
0x3e: {  	v9 =	vbroadcast v9, $0x0;
	[sflag:s28] =	ssyncset.done $0x0  }
0x3f: {  	[sflag:s28] =	ssyncadd.s32 $0xFFFFC000  }
0x40: {  	v10 =	vor.u32 v0, v9;
	v12 =	vld.idx.msk [tilespmem:v8+s23+$0x0], $0xffff  }
0x41: {  	s0 =	simm.s32 $0x2;
	v13 =	vld.idx.msk [tilespmem:v8+s24+$0x0], $0xffff  }
0x42: {  	v8 =	vmov s0  }
0x43: {  	v8 =	vand.u32 $0x7F, v8  }
0x44: {  	v11 =	vbroadcast v8, $0x0  }
0x45: {  	v8 =	vld.idx.msk [tilespmem:v10+s23+$0x0], $0xffff  }
0x46: {  	v9 =	vimm.f32 $0.0e+00;
	s0 =	simm.s32 $0x3;
	v10 =	vld.idx.msk [tilespmem:v10+s24+$0x0], $0xffff;
	v11 =	vor.u32 v0, v11;
	v12 =	vmul.f32 v13, v12  }
.LBB2_2:
0x47: {  	p0 =	sne.s32 s0, $0x3F  }
.Ltmp0:
0x48: {  	v13 =	vmov s0;
	v9 =	vadd.f32 v12, v9;
	(pc) =	sbr.rel @p0 .LBB2_2-.Ltmp0, $4  }
0x49: {  	s0 =	sadd.s32 $0x1, s0;
	v14 =	vand.u32 $0x7F, v13  }
0x4a: {  	v13 =	vbroadcast v14, $0x0  }
0x4b: {  	v12 =	vmov v8;
	v8 =	vld.idx.msk [tilespmem:v11+s23+$0x0], $0xffff  }
0x4c: {  	v12 =	vmul.f32 v10, v12;
	v10 =	vld.idx.msk [tilespmem:v11+s24+$0x0], $0xffff;
	v11 =	vor.u32 v0, v13  }
0x4d: {  	_ =	sdelay $0x3  }
0x4e: {  	v13 =	vld.idx.msk [tilespmem:v11+s23+$0x0], $0xffff  }
0x4f: {  	v11 =	vld.idx.msk [tilespmem:v11+s24+$0x0], $0xffff;
	s0 =	simm.s32 $0x0  }
0x50: {  	v14 =	vmov s0  }
0x51: {  	v14 =	vand.u32 $0x7F, v14  }
0x52: {  	v9 =	vadd.f32 v12, v9;
	v8 =	vmul.f32 v10, v8;
	v10 =	vbroadcast v14, $0x0;
	_ =	sdelay $0x1  }
0x53: {  	s0 =	simm.s32 $0x1;
	v8 =	vadd.f32 v8, v9;
	v9 =	vmul.f32 v11, v13;
	v10 =	vor.u32 v1, v10  }
0x54: {  	v11 =	vmov s0  }
0x55: {  	v8 =	vadd.f32 v9, v8;
	v9 =	vand.u32 $0x7F, v11  }
0x56: {  	v9 =	vbroadcast v9, $0x0  }
0x57: {  	[tilespmem:$0x10400] =	vst v8  }
0x58: {  	v12 =	vld.idx.msk [tilespmem:v10+s23+$0x0], $0xffff;
	v13 =	vor.u32 v1, v9  }
0x59: {  	s0 =	simm.s32 $0x2;
	v14 =	vld.idx.msk [tilespmem:v10+s24+$0x0], $0xffff  }
0x5a: {  	v8 =	vmov s0  }
0x5b: {  	v8 =	vand.u32 $0x7F, v8  }
0x5c: {  	v10 =	vbroadcast v8, $0x0  }
0x5d: {  	v8 =	vld.idx.msk [tilespmem:v13+s23+$0x0], $0xffff  }
0x5e: {  	s0 =	simm.s32 $0x3;
	v9 =	vimm.f32 $0.0e+00;
	v11 =	vor.u32 v1, v10;
	v10 =	vld.idx.msk [tilespmem:v13+s24+$0x0], $0xffff;
	v12 =	vmul.f32 v14, v12  }
.LBB2_4:
0x5f: {  	p0 =	sne.s32 s0, $0x3F  }
.Ltmp1:
0x60: {  	v13 =	vmov s0;
	v9 =	vadd.f32 v12, v9;
	(pc) =	sbr.rel @p0 .LBB2_4-.Ltmp1, $4  }
0x61: {  	s0 =	sadd.s32 $0x1, s0;
	v14 =	vand.u32 $0x7F, v13  }
0x62: {  	v13 =	vbroadcast v14, $0x0  }
0x63: {  	v12 =	vmov v8;
	v8 =	vld.idx.msk [tilespmem:v11+s23+$0x0], $0xffff  }
0x64: {  	v12 =	vmul.f32 v10, v12;
	v10 =	vld.idx.msk [tilespmem:v11+s24+$0x0], $0xffff;
	v11 =	vor.u32 v1, v13  }
0x65: {  	_ =	sdelay $0x3  }
0x66: {  	v13 =	vld.idx.msk [tilespmem:v11+s23+$0x0], $0xffff  }
0x67: {  	v11 =	vld.idx.msk [tilespmem:v11+s24+$0x0], $0xffff;
	s0 =	simm.s32 $0x0  }
0x68: {  	v14 =	vmov s0  }
0x69: {  	v14 =	vand.u32 $0x7F, v14  }
0x6a: {  	v9 =	vadd.f32 v12, v9;
	v8 =	vmul.f32 v10, v8;
	v10 =	vbroadcast v14, $0x0;
	_ =	sdelay $0x1  }
0x6b: {  	s0 =	simm.s32 $0x1;
	v8 =	vadd.f32 v8, v9;
	v9 =	vmul.f32 v11, v13;
	v10 =	vor.u32 v2, v10  }
0x6c: {  	v11 =	vmov s0  }
0x6d: {  	v8 =	vadd.f32 v9, v8;
	v9 =	vand.u32 $0x7F, v11  }
0x6e: {  	v9 =	vbroadcast v9, $0x0  }
0x6f: {  	[tilespmem:$0x10410] =	vst v8  }
0x70: {  	v12 =	vld.idx.msk [tilespmem:v10+s23+$0x0], $0xffff;
	v13 =	vor.u32 v2, v9  }
0x71: {  	s0 =	simm.s32 $0x2;
	v14 =	vld.idx.msk [tilespmem:v10+s24+$0x0], $0xffff  }
0x72: {  	v8 =	vmov s0  }
0x73: {  	v8 =	vand.u32 $0x7F, v8  }
0x74: {  	v10 =	vbroadcast v8, $0x0  }
0x75: {  	v8 =	vld.idx.msk [tilespmem:v13+s23+$0x0], $0xffff  }
0x76: {  	s0 =	simm.s32 $0x3;
	v9 =	vimm.f32 $0.0e+00;
	v11 =	vor.u32 v2, v10;
	v10 =	vld.idx.msk [tilespmem:v13+s24+$0x0], $0xffff;
	v12 =	vmul.f32 v14, v12  }
.LBB2_6:
0x77: {  	p0 =	sne.s32 s0, $0x3F  }
.Ltmp2:
0x78: {  	v13 =	vmov s0;
	v9 =	vadd.f32 v12, v9;
	(pc) =	sbr.rel @p0 .LBB2_6-.Ltmp2, $4  }
0x79: {  	s0 =	sadd.s32 $0x1, s0;
	v14 =	vand.u32 $0x7F, v13  }
0x7a: {  	v13 =	vbroadcast v14, $0x0  }
0x7b: {  	v12 =	vmov v8;
	v8 =	vld.idx.msk [tilespmem:v11+s23+$0x0], $0xffff  }
0x7c: {  	v12 =	vmul.f32 v10, v12;
	v10 =	vld.idx.msk [tilespmem:v11+s24+$0x0], $0xffff;
	v11 =	vor.u32 v2, v13  }
0x7d: {  	_ =	sdelay $0x3  }
0x7e: {  	v13 =	vld.idx.msk [tilespmem:v11+s23+$0x0], $0xffff  }
0x7f: {  	v11 =	vld.idx.msk [tilespmem:v11+s24+$0x0], $0xffff;
	s0 =	simm.s32 $0x0  }
0x80: {  	v14 =	vmov s0  }
0x81: {  	v14 =	vand.u32 $0x7F, v14  }
0x82: {  	v9 =	vadd.f32 v12, v9;
	v8 =	vmul.f32 v10, v8;
	v10 =	vbroadcast v14, $0x0;
	_ =	sdelay $0x1  }
0x83: {  	s0 =	simm.s32 $0x1;
	v8 =	vadd.f32 v8, v9;
	v9 =	vmul.f32 v11, v13;
	v10 =	vor.u32 v3, v10  }
0x84: {  	v11 =	vmov s0  }
0x85: {  	v8 =	vadd.f32 v9, v8;
	v9 =	vand.u32 $0x7F, v11  }
0x86: {  	v9 =	vbroadcast v9, $0x0  }
0x87: {  	[tilespmem:$0x10420] =	vst v8  }
0x88: {  	v12 =	vld.idx.msk [tilespmem:v10+s23+$0x0], $0xffff;
	v13 =	vor.u32 v3, v9  }
0x89: {  	s0 =	simm.s32 $0x2;
	v14 =	vld.idx.msk [tilespmem:v10+s24+$0x0], $0xffff  }
0x8a: {  	v8 =	vmov s0  }
0x8b: {  	v8 =	vand.u32 $0x7F, v8  }
0x8c: {  	v10 =	vbroadcast v8, $0x0  }
0x8d: {  	v8 =	vld.idx.msk [tilespmem:v13+s23+$0x0], $0xffff  }
0x8e: {  	s0 =	simm.s32 $0x3;
	v9 =	vimm.f32 $0.0e+00;
	v11 =	vor.u32 v3, v10;
	v10 =	vld.idx.msk [tilespmem:v13+s24+$0x0], $0xffff;
	v12 =	vmul.f32 v14, v12  }
.LBB2_8:
0x8f: {  	p0 =	sne.s32 s0, $0x3F  }
.Ltmp3:
0x90: {  	v13 =	vmov s0;
	v9 =	vadd.f32 v12, v9;
	(pc) =	sbr.rel @p0 .LBB2_8-.Ltmp3, $4  }
0x91: {  	s0 =	sadd.s32 $0x1, s0;
	v14 =	vand.u32 $0x7F, v13  }
0x92: {  	v13 =	vbroadcast v14, $0x0  }
0x93: {  	v12 =	vmov v8;
	v8 =	vld.idx.msk [tilespmem:v11+s23+$0x0], $0xffff  }
0x94: {  	v12 =	vmul.f32 v10, v12;
	v10 =	vld.idx.msk [tilespmem:v11+s24+$0x0], $0xffff;
	v11 =	vor.u32 v3, v13  }
0x95: {  	_ =	sdelay $0x3  }
0x96: {  	v13 =	vld.idx.msk [tilespmem:v11+s23+$0x0], $0xffff  }
0x97: {  	v11 =	vld.idx.msk [tilespmem:v11+s24+$0x0], $0xffff;
	s0 =	simm.s32 $0x0  }
0x98: {  	v14 =	vmov s0  }
0x99: {  	v14 =	vand.u32 $0x7F, v14  }
0x9a: {  	v9 =	vadd.f32 v12, v9;
	v8 =	vmul.f32 v10, v8;
	v10 =	vbroadcast v14, $0x0;
	_ =	sdelay $0x1  }
0x9b: {  	s0 =	simm.s32 $0x1;
	v8 =	vadd.f32 v8, v9;
	v9 =	vmul.f32 v11, v13;
	v10 =	vor.u32 v4, v10  }
0x9c: {  	v11 =	vmov s0  }
0x9d: {  	v8 =	vadd.f32 v9, v8;
	v9 =	vand.u32 $0x7F, v11  }
0x9e: {  	v9 =	vbroadcast v9, $0x0  }
0x9f: {  	[tilespmem:$0x10430] =	vst v8  }
0xa0: {  	v12 =	vld.idx.msk [tilespmem:v10+s23+$0x0], $0xffff;
	v13 =	vor.u32 v4, v9  }
0xa1: {  	s0 =	simm.s32 $0x2;
	v14 =	vld.idx.msk [tilespmem:v10+s24+$0x0], $0xffff  }
0xa2: {  	v8 =	vmov s0  }
0xa3: {  	v8 =	vand.u32 $0x7F, v8  }
0xa4: {  	v10 =	vbroadcast v8, $0x0  }
0xa5: {  	v8 =	vld.idx.msk [tilespmem:v13+s23+$0x0], $0xffff  }
0xa6: {  	s0 =	simm.s32 $0x3;
	v9 =	vimm.f32 $0.0e+00;
	v11 =	vor.u32 v4, v10;
	v10 =	vld.idx.msk [tilespmem:v13+s24+$0x0], $0xffff;
	v12 =	vmul.f32 v14, v12  }
.LBB2_10:
0xa7: {  	p0 =	sne.s32 s0, $0x3F  }
.Ltmp4:
0xa8: {  	v13 =	vmov s0;
	v9 =	vadd.f32 v12, v9;
	(pc) =	sbr.rel @p0 .LBB2_10-.Ltmp4, $4  }
0xa9: {  	s0 =	sadd.s32 $0x1, s0;
	v14 =	vand.u32 $0x7F, v13  }
0xaa: {  	v13 =	vbroadcast v14, $0x0  }
0xab: {  	v12 =	vmov v8;
	v8 =	vld.idx.msk [tilespmem:v11+s23+$0x0], $0xffff  }
0xac: {  	v12 =	vmul.f32 v10, v12;
	v10 =	vld.idx.msk [tilespmem:v11+s24+$0x0], $0xffff;
	v11 =	vor.u32 v4, v13  }
0xad: {  	_ =	sdelay $0x3  }
0xae: {  	v13 =	vld.idx.msk [tilespmem:v11+s23+$0x0], $0xffff  }
0xaf: {  	v11 =	vld.idx.msk [tilespmem:v11+s24+$0x0], $0xffff;
	s0 =	simm.s32 $0x0  }
0xb0: {  	v14 =	vmov s0  }
0xb1: {  	v14 =	vand.u32 $0x7F, v14  }
0xb2: {  	v9 =	vadd.f32 v12, v9;
	v8 =	vmul.f32 v10, v8;
	v10 =	vbroadcast v14, $0x0;
	_ =	sdelay $0x1  }
0xb3: {  	s0 =	simm.s32 $0x1;
	v8 =	vadd.f32 v8, v9;
	v9 =	vmul.f32 v11, v13;
	v10 =	vor.u32 v5, v10  }
0xb4: {  	v11 =	vmov s0  }
0xb5: {  	v8 =	vadd.f32 v9, v8;
	v9 =	vand.u32 $0x7F, v11  }
0xb6: {  	v9 =	vbroadcast v9, $0x0  }
0xb7: {  	[tilespmem:$0x10440] =	vst v8  }
0xb8: {  	v12 =	vld.idx.msk [tilespmem:v10+s23+$0x0], $0xffff;
	v13 =	vor.u32 v5, v9  }
0xb9: {  	s0 =	simm.s32 $0x2;
	v14 =	vld.idx.msk [tilespmem:v10+s24+$0x0], $0xffff  }
0xba: {  	v8 =	vmov s0  }
0xbb: {  	v8 =	vand.u32 $0x7F, v8  }
0xbc: {  	v10 =	vbroadcast v8, $0x0  }
0xbd: {  	v8 =	vld.idx.msk [tilespmem:v13+s23+$0x0], $0xffff  }
0xbe: {  	s0 =	simm.s32 $0x3;
	v9 =	vimm.f32 $0.0e+00;
	v11 =	vor.u32 v5, v10;
	v10 =	vld.idx.msk [tilespmem:v13+s24+$0x0], $0xffff;
	v12 =	vmul.f32 v14, v12  }
.LBB2_12:
0xbf: {  	p0 =	sne.s32 s0, $0x3F  }
.Ltmp5:
0xc0: {  	v13 =	vmov s0;
	v9 =	vadd.f32 v12, v9;
	(pc) =	sbr.rel @p0 .LBB2_12-.Ltmp5, $4  }
0xc1: {  	s0 =	sadd.s32 $0x1, s0;
	v14 =	vand.u32 $0x7F, v13  }
0xc2: {  	v13 =	vbroadcast v14, $0x0  }
0xc3: {  	v12 =	vmov v8;
	v8 =	vld.idx.msk [tilespmem:v11+s23+$0x0], $0xffff  }
0xc4: {  	v12 =	vmul.f32 v10, v12;
	v10 =	vld.idx.msk [tilespmem:v11+s24+$0x0], $0xffff;
	v11 =	vor.u32 v5, v13  }
0xc5: {  	_ =	sdelay $0x3  }
0xc6: {  	v13 =	vld.idx.msk [tilespmem:v11+s23+$0x0], $0xffff  }
0xc7: {  	v11 =	vld.idx.msk [tilespmem:v11+s24+$0x0], $0xffff;
	s0 =	simm.s32 $0x0  }
0xc8: {  	v14 =	vmov s0  }
0xc9: {  	v14 =	vand.u32 $0x7F, v14  }
0xca: {  	v9 =	vadd.f32 v12, v9;
	v8 =	vmul.f32 v10, v8;
	v10 =	vbroadcast v14, $0x0;
	_ =	sdelay $0x1  }
0xcb: {  	s0 =	simm.s32 $0x1;
	v8 =	vadd.f32 v8, v9;
	v9 =	vmul.f32 v11, v13;
	v10 =	vor.u32 v6, v10  }
0xcc: {  	v11 =	vmov s0  }
0xcd: {  	v8 =	vadd.f32 v9, v8;
	v9 =	vand.u32 $0x7F, v11  }
0xce: {  	v9 =	vbroadcast v9, $0x0  }
0xcf: {  	[tilespmem:$0x10450] =	vst v8  }
0xd0: {  	v12 =	vld.idx.msk [tilespmem:v10+s23+$0x0], $0xffff;
	v13 =	vor.u32 v6, v9  }
0xd1: {  	s0 =	simm.s32 $0x2;
	v14 =	vld.idx.msk [tilespmem:v10+s24+$0x0], $0xffff  }
0xd2: {  	v8 =	vmov s0  }
0xd3: {  	v8 =	vand.u32 $0x7F, v8  }
0xd4: {  	v10 =	vbroadcast v8, $0x0  }
0xd5: {  	v8 =	vld.idx.msk [tilespmem:v13+s23+$0x0], $0xffff  }
0xd6: {  	s0 =	simm.s32 $0x3;
	v9 =	vimm.f32 $0.0e+00;
	v11 =	vor.u32 v6, v10;
	v10 =	vld.idx.msk [tilespmem:v13+s24+$0x0], $0xffff;
	v12 =	vmul.f32 v14, v12  }
.LBB2_14:
0xd7: {  	p0 =	sne.s32 s0, $0x3F  }
.Ltmp6:
0xd8: {  	v13 =	vmov s0;
	v9 =	vadd.f32 v12, v9;
	(pc) =	sbr.rel @p0 .LBB2_14-.Ltmp6, $4  }
0xd9: {  	s0 =	sadd.s32 $0x1, s0;
	v14 =	vand.u32 $0x7F, v13  }
0xda: {  	v13 =	vbroadcast v14, $0x0  }
0xdb: {  	v12 =	vmov v8;
	v8 =	vld.idx.msk [tilespmem:v11+s23+$0x0], $0xffff  }
0xdc: {  	v12 =	vmul.f32 v10, v12;
	v10 =	vld.idx.msk [tilespmem:v11+s24+$0x0], $0xffff;
	v11 =	vor.u32 v6, v13  }
0xdd: {  	_ =	sdelay $0x3  }
0xde: {  	v13 =	vld.idx.msk [tilespmem:v11+s23+$0x0], $0xffff  }
0xdf: {  	v11 =	vld.idx.msk [tilespmem:v11+s24+$0x0], $0xffff;
	s0 =	simm.s32 $0x0  }
0xe0: {  	v14 =	vmov s0  }
0xe1: {  	v14 =	vand.u32 $0x7F, v14  }
0xe2: {  	v9 =	vadd.f32 v12, v9;
	v8 =	vmul.f32 v10, v8;
	v10 =	vbroadcast v14, $0x0;
	_ =	sdelay $0x1  }
0xe3: {  	s0 =	simm.s32 $0x1;
	v8 =	vadd.f32 v8, v9;
	v9 =	vmul.f32 v11, v13;
	v10 =	vor.u32 v7, v10  }
0xe4: {  	v11 =	vmov s0  }
0xe5: {  	v8 =	vadd.f32 v9, v8;
	v9 =	vand.u32 $0x7F, v11  }
0xe6: {  	v9 =	vbroadcast v9, $0x0  }
0xe7: {  	[tilespmem:$0x10460] =	vst v8  }
0xe8: {  	v12 =	vld.idx.msk [tilespmem:v10+s23+$0x0], $0xffff;
	v13 =	vor.u32 v7, v9  }
0xe9: {  	s0 =	simm.s32 $0x2;
	v14 =	vld.idx.msk [tilespmem:v10+s24+$0x0], $0xffff  }
0xea: {  	v8 =	vmov s0  }
0xeb: {  	v8 =	vand.u32 $0x7F, v8  }
0xec: {  	v10 =	vbroadcast v8, $0x0  }
0xed: {  	v8 =	vld.idx.msk [tilespmem:v13+s23+$0x0], $0xffff  }
0xee: {  	s0 =	simm.s32 $0x3;
	v9 =	vimm.f32 $0.0e+00;
	v11 =	vor.u32 v7, v10;
	v10 =	vld.idx.msk [tilespmem:v13+s24+$0x0], $0xffff;
	v12 =	vmul.f32 v14, v12  }
.LBB2_16:
0xef: {  	p0 =	sne.s32 s0, $0x3F  }
.Ltmp7:
0xf0: {  	v13 =	vmov s0;
	v9 =	vadd.f32 v12, v9;
	(pc) =	sbr.rel @p0 .LBB2_16-.Ltmp7, $4  }
0xf1: {  	s0 =	sadd.s32 $0x1, s0;
	v14 =	vand.u32 $0x7F, v13  }
0xf2: {  	v13 =	vbroadcast v14, $0x0  }
0xf3: {  	v12 =	vmov v8;
	v8 =	vld.idx.msk [tilespmem:v11+s23+$0x0], $0xffff  }
0xf4: {  	v12 =	vmul.f32 v10, v12;
	v10 =	vld.idx.msk [tilespmem:v11+s24+$0x0], $0xffff;
	v11 =	vor.u32 v7, v13  }
0xf5: {  	_ =	sdelay $0x3  }
0xf6: {  	v13 =	vld.idx.msk [tilespmem:v11+s23+$0x0], $0xffff  }
0xf7: {  	v11 =	vld.idx.msk [tilespmem:v11+s24+$0x0], $0xffff;
	_ =	sdelay $0x2  }
0xf8: {  	v9 =	vadd.f32 v12, v9;
	v8 =	vmul.f32 v10, v8;
	_ =	sdelay $0x1  }
0xf9: {  	v8 =	vadd.f32 v8, v9;
	v9 =	vmul.f32 v11, v13;
	_ =	sdelay $0x1  }
0xfa: {  	v8 =	vadd.f32 v9, v8;
	_ =	sdelay $0x1  }
0xfb: {  	s0 =	simm.s32 $0x0;
	[tilespmem:$0x10470] =	vst v8  }
0xfc: {  	v8 =	vmov s0;
	[tilespmem:s23], [sflag:$0x1] =	stream.indirect.gather [hbm4b:s3+s17], $0x80, s19, s17, $0xb8;
	[tilespmem:$0x10600] =	vst v63  }
0xfd: {  	v8 =	vand.u32 $0x7F, v8  }
0xfe: {  	v8 =	vbroadcast v8, $0x0;
	[tilespmem:s24], [sflag:$0x1] =	stream.indirect.gather [hbm4b:s4+s17], $0x80, s20, s17, $0xb8;
	[tilespmem:$0x10600] =	vst v63  }
0xff: {  	_ =	swait.ge [sflag:s29], $0x4000  }
0x100: {  	s0 =	simm.s32 $0x1;
	v8 =	vor.u32 v0, v8;
	[sflag:s29] =	ssyncset.done $0x0  }
0x101: {  	v9 =	vmov s0;
	[sflag:s29] =	ssyncadd.s32 $0xFFFFC000  }
0x102: {  	v9 =	vand.u32 $0x7F, v9;
	_ =	swait.ge [sflag:s29], $0x4000  }
0x103: {  	v9 =	vbroadcast v9, $0x0;
	[sflag:s29] =	ssyncset.done $0x0  }
0x104: {  	[sflag:s29] =	ssyncadd.s32 $0xFFFFC000  }
0x105: {  	v10 =	vor.u32 v0, v9;
	v12 =	vld.idx.msk [tilespmem:v8+s25+$0x0], $0xffff  }
0x106: {  	s0 =	simm.s32 $0x2;
	v13 =	vld.idx.msk [tilespmem:v8+s26+$0x0], $0xffff  }
0x107: {  	v8 =	vmov s0  }
0x108: {  	v8 =	vand.u32 $0x7F, v8  }
0x109: {  	v11 =	vbroadcast v8, $0x0  }
0x10a: {  	v8 =	vld.idx.msk [tilespmem:v10+s25+$0x0], $0xffff  }
0x10b: {  	v9 =	vimm.f32 $0.0e+00;
	s0 =	simm.s32 $0x3;
	v10 =	vld.idx.msk [tilespmem:v10+s26+$0x0], $0xffff;
	v11 =	vor.u32 v0, v11;
	v12 =	vmul.f32 v13, v12  }
.LBB2_18:
0x10c: {  	p0 =	sne.s32 s0, $0x3F  }
.Ltmp8:
0x10d: {  	v13 =	vmov s0;
	v9 =	vadd.f32 v12, v9;
	(pc) =	sbr.rel @p0 .LBB2_18-.Ltmp8, $4  }
0x10e: {  	s0 =	sadd.s32 $0x1, s0;
	v14 =	vand.u32 $0x7F, v13  }
0x10f: {  	v13 =	vbroadcast v14, $0x0  }
0x110: {  	v12 =	vmov v8;
	v8 =	vld.idx.msk [tilespmem:v11+s25+$0x0], $0xffff  }
0x111: {  	v12 =	vmul.f32 v10, v12;
	v10 =	vld.idx.msk [tilespmem:v11+s26+$0x0], $0xffff;
	v11 =	vor.u32 v0, v13  }
0x112: {  	_ =	sdelay $0x3  }
0x113: {  	v13 =	vld.idx.msk [tilespmem:v11+s25+$0x0], $0xffff  }
0x114: {  	v11 =	vld.idx.msk [tilespmem:v11+s26+$0x0], $0xffff;
	s0 =	simm.s32 $0x0  }
0x115: {  	v14 =	vmov s0  }
0x116: {  	v14 =	vand.u32 $0x7F, v14  }
0x117: {  	v9 =	vadd.f32 v12, v9;
	v8 =	vmul.f32 v10, v8;
	v10 =	vbroadcast v14, $0x0;
	_ =	sdelay $0x1  }
0x118: {  	s0 =	simm.s32 $0x1;
	v8 =	vadd.f32 v8, v9;
	v9 =	vmul.f32 v11, v13;
	v10 =	vor.u32 v1, v10  }
0x119: {  	v11 =	vmov s0  }
0x11a: {  	v8 =	vadd.f32 v9, v8;
	v9 =	vand.u32 $0x7F, v11  }
0x11b: {  	v9 =	vbroadcast v9, $0x0  }
0x11c: {  	[tilespmem:$0x10480] =	vst v8  }
0x11d: {  	v12 =	vld.idx.msk [tilespmem:v10+s25+$0x0], $0xffff;
	v13 =	vor.u32 v1, v9  }
0x11e: {  	s0 =	simm.s32 $0x2;
	v14 =	vld.idx.msk [tilespmem:v10+s26+$0x0], $0xffff  }
0x11f: {  	v8 =	vmov s0  }
0x120: {  	v8 =	vand.u32 $0x7F, v8  }
0x121: {  	v10 =	vbroadcast v8, $0x0  }
0x122: {  	v8 =	vld.idx.msk [tilespmem:v13+s25+$0x0], $0xffff  }
0x123: {  	s0 =	simm.s32 $0x3;
	v9 =	vimm.f32 $0.0e+00;
	v11 =	vor.u32 v1, v10;
	v10 =	vld.idx.msk [tilespmem:v13+s26+$0x0], $0xffff;
	v12 =	vmul.f32 v14, v12  }
.LBB2_20:
0x124: {  	p0 =	sne.s32 s0, $0x3F  }
.Ltmp9:
0x125: {  	v13 =	vmov s0;
	v9 =	vadd.f32 v12, v9;
	(pc) =	sbr.rel @p0 .LBB2_20-.Ltmp9, $4  }
0x126: {  	s0 =	sadd.s32 $0x1, s0;
	v14 =	vand.u32 $0x7F, v13  }
0x127: {  	v13 =	vbroadcast v14, $0x0  }
0x128: {  	v12 =	vmov v8;
	v8 =	vld.idx.msk [tilespmem:v11+s25+$0x0], $0xffff  }
0x129: {  	v12 =	vmul.f32 v10, v12;
	v10 =	vld.idx.msk [tilespmem:v11+s26+$0x0], $0xffff;
	v11 =	vor.u32 v1, v13  }
0x12a: {  	_ =	sdelay $0x3  }
0x12b: {  	v13 =	vld.idx.msk [tilespmem:v11+s25+$0x0], $0xffff  }
0x12c: {  	v11 =	vld.idx.msk [tilespmem:v11+s26+$0x0], $0xffff;
	s0 =	simm.s32 $0x0  }
0x12d: {  	v14 =	vmov s0  }
0x12e: {  	v14 =	vand.u32 $0x7F, v14  }
0x12f: {  	v9 =	vadd.f32 v12, v9;
	v8 =	vmul.f32 v10, v8;
	v10 =	vbroadcast v14, $0x0;
	_ =	sdelay $0x1  }
0x130: {  	s0 =	simm.s32 $0x1;
	v8 =	vadd.f32 v8, v9;
	v9 =	vmul.f32 v11, v13;
	v10 =	vor.u32 v2, v10  }
0x131: {  	v11 =	vmov s0  }
0x132: {  	v8 =	vadd.f32 v9, v8;
	v9 =	vand.u32 $0x7F, v11  }
0x133: {  	v9 =	vbroadcast v9, $0x0  }
0x134: {  	[tilespmem:$0x10490] =	vst v8  }
0x135: {  	v12 =	vld.idx.msk [tilespmem:v10+s25+$0x0], $0xffff;
	v13 =	vor.u32 v2, v9  }
0x136: {  	s0 =	simm.s32 $0x2;
	v14 =	vld.idx.msk [tilespmem:v10+s26+$0x0], $0xffff  }
0x137: {  	v8 =	vmov s0  }
0x138: {  	v8 =	vand.u32 $0x7F, v8  }
0x139: {  	v10 =	vbroadcast v8, $0x0  }
0x13a: {  	v8 =	vld.idx.msk [tilespmem:v13+s25+$0x0], $0xffff  }
0x13b: {  	s0 =	simm.s32 $0x3;
	v9 =	vimm.f32 $0.0e+00;
	v11 =	vor.u32 v2, v10;
	v10 =	vld.idx.msk [tilespmem:v13+s26+$0x0], $0xffff;
	v12 =	vmul.f32 v14, v12  }
.LBB2_22:
0x13c: {  	p0 =	sne.s32 s0, $0x3F  }
.Ltmp10:
0x13d: {  	v13 =	vmov s0;
	v9 =	vadd.f32 v12, v9;
	(pc) =	sbr.rel @p0 .LBB2_22-.Ltmp10, $4  }
0x13e: {  	s0 =	sadd.s32 $0x1, s0;
	v14 =	vand.u32 $0x7F, v13  }
0x13f: {  	v13 =	vbroadcast v14, $0x0  }
0x140: {  	v12 =	vmov v8;
	v8 =	vld.idx.msk [tilespmem:v11+s25+$0x0], $0xffff  }
0x141: {  	v12 =	vmul.f32 v10, v12;
	v10 =	vld.idx.msk [tilespmem:v11+s26+$0x0], $0xffff;
	v11 =	vor.u32 v2, v13  }
0x142: {  	_ =	sdelay $0x3  }
0x143: {  	v13 =	vld.idx.msk [tilespmem:v11+s25+$0x0], $0xffff  }
0x144: {  	v11 =	vld.idx.msk [tilespmem:v11+s26+$0x0], $0xffff;
	s0 =	simm.s32 $0x0  }
0x145: {  	v14 =	vmov s0  }
0x146: {  	v14 =	vand.u32 $0x7F, v14  }
0x147: {  	v9 =	vadd.f32 v12, v9;
	v8 =	vmul.f32 v10, v8;
	v10 =	vbroadcast v14, $0x0;
	_ =	sdelay $0x1  }
0x148: {  	s0 =	simm.s32 $0x1;
	v8 =	vadd.f32 v8, v9;
	v9 =	vmul.f32 v11, v13;
	v10 =	vor.u32 v3, v10  }
0x149: {  	v11 =	vmov s0  }
0x14a: {  	v8 =	vadd.f32 v9, v8;
	v9 =	vand.u32 $0x7F, v11  }
0x14b: {  	v9 =	vbroadcast v9, $0x0  }
0x14c: {  	[tilespmem:$0x104A0] =	vst v8  }
0x14d: {  	v12 =	vld.idx.msk [tilespmem:v10+s25+$0x0], $0xffff;
	v13 =	vor.u32 v3, v9  }
0x14e: {  	s0 =	simm.s32 $0x2;
	v14 =	vld.idx.msk [tilespmem:v10+s26+$0x0], $0xffff  }
0x14f: {  	v8 =	vmov s0  }
0x150: {  	v8 =	vand.u32 $0x7F, v8  }
0x151: {  	v10 =	vbroadcast v8, $0x0  }
0x152: {  	v8 =	vld.idx.msk [tilespmem:v13+s25+$0x0], $0xffff  }
0x153: {  	s0 =	simm.s32 $0x3;
	v9 =	vimm.f32 $0.0e+00;
	v11 =	vor.u32 v3, v10;
	v10 =	vld.idx.msk [tilespmem:v13+s26+$0x0], $0xffff;
	v12 =	vmul.f32 v14, v12  }
.LBB2_24:
0x154: {  	p0 =	sne.s32 s0, $0x3F  }
.Ltmp11:
0x155: {  	v13 =	vmov s0;
	v9 =	vadd.f32 v12, v9;
	(pc) =	sbr.rel @p0 .LBB2_24-.Ltmp11, $4  }
0x156: {  	s0 =	sadd.s32 $0x1, s0;
	v14 =	vand.u32 $0x7F, v13  }
0x157: {  	v13 =	vbroadcast v14, $0x0  }
0x158: {  	v12 =	vmov v8;
	v8 =	vld.idx.msk [tilespmem:v11+s25+$0x0], $0xffff  }
0x159: {  	v12 =	vmul.f32 v10, v12;
	v10 =	vld.idx.msk [tilespmem:v11+s26+$0x0], $0xffff;
	v11 =	vor.u32 v3, v13  }
0x15a: {  	_ =	sdelay $0x3  }
0x15b: {  	v13 =	vld.idx.msk [tilespmem:v11+s25+$0x0], $0xffff  }
0x15c: {  	v11 =	vld.idx.msk [tilespmem:v11+s26+$0x0], $0xffff;
	s0 =	simm.s32 $0x0  }
0x15d: {  	v14 =	vmov s0  }
0x15e: {  	v14 =	vand.u32 $0x7F, v14  }
0x15f: {  	v9 =	vadd.f32 v12, v9;
	v8 =	vmul.f32 v10, v8;
	v10 =	vbroadcast v14, $0x0;
	_ =	sdelay $0x1  }
0x160: {  	s0 =	simm.s32 $0x1;
	v8 =	vadd.f32 v8, v9;
	v9 =	vmul.f32 v11, v13;
	v10 =	vor.u32 v4, v10  }
0x161: {  	v11 =	vmov s0  }
0x162: {  	v8 =	vadd.f32 v9, v8;
	v9 =	vand.u32 $0x7F, v11  }
0x163: {  	v9 =	vbroadcast v9, $0x0  }
0x164: {  	[tilespmem:$0x104B0] =	vst v8  }
0x165: {  	v12 =	vld.idx.msk [tilespmem:v10+s25+$0x0], $0xffff;
	v13 =	vor.u32 v4, v9  }
0x166: {  	s0 =	simm.s32 $0x2;
	v14 =	vld.idx.msk [tilespmem:v10+s26+$0x0], $0xffff  }
0x167: {  	v8 =	vmov s0  }
0x168: {  	v8 =	vand.u32 $0x7F, v8  }
0x169: {  	v10 =	vbroadcast v8, $0x0  }
0x16a: {  	v8 =	vld.idx.msk [tilespmem:v13+s25+$0x0], $0xffff  }
0x16b: {  	s0 =	simm.s32 $0x3;
	v9 =	vimm.f32 $0.0e+00;
	v11 =	vor.u32 v4, v10;
	v10 =	vld.idx.msk [tilespmem:v13+s26+$0x0], $0xffff;
	v12 =	vmul.f32 v14, v12  }
.LBB2_26:
0x16c: {  	p0 =	sne.s32 s0, $0x3F  }
.Ltmp12:
0x16d: {  	v13 =	vmov s0;
	v9 =	vadd.f32 v12, v9;
	(pc) =	sbr.rel @p0 .LBB2_26-.Ltmp12, $4  }
0x16e: {  	s0 =	sadd.s32 $0x1, s0;
	v14 =	vand.u32 $0x7F, v13  }
0x16f: {  	v13 =	vbroadcast v14, $0x0  }
0x170: {  	v12 =	vmov v8;
	v8 =	vld.idx.msk [tilespmem:v11+s25+$0x0], $0xffff  }
0x171: {  	v12 =	vmul.f32 v10, v12;
	v10 =	vld.idx.msk [tilespmem:v11+s26+$0x0], $0xffff;
	v11 =	vor.u32 v4, v13  }
0x172: {  	_ =	sdelay $0x3  }
0x173: {  	v13 =	vld.idx.msk [tilespmem:v11+s25+$0x0], $0xffff  }
0x174: {  	v11 =	vld.idx.msk [tilespmem:v11+s26+$0x0], $0xffff;
	s0 =	simm.s32 $0x0  }
0x175: {  	v14 =	vmov s0  }
0x176: {  	v14 =	vand.u32 $0x7F, v14  }
0x177: {  	v9 =	vadd.f32 v12, v9;
	v8 =	vmul.f32 v10, v8;
	v10 =	vbroadcast v14, $0x0;
	_ =	sdelay $0x1  }
0x178: {  	s0 =	simm.s32 $0x1;
	v8 =	vadd.f32 v8, v9;
	v9 =	vmul.f32 v11, v13;
	v10 =	vor.u32 v5, v10  }
0x179: {  	v11 =	vmov s0  }
0x17a: {  	v8 =	vadd.f32 v9, v8;
	v9 =	vand.u32 $0x7F, v11  }
0x17b: {  	v9 =	vbroadcast v9, $0x0  }
0x17c: {  	[tilespmem:$0x104C0] =	vst v8  }
0x17d: {  	v12 =	vld.idx.msk [tilespmem:v10+s25+$0x0], $0xffff;
	v13 =	vor.u32 v5, v9  }
0x17e: {  	s0 =	simm.s32 $0x2;
	v14 =	vld.idx.msk [tilespmem:v10+s26+$0x0], $0xffff  }
0x17f: {  	v8 =	vmov s0  }
0x180: {  	v8 =	vand.u32 $0x7F, v8  }
0x181: {  	v10 =	vbroadcast v8, $0x0  }
0x182: {  	v8 =	vld.idx.msk [tilespmem:v13+s25+$0x0], $0xffff  }
0x183: {  	s0 =	simm.s32 $0x3;
	v9 =	vimm.f32 $0.0e+00;
	v11 =	vor.u32 v5, v10;
	v10 =	vld.idx.msk [tilespmem:v13+s26+$0x0], $0xffff;
	v12 =	vmul.f32 v14, v12  }
.LBB2_28:
0x184: {  	p0 =	sne.s32 s0, $0x3F  }
.Ltmp13:
0x185: {  	v13 =	vmov s0;
	v9 =	vadd.f32 v12, v9;
	(pc) =	sbr.rel @p0 .LBB2_28-.Ltmp13, $4  }
0x186: {  	s0 =	sadd.s32 $0x1, s0;
	v14 =	vand.u32 $0x7F, v13  }
0x187: {  	v13 =	vbroadcast v14, $0x0  }
0x188: {  	v12 =	vmov v8;
	v8 =	vld.idx.msk [tilespmem:v11+s25+$0x0], $0xffff  }
0x189: {  	v12 =	vmul.f32 v10, v12;
	v10 =	vld.idx.msk [tilespmem:v11+s26+$0x0], $0xffff;
	v11 =	vor.u32 v5, v13  }
0x18a: {  	_ =	sdelay $0x3  }
0x18b: {  	v13 =	vld.idx.msk [tilespmem:v11+s25+$0x0], $0xffff  }
0x18c: {  	v11 =	vld.idx.msk [tilespmem:v11+s26+$0x0], $0xffff;
	s0 =	simm.s32 $0x0  }
0x18d: {  	v14 =	vmov s0  }
0x18e: {  	v14 =	vand.u32 $0x7F, v14  }
0x18f: {  	v9 =	vadd.f32 v12, v9;
	v8 =	vmul.f32 v10, v8;
	v10 =	vbroadcast v14, $0x0;
	_ =	sdelay $0x1  }
0x190: {  	s0 =	simm.s32 $0x1;
	v8 =	vadd.f32 v8, v9;
	v9 =	vmul.f32 v11, v13;
	v10 =	vor.u32 v6, v10  }
0x191: {  	v11 =	vmov s0  }
0x192: {  	v8 =	vadd.f32 v9, v8;
	v9 =	vand.u32 $0x7F, v11  }
0x193: {  	v9 =	vbroadcast v9, $0x0  }
0x194: {  	[tilespmem:$0x104D0] =	vst v8  }
0x195: {  	v12 =	vld.idx.msk [tilespmem:v10+s25+$0x0], $0xffff;
	v13 =	vor.u32 v6, v9  }
0x196: {  	s0 =	simm.s32 $0x2;
	v14 =	vld.idx.msk [tilespmem:v10+s26+$0x0], $0xffff  }
0x197: {  	v8 =	vmov s0  }
0x198: {  	v8 =	vand.u32 $0x7F, v8  }
0x199: {  	v10 =	vbroadcast v8, $0x0  }
0x19a: {  	v8 =	vld.idx.msk [tilespmem:v13+s25+$0x0], $0xffff  }
0x19b: {  	s0 =	simm.s32 $0x3;
	v9 =	vimm.f32 $0.0e+00;
	v11 =	vor.u32 v6, v10;
	v10 =	vld.idx.msk [tilespmem:v13+s26+$0x0], $0xffff;
	v12 =	vmul.f32 v14, v12  }
.LBB2_30:
0x19c: {  	p0 =	sne.s32 s0, $0x3F  }
.Ltmp14:
0x19d: {  	v13 =	vmov s0;
	v9 =	vadd.f32 v12, v9;
	(pc) =	sbr.rel @p0 .LBB2_30-.Ltmp14, $4  }
0x19e: {  	s0 =	sadd.s32 $0x1, s0;
	v14 =	vand.u32 $0x7F, v13  }
0x19f: {  	v13 =	vbroadcast v14, $0x0  }
0x1a0: {  	v12 =	vmov v8;
	v8 =	vld.idx.msk [tilespmem:v11+s25+$0x0], $0xffff  }
0x1a1: {  	v12 =	vmul.f32 v10, v12;
	v10 =	vld.idx.msk [tilespmem:v11+s26+$0x0], $0xffff;
	v11 =	vor.u32 v6, v13  }
0x1a2: {  	_ =	sdelay $0x3  }
0x1a3: {  	v13 =	vld.idx.msk [tilespmem:v11+s25+$0x0], $0xffff  }
0x1a4: {  	v11 =	vld.idx.msk [tilespmem:v11+s26+$0x0], $0xffff;
	s0 =	simm.s32 $0x0  }
0x1a5: {  	v14 =	vmov s0  }
0x1a6: {  	v14 =	vand.u32 $0x7F, v14  }
0x1a7: {  	v9 =	vadd.f32 v12, v9;
	v8 =	vmul.f32 v10, v8;
	v10 =	vbroadcast v14, $0x0;
	_ =	sdelay $0x1  }
0x1a8: {  	s0 =	simm.s32 $0x1;
	v8 =	vadd.f32 v8, v9;
	v9 =	vmul.f32 v11, v13;
	v10 =	vor.u32 v7, v10  }
0x1a9: {  	v11 =	vmov s0  }
0x1aa: {  	v8 =	vadd.f32 v9, v8;
	v9 =	vand.u32 $0x7F, v11  }
0x1ab: {  	v9 =	vbroadcast v9, $0x0  }
0x1ac: {  	[tilespmem:$0x104E0] =	vst v8  }
0x1ad: {  	v12 =	vld.idx.msk [tilespmem:v10+s25+$0x0], $0xffff;
	v13 =	vor.u32 v7, v9  }
0x1ae: {  	s0 =	simm.s32 $0x2;
	v14 =	vld.idx.msk [tilespmem:v10+s26+$0x0], $0xffff  }
0x1af: {  	v8 =	vmov s0  }
0x1b0: {  	v8 =	vand.u32 $0x7F, v8  }
0x1b1: {  	v10 =	vbroadcast v8, $0x0  }
0x1b2: {  	v8 =	vld.idx.msk [tilespmem:v13+s25+$0x0], $0xffff  }
0x1b3: {  	s0 =	simm.s32 $0x3;
	v9 =	vimm.f32 $0.0e+00;
	v11 =	vor.u32 v7, v10;
	v10 =	vld.idx.msk [tilespmem:v13+s26+$0x0], $0xffff;
	v12 =	vmul.f32 v14, v12  }
.LBB2_32:
0x1b4: {  	p0 =	sne.s32 s0, $0x3F  }
.Ltmp15:
0x1b5: {  	v13 =	vmov s0;
	v9 =	vadd.f32 v12, v9;
	(pc) =	sbr.rel @p0 .LBB2_32-.Ltmp15, $4  }
0x1b6: {  	s0 =	sadd.s32 $0x1, s0;
	v14 =	vand.u32 $0x7F, v13  }
0x1b7: {  	v13 =	vbroadcast v14, $0x0  }
0x1b8: {  	v12 =	vmov v8;
	v8 =	vld.idx.msk [tilespmem:v11+s25+$0x0], $0xffff  }
0x1b9: {  	v12 =	vmul.f32 v10, v12;
	v10 =	vld.idx.msk [tilespmem:v11+s26+$0x0], $0xffff;
	v11 =	vor.u32 v7, v13  }
0x1ba: {  	_ =	sdelay $0x3  }
0x1bb: {  	v13 =	vld.idx.msk [tilespmem:v11+s25+$0x0], $0xffff  }
0x1bc: {  	v11 =	vld.idx.msk [tilespmem:v11+s26+$0x0], $0xffff;
	_ =	sdelay $0x2  }
0x1bd: {  	v9 =	vadd.f32 v12, v9;
	v8 =	vmul.f32 v10, v8;
	_ =	sdelay $0x1  }
0x1be: {  	v8 =	vadd.f32 v8, v9;
	v9 =	vmul.f32 v11, v13;
	_ =	sdelay $0x1  }
0x1bf: {  	v8 =	vadd.f32 v9, v8;
	_ =	sdelay $0x1  }
0x1c0: {  	s0 =	simm.s32 $0x0;
	[tilespmem:$0x104F0] =	vst v8  }
0x1c1: {  	v8 =	vmov s0;
	[tilespmem:s25], [sflag:$0x2] =	stream.indirect.gather [hbm4b:s3+s17], $0x80, s21, s17, $0xb8;
	[tilespmem:$0x10600] =	vst v63  }
0x1c2: {  	v8 =	vand.u32 $0x7F, v8  }
0x1c3: {  	v8 =	vbroadcast v8, $0x0;
	[tilespmem:s26], [sflag:$0x2] =	stream.indirect.gather [hbm4b:s4+s17], $0x80, s22, s17, $0xb8;
	[tilespmem:$0x10600] =	vst v63  }
0x1c4: {  	_ =	swait.ge [sflag:s28], $0x4000  }
0x1c5: {  	s0 =	simm.s32 $0x1;
	v8 =	vor.u32 v0, v8;
	[sflag:s28] =	ssyncset.done $0x0  }
0x1c6: {  	v9 =	vmov s0;
	[sflag:s28] =	ssyncadd.s32 $0xFFFFC000  }
0x1c7: {  	v9 =	vand.u32 $0x7F, v9;
	_ =	swait.ge [sflag:s28], $0x4000  }
0x1c8: {  	v9 =	vbroadcast v9, $0x0;
	[sflag:s28] =	ssyncset.done $0x0  }
0x1c9: {  	[sflag:s28] =	ssyncadd.s32 $0xFFFFC000  }
0x1ca: {  	v10 =	vor.u32 v0, v9;
	v12 =	vld.idx.msk [tilespmem:v8+s23+$0x0], $0xffff  }
0x1cb: {  	s0 =	simm.s32 $0x2;
	v13 =	vld.idx.msk [tilespmem:v8+s24+$0x0], $0xffff  }
0x1cc: {  	v8 =	vmov s0  }
0x1cd: {  	v8 =	vand.u32 $0x7F, v8  }
0x1ce: {  	v11 =	vbroadcast v8, $0x0  }
0x1cf: {  	v8 =	vld.idx.msk [tilespmem:v10+s23+$0x0], $0xffff  }
0x1d0: {  	v9 =	vimm.f32 $0.0e+00;
	s0 =	simm.s32 $0x3;
	v10 =	vld.idx.msk [tilespmem:v10+s24+$0x0], $0xffff;
	v11 =	vor.u32 v0, v11;
	v12 =	vmul.f32 v13, v12  }
.LBB2_34:
0x1d1: {  	p0 =	sne.s32 s0, $0x3F  }
.Ltmp16:
0x1d2: {  	v13 =	vmov s0;
	v9 =	vadd.f32 v12, v9;
	(pc) =	sbr.rel @p0 .LBB2_34-.Ltmp16, $4  }
0x1d3: {  	s0 =	sadd.s32 $0x1, s0;
	v14 =	vand.u32 $0x7F, v13  }
0x1d4: {  	v13 =	vbroadcast v14, $0x0  }
0x1d5: {  	v12 =	vmov v8;
	v8 =	vld.idx.msk [tilespmem:v11+s23+$0x0], $0xffff  }
0x1d6: {  	v12 =	vmul.f32 v10, v12;
	v10 =	vld.idx.msk [tilespmem:v11+s24+$0x0], $0xffff;
	v11 =	vor.u32 v0, v13  }
0x1d7: {  	_ =	sdelay $0x3  }
0x1d8: {  	v13 =	vld.idx.msk [tilespmem:v11+s23+$0x0], $0xffff  }
0x1d9: {  	v11 =	vld.idx.msk [tilespmem:v11+s24+$0x0], $0xffff;
	s0 =	simm.s32 $0x0  }
0x1da: {  	v14 =	vmov s0  }
0x1db: {  	v14 =	vand.u32 $0x7F, v14  }
0x1dc: {  	v9 =	vadd.f32 v12, v9;
	v8 =	vmul.f32 v10, v8;
	v10 =	vbroadcast v14, $0x0;
	_ =	sdelay $0x1  }
0x1dd: {  	s0 =	simm.s32 $0x1;
	v8 =	vadd.f32 v8, v9;
	v9 =	vmul.f32 v11, v13;
	v10 =	vor.u32 v1, v10  }
0x1de: {  	v11 =	vmov s0  }
0x1df: {  	v8 =	vadd.f32 v9, v8;
	v9 =	vand.u32 $0x7F, v11  }
0x1e0: {  	v9 =	vbroadcast v9, $0x0  }
0x1e1: {  	[tilespmem:$0x10500] =	vst v8  }
0x1e2: {  	v12 =	vld.idx.msk [tilespmem:v10+s23+$0x0], $0xffff;
	v13 =	vor.u32 v1, v9  }
0x1e3: {  	s0 =	simm.s32 $0x2;
	v14 =	vld.idx.msk [tilespmem:v10+s24+$0x0], $0xffff  }
0x1e4: {  	v8 =	vmov s0  }
0x1e5: {  	v8 =	vand.u32 $0x7F, v8  }
0x1e6: {  	v10 =	vbroadcast v8, $0x0  }
0x1e7: {  	v8 =	vld.idx.msk [tilespmem:v13+s23+$0x0], $0xffff  }
0x1e8: {  	s0 =	simm.s32 $0x3;
	v9 =	vimm.f32 $0.0e+00;
	v11 =	vor.u32 v1, v10;
	v10 =	vld.idx.msk [tilespmem:v13+s24+$0x0], $0xffff;
	v12 =	vmul.f32 v14, v12  }
.LBB2_36:
0x1e9: {  	p0 =	sne.s32 s0, $0x3F  }
.Ltmp17:
0x1ea: {  	v13 =	vmov s0;
	v9 =	vadd.f32 v12, v9;
	(pc) =	sbr.rel @p0 .LBB2_36-.Ltmp17, $4  }
0x1eb: {  	s0 =	sadd.s32 $0x1, s0;
	v14 =	vand.u32 $0x7F, v13  }
0x1ec: {  	v13 =	vbroadcast v14, $0x0  }
0x1ed: {  	v12 =	vmov v8;
	v8 =	vld.idx.msk [tilespmem:v11+s23+$0x0], $0xffff  }
0x1ee: {  	v12 =	vmul.f32 v10, v12;
	v10 =	vld.idx.msk [tilespmem:v11+s24+$0x0], $0xffff;
	v11 =	vor.u32 v1, v13  }
0x1ef: {  	_ =	sdelay $0x3  }
0x1f0: {  	v13 =	vld.idx.msk [tilespmem:v11+s23+$0x0], $0xffff  }
0x1f1: {  	v11 =	vld.idx.msk [tilespmem:v11+s24+$0x0], $0xffff;
	s0 =	simm.s32 $0x0  }
0x1f2: {  	v14 =	vmov s0  }
0x1f3: {  	v14 =	vand.u32 $0x7F, v14  }
0x1f4: {  	v9 =	vadd.f32 v12, v9;
	v8 =	vmul.f32 v10, v8;
	v10 =	vbroadcast v14, $0x0;
	_ =	sdelay $0x1  }
0x1f5: {  	s0 =	simm.s32 $0x1;
	v8 =	vadd.f32 v8, v9;
	v9 =	vmul.f32 v11, v13;
	v10 =	vor.u32 v2, v10  }
0x1f6: {  	v11 =	vmov s0  }
0x1f7: {  	v8 =	vadd.f32 v9, v8;
	v9 =	vand.u32 $0x7F, v11  }
0x1f8: {  	v9 =	vbroadcast v9, $0x0  }
0x1f9: {  	[tilespmem:$0x10510] =	vst v8  }
0x1fa: {  	v12 =	vld.idx.msk [tilespmem:v10+s23+$0x0], $0xffff;
	v13 =	vor.u32 v2, v9  }
0x1fb: {  	s0 =	simm.s32 $0x2;
	v14 =	vld.idx.msk [tilespmem:v10+s24+$0x0], $0xffff  }
0x1fc: {  	v8 =	vmov s0  }
0x1fd: {  	v8 =	vand.u32 $0x7F, v8  }
0x1fe: {  	v10 =	vbroadcast v8, $0x0  }
0x1ff: {  	v8 =	vld.idx.msk [tilespmem:v13+s23+$0x0], $0xffff  }
0x200: {  	s0 =	simm.s32 $0x3;
	v9 =	vimm.f32 $0.0e+00;
	v11 =	vor.u32 v2, v10;
	v10 =	vld.idx.msk [tilespmem:v13+s24+$0x0], $0xffff;
	v12 =	vmul.f32 v14, v12  }
.LBB2_38:
0x201: {  	p0 =	sne.s32 s0, $0x3F  }
.Ltmp18:
0x202: {  	v13 =	vmov s0;
	v9 =	vadd.f32 v12, v9;
	(pc) =	sbr.rel @p0 .LBB2_38-.Ltmp18, $4  }
0x203: {  	s0 =	sadd.s32 $0x1, s0;
	v14 =	vand.u32 $0x7F, v13  }
0x204: {  	v13 =	vbroadcast v14, $0x0  }
0x205: {  	v12 =	vmov v8;
	v8 =	vld.idx.msk [tilespmem:v11+s23+$0x0], $0xffff  }
0x206: {  	v12 =	vmul.f32 v10, v12;
	v10 =	vld.idx.msk [tilespmem:v11+s24+$0x0], $0xffff;
	v11 =	vor.u32 v2, v13  }
0x207: {  	_ =	sdelay $0x3  }
0x208: {  	v13 =	vld.idx.msk [tilespmem:v11+s23+$0x0], $0xffff  }
0x209: {  	v11 =	vld.idx.msk [tilespmem:v11+s24+$0x0], $0xffff;
	s0 =	simm.s32 $0x0  }
0x20a: {  	v14 =	vmov s0  }
0x20b: {  	v14 =	vand.u32 $0x7F, v14  }
0x20c: {  	v9 =	vadd.f32 v12, v9;
	v8 =	vmul.f32 v10, v8;
	v10 =	vbroadcast v14, $0x0;
	_ =	sdelay $0x1  }
0x20d: {  	s0 =	simm.s32 $0x1;
	v8 =	vadd.f32 v8, v9;
	v9 =	vmul.f32 v11, v13;
	v10 =	vor.u32 v3, v10  }
0x20e: {  	v11 =	vmov s0  }
0x20f: {  	v8 =	vadd.f32 v9, v8;
	v9 =	vand.u32 $0x7F, v11  }
0x210: {  	v9 =	vbroadcast v9, $0x0  }
0x211: {  	[tilespmem:$0x10520] =	vst v8  }
0x212: {  	v12 =	vld.idx.msk [tilespmem:v10+s23+$0x0], $0xffff;
	v13 =	vor.u32 v3, v9  }
0x213: {  	s0 =	simm.s32 $0x2;
	v14 =	vld.idx.msk [tilespmem:v10+s24+$0x0], $0xffff  }
0x214: {  	v8 =	vmov s0  }
0x215: {  	v8 =	vand.u32 $0x7F, v8  }
0x216: {  	v10 =	vbroadcast v8, $0x0  }
0x217: {  	v8 =	vld.idx.msk [tilespmem:v13+s23+$0x0], $0xffff  }
0x218: {  	s0 =	simm.s32 $0x3;
	v9 =	vimm.f32 $0.0e+00;
	v11 =	vor.u32 v3, v10;
	v10 =	vld.idx.msk [tilespmem:v13+s24+$0x0], $0xffff;
	v12 =	vmul.f32 v14, v12  }
.LBB2_40:
0x219: {  	p0 =	sne.s32 s0, $0x3F  }
.Ltmp19:
0x21a: {  	v13 =	vmov s0;
	v9 =	vadd.f32 v12, v9;
	(pc) =	sbr.rel @p0 .LBB2_40-.Ltmp19, $4  }
0x21b: {  	s0 =	sadd.s32 $0x1, s0;
	v14 =	vand.u32 $0x7F, v13  }
0x21c: {  	v13 =	vbroadcast v14, $0x0  }
0x21d: {  	v12 =	vmov v8;
	v8 =	vld.idx.msk [tilespmem:v11+s23+$0x0], $0xffff  }
0x21e: {  	v12 =	vmul.f32 v10, v12;
	v10 =	vld.idx.msk [tilespmem:v11+s24+$0x0], $0xffff;
	v11 =	vor.u32 v3, v13  }
0x21f: {  	_ =	sdelay $0x3  }
0x220: {  	v13 =	vld.idx.msk [tilespmem:v11+s23+$0x0], $0xffff  }
0x221: {  	v11 =	vld.idx.msk [tilespmem:v11+s24+$0x0], $0xffff;
	s0 =	simm.s32 $0x0  }
0x222: {  	v14 =	vmov s0  }
0x223: {  	v14 =	vand.u32 $0x7F, v14  }
0x224: {  	v9 =	vadd.f32 v12, v9;
	v8 =	vmul.f32 v10, v8;
	v10 =	vbroadcast v14, $0x0;
	_ =	sdelay $0x1  }
0x225: {  	s0 =	simm.s32 $0x1;
	v8 =	vadd.f32 v8, v9;
	v9 =	vmul.f32 v11, v13;
	v10 =	vor.u32 v4, v10  }
0x226: {  	v11 =	vmov s0  }
0x227: {  	v8 =	vadd.f32 v9, v8;
	v9 =	vand.u32 $0x7F, v11  }
0x228: {  	v9 =	vbroadcast v9, $0x0  }
0x229: {  	[tilespmem:$0x10530] =	vst v8  }
0x22a: {  	v12 =	vld.idx.msk [tilespmem:v10+s23+$0x0], $0xffff;
	v13 =	vor.u32 v4, v9  }
0x22b: {  	s0 =	simm.s32 $0x2;
	v14 =	vld.idx.msk [tilespmem:v10+s24+$0x0], $0xffff  }
0x22c: {  	v8 =	vmov s0  }
0x22d: {  	v8 =	vand.u32 $0x7F, v8  }
0x22e: {  	v10 =	vbroadcast v8, $0x0  }
0x22f: {  	v8 =	vld.idx.msk [tilespmem:v13+s23+$0x0], $0xffff  }
0x230: {  	s0 =	simm.s32 $0x3;
	v9 =	vimm.f32 $0.0e+00;
	v11 =	vor.u32 v4, v10;
	v10 =	vld.idx.msk [tilespmem:v13+s24+$0x0], $0xffff;
	v12 =	vmul.f32 v14, v12  }
.LBB2_42:
0x231: {  	p0 =	sne.s32 s0, $0x3F  }
.Ltmp20:
0x232: {  	v13 =	vmov s0;
	v9 =	vadd.f32 v12, v9;
	(pc) =	sbr.rel @p0 .LBB2_42-.Ltmp20, $4  }
0x233: {  	s0 =	sadd.s32 $0x1, s0;
	v14 =	vand.u32 $0x7F, v13  }
0x234: {  	v13 =	vbroadcast v14, $0x0  }
0x235: {  	v12 =	vmov v8;
	v8 =	vld.idx.msk [tilespmem:v11+s23+$0x0], $0xffff  }
0x236: {  	v12 =	vmul.f32 v10, v12;
	v10 =	vld.idx.msk [tilespmem:v11+s24+$0x0], $0xffff;
	v11 =	vor.u32 v4, v13  }
0x237: {  	_ =	sdelay $0x3  }
0x238: {  	v13 =	vld.idx.msk [tilespmem:v11+s23+$0x0], $0xffff  }
0x239: {  	v11 =	vld.idx.msk [tilespmem:v11+s24+$0x0], $0xffff;
	s0 =	simm.s32 $0x0  }
0x23a: {  	v14 =	vmov s0  }
0x23b: {  	v14 =	vand.u32 $0x7F, v14  }
0x23c: {  	v9 =	vadd.f32 v12, v9;
	v8 =	vmul.f32 v10, v8;
	v10 =	vbroadcast v14, $0x0;
	_ =	sdelay $0x1  }
0x23d: {  	s0 =	simm.s32 $0x1;
	v8 =	vadd.f32 v8, v9;
	v9 =	vmul.f32 v11, v13;
	v10 =	vor.u32 v5, v10  }
0x23e: {  	v11 =	vmov s0  }
0x23f: {  	v8 =	vadd.f32 v9, v8;
	v9 =	vand.u32 $0x7F, v11  }
0x240: {  	v9 =	vbroadcast v9, $0x0  }
0x241: {  	[tilespmem:$0x10540] =	vst v8  }
0x242: {  	v12 =	vld.idx.msk [tilespmem:v10+s23+$0x0], $0xffff;
	v13 =	vor.u32 v5, v9  }
0x243: {  	s0 =	simm.s32 $0x2;
	v14 =	vld.idx.msk [tilespmem:v10+s24+$0x0], $0xffff  }
0x244: {  	v8 =	vmov s0  }
0x245: {  	v8 =	vand.u32 $0x7F, v8  }
0x246: {  	v10 =	vbroadcast v8, $0x0  }
0x247: {  	v8 =	vld.idx.msk [tilespmem:v13+s23+$0x0], $0xffff  }
0x248: {  	s0 =	simm.s32 $0x3;
	v9 =	vimm.f32 $0.0e+00;
	v11 =	vor.u32 v5, v10;
	v10 =	vld.idx.msk [tilespmem:v13+s24+$0x0], $0xffff;
	v12 =	vmul.f32 v14, v12  }
.LBB2_44:
0x249: {  	p0 =	sne.s32 s0, $0x3F  }
.Ltmp21:
0x24a: {  	v13 =	vmov s0;
	v9 =	vadd.f32 v12, v9;
	(pc) =	sbr.rel @p0 .LBB2_44-.Ltmp21, $4  }
0x24b: {  	s0 =	sadd.s32 $0x1, s0;
	v14 =	vand.u32 $0x7F, v13  }
0x24c: {  	v13 =	vbroadcast v14, $0x0  }
0x24d: {  	v12 =	vmov v8;
	v8 =	vld.idx.msk [tilespmem:v11+s23+$0x0], $0xffff  }
0x24e: {  	v12 =	vmul.f32 v10, v12;
	v10 =	vld.idx.msk [tilespmem:v11+s24+$0x0], $0xffff;
	v11 =	vor.u32 v5, v13  }
0x24f: {  	_ =	sdelay $0x3  }
0x250: {  	v13 =	vld.idx.msk [tilespmem:v11+s23+$0x0], $0xffff  }
0x251: {  	v11 =	vld.idx.msk [tilespmem:v11+s24+$0x0], $0xffff;
	s0 =	simm.s32 $0x0  }
0x252: {  	v14 =	vmov s0  }
0x253: {  	v14 =	vand.u32 $0x7F, v14  }
0x254: {  	v9 =	vadd.f32 v12, v9;
	v8 =	vmul.f32 v10, v8;
	v10 =	vbroadcast v14, $0x0;
	_ =	sdelay $0x1  }
0x255: {  	s0 =	simm.s32 $0x1;
	v8 =	vadd.f32 v8, v9;
	v9 =	vmul.f32 v11, v13;
	v10 =	vor.u32 v6, v10  }
0x256: {  	v11 =	vmov s0  }
0x257: {  	v8 =	vadd.f32 v9, v8;
	v9 =	vand.u32 $0x7F, v11  }
0x258: {  	v9 =	vbroadcast v9, $0x0  }
0x259: {  	[tilespmem:$0x10550] =	vst v8  }
0x25a: {  	v12 =	vld.idx.msk [tilespmem:v10+s23+$0x0], $0xffff;
	v13 =	vor.u32 v6, v9  }
0x25b: {  	s0 =	simm.s32 $0x2;
	v14 =	vld.idx.msk [tilespmem:v10+s24+$0x0], $0xffff  }
0x25c: {  	v8 =	vmov s0  }
0x25d: {  	v8 =	vand.u32 $0x7F, v8  }
0x25e: {  	v10 =	vbroadcast v8, $0x0  }
0x25f: {  	v8 =	vld.idx.msk [tilespmem:v13+s23+$0x0], $0xffff  }
0x260: {  	s0 =	simm.s32 $0x3;
	v9 =	vimm.f32 $0.0e+00;
	v11 =	vor.u32 v6, v10;
	v10 =	vld.idx.msk [tilespmem:v13+s24+$0x0], $0xffff;
	v12 =	vmul.f32 v14, v12  }
.LBB2_46:
0x261: {  	p0 =	sne.s32 s0, $0x3F  }
.Ltmp22:
0x262: {  	v13 =	vmov s0;
	v9 =	vadd.f32 v12, v9;
	(pc) =	sbr.rel @p0 .LBB2_46-.Ltmp22, $4  }
0x263: {  	s0 =	sadd.s32 $0x1, s0;
	v14 =	vand.u32 $0x7F, v13  }
0x264: {  	v13 =	vbroadcast v14, $0x0  }
0x265: {  	v12 =	vmov v8;
	v8 =	vld.idx.msk [tilespmem:v11+s23+$0x0], $0xffff  }
0x266: {  	v12 =	vmul.f32 v10, v12;
	v10 =	vld.idx.msk [tilespmem:v11+s24+$0x0], $0xffff;
	v11 =	vor.u32 v6, v13  }
0x267: {  	_ =	sdelay $0x3  }
0x268: {  	v13 =	vld.idx.msk [tilespmem:v11+s23+$0x0], $0xffff  }
0x269: {  	v11 =	vld.idx.msk [tilespmem:v11+s24+$0x0], $0xffff;
	s0 =	simm.s32 $0x0  }
0x26a: {  	v14 =	vmov s0  }
0x26b: {  	v14 =	vand.u32 $0x7F, v14  }
0x26c: {  	v9 =	vadd.f32 v12, v9;
	v8 =	vmul.f32 v10, v8;
	v10 =	vbroadcast v14, $0x0;
	_ =	sdelay $0x1  }
0x26d: {  	s0 =	simm.s32 $0x1;
	v8 =	vadd.f32 v8, v9;
	v9 =	vmul.f32 v11, v13;
	v10 =	vor.u32 v7, v10  }
0x26e: {  	v11 =	vmov s0  }
0x26f: {  	v8 =	vadd.f32 v9, v8;
	v9 =	vand.u32 $0x7F, v11  }
0x270: {  	v9 =	vbroadcast v9, $0x0  }
0x271: {  	[tilespmem:$0x10560] =	vst v8  }
0x272: {  	v12 =	vld.idx.msk [tilespmem:v10+s23+$0x0], $0xffff;
	v13 =	vor.u32 v7, v9  }
0x273: {  	s0 =	simm.s32 $0x2;
	v14 =	vld.idx.msk [tilespmem:v10+s24+$0x0], $0xffff  }
0x274: {  	v8 =	vmov s0  }
0x275: {  	v8 =	vand.u32 $0x7F, v8  }
0x276: {  	v10 =	vbroadcast v8, $0x0  }
0x277: {  	v8 =	vld.idx.msk [tilespmem:v13+s23+$0x0], $0xffff  }
0x278: {  	s0 =	simm.s32 $0x3;
	v9 =	vimm.f32 $0.0e+00;
	v11 =	vor.u32 v7, v10;
	v10 =	vld.idx.msk [tilespmem:v13+s24+$0x0], $0xffff;
	v12 =	vmul.f32 v14, v12  }
.LBB2_48:
0x279: {  	p0 =	sne.s32 s0, $0x3F  }
.Ltmp23:
0x27a: {  	v13 =	vmov s0;
	v9 =	vadd.f32 v12, v9;
	(pc) =	sbr.rel @p0 .LBB2_48-.Ltmp23, $4  }
0x27b: {  	s0 =	sadd.s32 $0x1, s0;
	v14 =	vand.u32 $0x7F, v13  }
0x27c: {  	v13 =	vbroadcast v14, $0x0  }
0x27d: {  	v12 =	vmov v8;
	v8 =	vld.idx.msk [tilespmem:v11+s23+$0x0], $0xffff  }
0x27e: {  	v12 =	vmul.f32 v10, v12;
	v10 =	vld.idx.msk [tilespmem:v11+s24+$0x0], $0xffff;
	v11 =	vor.u32 v7, v13  }
0x27f: {  	_ =	sdelay $0x3  }
0x280: {  	v13 =	vld.idx.msk [tilespmem:v11+s23+$0x0], $0xffff  }
0x281: {  	v11 =	vld.idx.msk [tilespmem:v11+s24+$0x0], $0xffff;
	_ =	sdelay $0x2  }
0x282: {  	v9 =	vadd.f32 v12, v9;
	v8 =	vmul.f32 v10, v8;
	_ =	sdelay $0x1  }
0x283: {  	v8 =	vadd.f32 v8, v9;
	v9 =	vmul.f32 v11, v13  }
0x284: {  	s0 =	simm.s32 $0x0  }
0x285: {  	v8 =	vadd.f32 v9, v8;
	v9 =	vmov s0  }
0x286: {  	v9 =	vand.u32 $0x7F, v9  }
0x287: {  	[tilespmem:$0x10570] =	vst v8;
	v8 =	vbroadcast v9, $0x0  }
0x288: {  	_ =	swait.ge [sflag:s29], $0x4000  }
0x289: {  	s0 =	simm.s32 $0x1;
	[sflag:s29] =	ssyncset.done $0x0;
	v8 =	vor.u32 v0, v8  }
0x28a: {  	v9 =	vmov s0;
	[sflag:s29] =	ssyncadd.s32 $0xFFFFC000  }
0x28b: {  	v9 =	vand.u32 $0x7F, v9;
	_ =	swait.ge [sflag:s29], $0x4000  }
0x28c: {  	v9 =	vbroadcast v9, $0x0;
	[sflag:s29] =	ssyncset.done $0x0  }
0x28d: {  	[sflag:s29] =	ssyncadd.s32 $0xFFFFC000  }
0x28e: {  	v10 =	vor.u32 v0, v9;
	v12 =	vld.idx.msk [tilespmem:v8+s25+$0x0], $0xffff  }
0x28f: {  	s0 =	simm.s32 $0x2;
	v13 =	vld.idx.msk [tilespmem:v8+s26+$0x0], $0xffff  }
0x290: {  	v8 =	vmov s0  }
0x291: {  	v8 =	vand.u32 $0x7F, v8  }
0x292: {  	v11 =	vbroadcast v8, $0x0  }
0x293: {  	v8 =	vld.idx.msk [tilespmem:v10+s25+$0x0], $0xffff  }
0x294: {  	v9 =	vimm.f32 $0.0e+00;
	s0 =	simm.s32 $0x3;
	v10 =	vld.idx.msk [tilespmem:v10+s26+$0x0], $0xffff;
	v11 =	vor.u32 v0, v11;
	v12 =	vmul.f32 v13, v12  }
.LBB2_50:
0x295: {  	p0 =	sne.s32 s0, $0x3F  }
.Ltmp24:
0x296: {  	v13 =	vmov s0;
	v9 =	vadd.f32 v12, v9;
	(pc) =	sbr.rel @p0 .LBB2_50-.Ltmp24, $4  }
0x297: {  	s0 =	sadd.s32 $0x1, s0;
	v14 =	vand.u32 $0x7F, v13  }
0x298: {  	v13 =	vbroadcast v14, $0x0  }
0x299: {  	v12 =	vmov v8;
	v8 =	vld.idx.msk [tilespmem:v11+s25+$0x0], $0xffff  }
0x29a: {  	v12 =	vmul.f32 v10, v12;
	v10 =	vld.idx.msk [tilespmem:v11+s26+$0x0], $0xffff;
	v11 =	vor.u32 v0, v13  }
0x29b: {  	_ =	sdelay $0x3  }
0x29c: {  	v13 =	vld.idx.msk [tilespmem:v11+s25+$0x0], $0xffff  }
0x29d: {  	v11 =	vld.idx.msk [tilespmem:v11+s26+$0x0], $0xffff;
	s0 =	simm.s32 $0x0  }
0x29e: {  	v14 =	vmov s0  }
0x29f: {  	v14 =	vand.u32 $0x7F, v14  }
0x2a0: {  	v9 =	vadd.f32 v12, v9;
	v8 =	vmul.f32 v10, v8;
	v10 =	vbroadcast v14, $0x0;
	_ =	sdelay $0x1  }
0x2a1: {  	s0 =	simm.s32 $0x1;
	v8 =	vadd.f32 v8, v9;
	v9 =	vmul.f32 v11, v13;
	v10 =	vor.u32 v1, v10  }
0x2a2: {  	v11 =	vmov s0  }
0x2a3: {  	v8 =	vadd.f32 v9, v8;
	v9 =	vand.u32 $0x7F, v11  }
0x2a4: {  	v9 =	vbroadcast v9, $0x0  }
0x2a5: {  	[tilespmem:$0x10580] =	vst v8  }
0x2a6: {  	v12 =	vld.idx.msk [tilespmem:v10+s25+$0x0], $0xffff;
	v13 =	vor.u32 v1, v9  }
0x2a7: {  	s0 =	simm.s32 $0x2;
	v14 =	vld.idx.msk [tilespmem:v10+s26+$0x0], $0xffff  }
0x2a8: {  	v8 =	vmov s0  }
0x2a9: {  	v8 =	vand.u32 $0x7F, v8  }
0x2aa: {  	v10 =	vbroadcast v8, $0x0  }
0x2ab: {  	v8 =	vld.idx.msk [tilespmem:v13+s25+$0x0], $0xffff  }
0x2ac: {  	s0 =	simm.s32 $0x3;
	v9 =	vimm.f32 $0.0e+00;
	v11 =	vor.u32 v1, v10;
	v10 =	vld.idx.msk [tilespmem:v13+s26+$0x0], $0xffff;
	v12 =	vmul.f32 v14, v12  }
.LBB2_52:
0x2ad: {  	p0 =	sne.s32 s0, $0x3F  }
.Ltmp25:
0x2ae: {  	v13 =	vmov s0;
	v9 =	vadd.f32 v12, v9;
	(pc) =	sbr.rel @p0 .LBB2_52-.Ltmp25, $4  }
0x2af: {  	s0 =	sadd.s32 $0x1, s0;
	v14 =	vand.u32 $0x7F, v13  }
0x2b0: {  	v13 =	vbroadcast v14, $0x0  }
0x2b1: {  	v12 =	vmov v8;
	v8 =	vld.idx.msk [tilespmem:v11+s25+$0x0], $0xffff  }
0x2b2: {  	v12 =	vmul.f32 v10, v12;
	v10 =	vld.idx.msk [tilespmem:v11+s26+$0x0], $0xffff;
	v11 =	vor.u32 v1, v13  }
0x2b3: {  	_ =	sdelay $0x3  }
0x2b4: {  	v13 =	vld.idx.msk [tilespmem:v11+s25+$0x0], $0xffff  }
0x2b5: {  	v11 =	vld.idx.msk [tilespmem:v11+s26+$0x0], $0xffff;
	s0 =	simm.s32 $0x0  }
0x2b6: {  	v14 =	vmov s0  }
0x2b7: {  	v14 =	vand.u32 $0x7F, v14  }
0x2b8: {  	v9 =	vadd.f32 v12, v9;
	v8 =	vmul.f32 v10, v8;
	v10 =	vbroadcast v14, $0x0;
	_ =	sdelay $0x1  }
0x2b9: {  	s0 =	simm.s32 $0x1;
	v8 =	vadd.f32 v8, v9;
	v9 =	vmul.f32 v11, v13;
	v10 =	vor.u32 v2, v10  }
0x2ba: {  	v11 =	vmov s0  }
0x2bb: {  	v8 =	vadd.f32 v9, v8;
	v9 =	vand.u32 $0x7F, v11  }
0x2bc: {  	v9 =	vbroadcast v9, $0x0  }
0x2bd: {  	[tilespmem:$0x10590] =	vst v8  }
0x2be: {  	v12 =	vld.idx.msk [tilespmem:v10+s25+$0x0], $0xffff;
	v13 =	vor.u32 v2, v9  }
0x2bf: {  	s0 =	simm.s32 $0x2;
	v14 =	vld.idx.msk [tilespmem:v10+s26+$0x0], $0xffff  }
0x2c0: {  	v8 =	vmov s0  }
0x2c1: {  	v8 =	vand.u32 $0x7F, v8  }
0x2c2: {  	v10 =	vbroadcast v8, $0x0  }
0x2c3: {  	v8 =	vld.idx.msk [tilespmem:v13+s25+$0x0], $0xffff  }
0x2c4: {  	s0 =	simm.s32 $0x3;
	v9 =	vimm.f32 $0.0e+00;
	v11 =	vor.u32 v2, v10;
	v10 =	vld.idx.msk [tilespmem:v13+s26+$0x0], $0xffff;
	v12 =	vmul.f32 v14, v12  }
.LBB2_54:
0x2c5: {  	p0 =	sne.s32 s0, $0x3F  }
.Ltmp26:
0x2c6: {  	v13 =	vmov s0;
	v9 =	vadd.f32 v12, v9;
	(pc) =	sbr.rel @p0 .LBB2_54-.Ltmp26, $4  }
0x2c7: {  	s0 =	sadd.s32 $0x1, s0;
	v14 =	vand.u32 $0x7F, v13  }
0x2c8: {  	v13 =	vbroadcast v14, $0x0  }
0x2c9: {  	v12 =	vmov v8;
	v8 =	vld.idx.msk [tilespmem:v11+s25+$0x0], $0xffff  }
0x2ca: {  	v12 =	vmul.f32 v10, v12;
	v10 =	vld.idx.msk [tilespmem:v11+s26+$0x0], $0xffff;
	v11 =	vor.u32 v2, v13  }
0x2cb: {  	_ =	sdelay $0x3  }
0x2cc: {  	v13 =	vld.idx.msk [tilespmem:v11+s25+$0x0], $0xffff  }
0x2cd: {  	v11 =	vld.idx.msk [tilespmem:v11+s26+$0x0], $0xffff;
	s0 =	simm.s32 $0x0  }
0x2ce: {  	v14 =	vmov s0  }
0x2cf: {  	v14 =	vand.u32 $0x7F, v14  }
0x2d0: {  	v9 =	vadd.f32 v12, v9;
	v8 =	vmul.f32 v10, v8;
	v10 =	vbroadcast v14, $0x0;
	_ =	sdelay $0x1  }
0x2d1: {  	s0 =	simm.s32 $0x1;
	v8 =	vadd.f32 v8, v9;
	v9 =	vmul.f32 v11, v13;
	v10 =	vor.u32 v3, v10  }
0x2d2: {  	v11 =	vmov s0  }
0x2d3: {  	v8 =	vadd.f32 v9, v8;
	v9 =	vand.u32 $0x7F, v11  }
0x2d4: {  	v9 =	vbroadcast v9, $0x0  }
0x2d5: {  	[tilespmem:$0x105A0] =	vst v8  }
0x2d6: {  	v12 =	vld.idx.msk [tilespmem:v10+s25+$0x0], $0xffff;
	v13 =	vor.u32 v3, v9  }
0x2d7: {  	s0 =	simm.s32 $0x2;
	v14 =	vld.idx.msk [tilespmem:v10+s26+$0x0], $0xffff  }
0x2d8: {  	v8 =	vmov s0  }
0x2d9: {  	v8 =	vand.u32 $0x7F, v8  }
0x2da: {  	v10 =	vbroadcast v8, $0x0  }
0x2db: {  	v8 =	vld.idx.msk [tilespmem:v13+s25+$0x0], $0xffff  }
0x2dc: {  	s0 =	simm.s32 $0x3;
	v9 =	vimm.f32 $0.0e+00;
	v11 =	vor.u32 v3, v10;
	v10 =	vld.idx.msk [tilespmem:v13+s26+$0x0], $0xffff;
	v12 =	vmul.f32 v14, v12  }
.LBB2_56:
0x2dd: {  	p0 =	sne.s32 s0, $0x3F  }
.Ltmp27:
0x2de: {  	v13 =	vmov s0;
	v9 =	vadd.f32 v12, v9;
	(pc) =	sbr.rel @p0 .LBB2_56-.Ltmp27, $4  }
0x2df: {  	s0 =	sadd.s32 $0x1, s0;
	v14 =	vand.u32 $0x7F, v13  }
0x2e0: {  	v13 =	vbroadcast v14, $0x0  }
0x2e1: {  	v12 =	vmov v8;
	v8 =	vld.idx.msk [tilespmem:v11+s25+$0x0], $0xffff  }
0x2e2: {  	v12 =	vmul.f32 v10, v12;
	v10 =	vld.idx.msk [tilespmem:v11+s26+$0x0], $0xffff;
	v11 =	vor.u32 v3, v13  }
0x2e3: {  	_ =	sdelay $0x3  }
0x2e4: {  	v13 =	vld.idx.msk [tilespmem:v11+s25+$0x0], $0xffff  }
0x2e5: {  	v11 =	vld.idx.msk [tilespmem:v11+s26+$0x0], $0xffff;
	s0 =	simm.s32 $0x0  }
0x2e6: {  	v14 =	vmov s0  }
0x2e7: {  	v14 =	vand.u32 $0x7F, v14  }
0x2e8: {  	v9 =	vadd.f32 v12, v9;
	v8 =	vmul.f32 v10, v8;
	v10 =	vbroadcast v14, $0x0;
	_ =	sdelay $0x1  }
0x2e9: {  	s0 =	simm.s32 $0x1;
	v8 =	vadd.f32 v8, v9;
	v9 =	vmul.f32 v11, v13;
	v10 =	vor.u32 v4, v10  }
0x2ea: {  	v11 =	vmov s0  }
0x2eb: {  	v8 =	vadd.f32 v9, v8;
	v9 =	vand.u32 $0x7F, v11  }
0x2ec: {  	v9 =	vbroadcast v9, $0x0  }
0x2ed: {  	[tilespmem:$0x105B0] =	vst v8  }
0x2ee: {  	v12 =	vld.idx.msk [tilespmem:v10+s25+$0x0], $0xffff;
	v13 =	vor.u32 v4, v9  }
0x2ef: {  	s0 =	simm.s32 $0x2;
	v14 =	vld.idx.msk [tilespmem:v10+s26+$0x0], $0xffff  }
0x2f0: {  	v8 =	vmov s0  }
0x2f1: {  	v8 =	vand.u32 $0x7F, v8  }
0x2f2: {  	v10 =	vbroadcast v8, $0x0  }
0x2f3: {  	v8 =	vld.idx.msk [tilespmem:v13+s25+$0x0], $0xffff  }
0x2f4: {  	s0 =	simm.s32 $0x3;
	v9 =	vimm.f32 $0.0e+00;
	v11 =	vor.u32 v4, v10;
	v10 =	vld.idx.msk [tilespmem:v13+s26+$0x0], $0xffff;
	v12 =	vmul.f32 v14, v12  }
.LBB2_58:
0x2f5: {  	p0 =	sne.s32 s0, $0x3F  }
.Ltmp28:
0x2f6: {  	v13 =	vmov s0;
	v9 =	vadd.f32 v12, v9;
	(pc) =	sbr.rel @p0 .LBB2_58-.Ltmp28, $4  }
0x2f7: {  	s0 =	sadd.s32 $0x1, s0;
	v14 =	vand.u32 $0x7F, v13  }
0x2f8: {  	v13 =	vbroadcast v14, $0x0  }
0x2f9: {  	v12 =	vmov v8;
	v8 =	vld.idx.msk [tilespmem:v11+s25+$0x0], $0xffff  }
0x2fa: {  	v12 =	vmul.f32 v10, v12;
	v10 =	vld.idx.msk [tilespmem:v11+s26+$0x0], $0xffff;
	v11 =	vor.u32 v4, v13  }
0x2fb: {  	_ =	sdelay $0x3  }
0x2fc: {  	v13 =	vld.idx.msk [tilespmem:v11+s25+$0x0], $0xffff  }
0x2fd: {  	v11 =	vld.idx.msk [tilespmem:v11+s26+$0x0], $0xffff;
	s0 =	simm.s32 $0x0  }
0x2fe: {  	v14 =	vmov s0  }
0x2ff: {  	v14 =	vand.u32 $0x7F, v14  }
0x300: {  	v9 =	vadd.f32 v12, v9;
	v8 =	vmul.f32 v10, v8;
	v10 =	vbroadcast v14, $0x0;
	_ =	sdelay $0x1  }
0x301: {  	s0 =	simm.s32 $0x1;
	v8 =	vadd.f32 v8, v9;
	v9 =	vmul.f32 v11, v13;
	v10 =	vor.u32 v5, v10  }
0x302: {  	v11 =	vmov s0  }
0x303: {  	v8 =	vadd.f32 v9, v8;
	v9 =	vand.u32 $0x7F, v11  }
0x304: {  	v9 =	vbroadcast v9, $0x0  }
0x305: {  	[tilespmem:$0x105C0] =	vst v8  }
0x306: {  	v12 =	vld.idx.msk [tilespmem:v10+s25+$0x0], $0xffff;
	v13 =	vor.u32 v5, v9  }
0x307: {  	s0 =	simm.s32 $0x2;
	v14 =	vld.idx.msk [tilespmem:v10+s26+$0x0], $0xffff  }
0x308: {  	v8 =	vmov s0  }
0x309: {  	v8 =	vand.u32 $0x7F, v8  }
0x30a: {  	v10 =	vbroadcast v8, $0x0  }
0x30b: {  	v8 =	vld.idx.msk [tilespmem:v13+s25+$0x0], $0xffff  }
0x30c: {  	s0 =	simm.s32 $0x3;
	v9 =	vimm.f32 $0.0e+00;
	v11 =	vor.u32 v5, v10;
	v10 =	vld.idx.msk [tilespmem:v13+s26+$0x0], $0xffff;
	v12 =	vmul.f32 v14, v12  }
.LBB2_60:
0x30d: {  	p0 =	sne.s32 s0, $0x3F  }
.Ltmp29:
0x30e: {  	v13 =	vmov s0;
	v9 =	vadd.f32 v12, v9;
	(pc) =	sbr.rel @p0 .LBB2_60-.Ltmp29, $4  }
0x30f: {  	s0 =	sadd.s32 $0x1, s0;
	v14 =	vand.u32 $0x7F, v13  }
0x310: {  	v13 =	vbroadcast v14, $0x0  }
0x311: {  	v12 =	vmov v8;
	v8 =	vld.idx.msk [tilespmem:v11+s25+$0x0], $0xffff  }
0x312: {  	v12 =	vmul.f32 v10, v12;
	v10 =	vld.idx.msk [tilespmem:v11+s26+$0x0], $0xffff;
	v11 =	vor.u32 v5, v13  }
0x313: {  	_ =	sdelay $0x3  }
0x314: {  	v13 =	vld.idx.msk [tilespmem:v11+s25+$0x0], $0xffff  }
0x315: {  	v11 =	vld.idx.msk [tilespmem:v11+s26+$0x0], $0xffff;
	s0 =	simm.s32 $0x0  }
0x316: {  	v14 =	vmov s0  }
0x317: {  	v14 =	vand.u32 $0x7F, v14  }
0x318: {  	v9 =	vadd.f32 v12, v9;
	v8 =	vmul.f32 v10, v8;
	v10 =	vbroadcast v14, $0x0;
	_ =	sdelay $0x1  }
0x319: {  	s0 =	simm.s32 $0x1;
	v8 =	vadd.f32 v8, v9;
	v9 =	vmul.f32 v11, v13;
	v10 =	vor.u32 v6, v10  }
0x31a: {  	v11 =	vmov s0  }
0x31b: {  	v8 =	vadd.f32 v9, v8;
	v9 =	vand.u32 $0x7F, v11  }
0x31c: {  	v9 =	vbroadcast v9, $0x0  }
0x31d: {  	[tilespmem:$0x105D0] =	vst v8  }
0x31e: {  	v12 =	vld.idx.msk [tilespmem:v10+s25+$0x0], $0xffff;
	v13 =	vor.u32 v6, v9  }
0x31f: {  	s0 =	simm.s32 $0x2;
	v14 =	vld.idx.msk [tilespmem:v10+s26+$0x0], $0xffff  }
0x320: {  	v8 =	vmov s0  }
0x321: {  	v8 =	vand.u32 $0x7F, v8  }
0x322: {  	v10 =	vbroadcast v8, $0x0  }
0x323: {  	v8 =	vld.idx.msk [tilespmem:v13+s25+$0x0], $0xffff  }
0x324: {  	s0 =	simm.s32 $0x3;
	v9 =	vimm.f32 $0.0e+00;
	v11 =	vor.u32 v6, v10;
	v10 =	vld.idx.msk [tilespmem:v13+s26+$0x0], $0xffff;
	v12 =	vmul.f32 v14, v12  }
.LBB2_62:
0x325: {  	p0 =	sne.s32 s0, $0x3F  }
.Ltmp30:
0x326: {  	v13 =	vmov s0;
	v9 =	vadd.f32 v12, v9;
	(pc) =	sbr.rel @p0 .LBB2_62-.Ltmp30, $4  }
0x327: {  	s0 =	sadd.s32 $0x1, s0;
	v14 =	vand.u32 $0x7F, v13  }
0x328: {  	v13 =	vbroadcast v14, $0x0  }
0x329: {  	v12 =	vmov v8;
	v8 =	vld.idx.msk [tilespmem:v11+s25+$0x0], $0xffff  }
0x32a: {  	v12 =	vmul.f32 v10, v12;
	v10 =	vld.idx.msk [tilespmem:v11+s26+$0x0], $0xffff;
	v11 =	vor.u32 v6, v13  }
0x32b: {  	_ =	sdelay $0x3  }
0x32c: {  	v13 =	vld.idx.msk [tilespmem:v11+s25+$0x0], $0xffff  }
0x32d: {  	v11 =	vld.idx.msk [tilespmem:v11+s26+$0x0], $0xffff;
	s0 =	simm.s32 $0x0  }
0x32e: {  	v14 =	vmov s0  }
0x32f: {  	v14 =	vand.u32 $0x7F, v14  }
0x330: {  	v9 =	vadd.f32 v12, v9;
	v8 =	vmul.f32 v10, v8;
	v10 =	vbroadcast v14, $0x0;
	_ =	sdelay $0x1  }
0x331: {  	s0 =	simm.s32 $0x1;
	v8 =	vadd.f32 v8, v9;
	v9 =	vmul.f32 v11, v13;
	v10 =	vor.u32 v7, v10  }
0x332: {  	v11 =	vmov s0  }
0x333: {  	v8 =	vadd.f32 v9, v8;
	v9 =	vand.u32 $0x7F, v11  }
0x334: {  	v9 =	vbroadcast v9, $0x0  }
0x335: {  	[tilespmem:$0x105E0] =	vst v8  }
0x336: {  	v12 =	vld.idx.msk [tilespmem:v10+s25+$0x0], $0xffff;
	v13 =	vor.u32 v7, v9  }
0x337: {  	s0 =	simm.s32 $0x2;
	v14 =	vld.idx.msk [tilespmem:v10+s26+$0x0], $0xffff  }
0x338: {  	v8 =	vmov s0  }
0x339: {  	v8 =	vand.u32 $0x7F, v8  }
0x33a: {  	v10 =	vbroadcast v8, $0x0  }
0x33b: {  	v8 =	vld.idx.msk [tilespmem:v13+s25+$0x0], $0xffff  }
0x33c: {  	s0 =	simm.s32 $0x3;
	v9 =	vimm.f32 $0.0e+00;
	v11 =	vor.u32 v7, v10;
	v10 =	vld.idx.msk [tilespmem:v13+s26+$0x0], $0xffff;
	v12 =	vmul.f32 v14, v12  }
.LBB2_64:
0x33d: {  	p0 =	sne.s32 s0, $0x3F  }
.Ltmp31:
0x33e: {  	v13 =	vmov s0;
	v9 =	vadd.f32 v12, v9;
	(pc) =	sbr.rel @p0 .LBB2_64-.Ltmp31, $4  }
0x33f: {  	s0 =	sadd.s32 $0x1, s0;
	v14 =	vand.u32 $0x7F, v13  }
0x340: {  	v13 =	vbroadcast v14, $0x0  }
0x341: {  	v12 =	vmov v8;
	v8 =	vld.idx.msk [tilespmem:v11+s25+$0x0], $0xffff  }
0x342: {  	v12 =	vmul.f32 v10, v12;
	v10 =	vld.idx.msk [tilespmem:v11+s26+$0x0], $0xffff;
	v11 =	vor.u32 v7, v13  }
0x343: {  	_ =	sdelay $0x3  }
0x344: {  	v13 =	vld.idx.msk [tilespmem:v11+s25+$0x0], $0xffff  }
0x345: {  	v62 =	vld.idx.msk [tilespmem:v11+s26+$0x0], $0xffff;
	_ =	sdelay $0x2  }
0x346: {  	v9 =	vadd.f32 v12, v9;
	v8 =	vmul.f32 v10, v8;
	_ =	sdelay $0x1  }
0x347: {  	v63 =	vmul.f32 v62, v13;
	v8 =	vadd.f32 v8, v9;
	_ =	sdelay $0x1  }
0x348: {  	s31 =	sadd.s32 $0x1, s31;
	v8 =	vadd.f32 v63, v8  }
0x349: {  	p0 =	sne.s32 s31, s14  }
.Ltmp32:
0x34a: {  	[tilespmem:$0x105F0] =	vst v8;
	(pc) =	sbr.rel @p0 .LBB2_1-.Ltmp32, $4  }
0x34b: {  	[hbm4b:s13+s1] =	stream.linear.scatter [tilespmem:s30], [sflag:$0x3], $0x200, $0x38;
	[tilespmem:$0x10600] =	vst v63  }
0x34c: {  	_ =	swait.ge [sflag:s15], $0x200  }
0x34d: {  	[sflag:s15] =	ssyncset.done $0x0  }
0x34e: {  	[sflag:s15] =	ssyncadd.s32 $0xFFFFFE00  }
0x34f: {  	_ =	sfence.sel $0x180000  }
0x350: {  	[bflag:$0x0] =	sbarrier.arrive $0xFFFF  }
0x351: {  	_ =	strace $0x90000047  }
0x352: {  	[bflag:$0x2] =	sbarrier.arrive $0xFFFF  }
0x353: {  	p0 =	sne.s32 s2, $0x0;
	s0 =	rddreg [dreg:$0x4]  }
0x354: {  	s0 =	sadd.s32 @!p0 $0x100000, s0  }
0x355: {  	[sflag:s0] =	ssyncadd.tile.s32 @!p0 $0x1;
	_ =	shalt  }
.Lfunc_end2:
_tile_overlayer_lowered:
.L_overlay_start_2:
0x356: {  	(tag) =	ssettag $0x2  }
0x357: {  	s0 =	rddreg [dreg:$0x0];
	s2 =	stileid.u32  }
0x358: {  	s1 =	rddreg [dreg:$0x1];
	p0 =	sne.s32 s2, $0x0  }
0x359: {  	s3 =	rddreg [dreg:$0x2];
	[bflag:$0x3] =	sbarrier.arrive $0xFFFF;
	s2 =	simm.s32 @!p0 $0x1C03  }
0x35a: {  	[timem:s3], [sflag:s2] =	dma.local @!p0 [hbm:s0], s1  }
0x35b: {  	s0 =	simm.s32 @!p0 $0x3  }
0x35c: {  	_ =	swait.ge @!p0 [sflag:s0], s1  }
0x35d: {  	s1 =	ssub.s32 @!p0 $0x0, s1;
	[sflag:s0] =	ssyncset.done @!p0 $0x0  }
0x35e: {  	[sflag:s0] =	ssyncadd.s32 @!p0 s1  }
0x35f: {  	[bflag:$0x3] =	sbarrier.arrive $0xFFFF  }
0x360: {  	_ =	shalt  }

</sc_bundles>
